<compile_context>
chip_gen: v7x
topology: tpu7x:2x2x1
jax: 0.10.2.dev20260603
libtpu: 0.0.44.dev20260713+nightly
codegen_flags: <defaults>
</compile_context>

<pallas_src>
import functools

import jax
import jax.numpy as jnp
from jax import lax
from jax.experimental import pallas as pl
from jax.experimental.pallas import tpu as pltpu
from jax.experimental.pallas import tpu_sc as plsc

_K = 64
_N = 32768
_D = 1024
_NC = 2
_NS = 16
_NW = _NC * _NS
_RPW = _N // _NW
_C = 8
_NBUF = 8
_NCHUNK = _RPW // _C
_NGRP = _NCHUNK // _NBUF

_mesh = plsc.VectorSubcoreMesh(core_axis_name="c", subcore_axis_name="s")


@functools.partial(
    pl.kernel,
    out_type=jax.ShapeDtypeStruct((_N, _D), jnp.float32),
    mesh=_mesh,
    scratch_types=[
        pltpu.VMEM((_RPW,), jnp.int32),
        [pltpu.VMEM((_C, _D), jnp.float32) for _ in range(_NBUF)],
        [pltpu.SemaphoreType.DMA for _ in range(_NBUF)],
        [pltpu.SemaphoreType.DMA for _ in range(_NBUF)],
    ],
)
def _sc_select(x_hbm, y_hbm, out_hbm, lab_v, rows, gsem, ssem):
    wid = lax.axis_index("s") * _NC + lax.axis_index("c")
    base = wid * _RPW

    for b in range(_NBUF):
        pltpu.async_copy(
            y_hbm.at[pl.ds(base + b * _C, _C)], rows[b], gsem[b]
        )

    pltpu.sync_copy(x_hbm.at[pl.ds(base, _RPW)], lab_v)

    def group(go, carry):
        for b in range(_NBUF):
            g = go * _NBUF + b
            row0 = base + g * _C

            pltpu.make_async_copy(
                y_hbm.at[pl.ds(row0, _C)], rows[b], gsem[b]
            ).wait()
            pltpu.async_copy(
                rows[b], out_hbm.at[pl.ds(row0, _C)], ssem[b]
            )

            @pl.when(go < _NGRP - 1)
            def _prefetch():
                pltpu.make_async_copy(
                    rows[b], out_hbm.at[pl.ds(row0, _C)], ssem[b]
                ).wait()
                pltpu.async_copy(
                    y_hbm.at[pl.ds(row0 + _NBUF * _C, _C)],
                    rows[b],
                    gsem[b],
                )

        return carry

    lax.fori_loop(0, _NGRP, group, 0)

    def scan16(i, acc):
        lv = lab_v[pl.ds(i * 16, 16)]
        ok = jnp.where((lv >= 0) & (lv < _K), 1, 0)
        return acc & ok

    all_ok16 = lax.fori_loop(
        0, _RPW // 16, scan16, jnp.ones((16,), jnp.int32)
    )
    ok_s = all_ok16[0]
    for l in range(1, 16):
        ok_s = ok_s & all_ok16[l]
    all_ok = ok_s == 1

    for b in range(_NBUF):
        g = _NCHUNK - _NBUF + b
        pltpu.make_async_copy(
            rows[b], out_hbm.at[pl.ds(base + g * _C, _C)], ssem[b]
        ).wait()

    @pl.when(jnp.logical_not(all_ok))
    def _fixup():
        def zinit(j, cc):
            rows[0][0, pl.ds(j * 16, 16)] = jnp.zeros((16,), jnp.float32)
            return cc

        lax.fori_loop(0, _D // 16, zinit, 0)

        def fix16(h, cc):
            lv = lab_v[pl.ds(h * 16, 16)]
            for l in range(16):
                lab = lv[l]
                bad = (lab < 0) | (lab >= _K)

                @pl.when(bad)
                def _zero_row(l=l):
                    pltpu.sync_copy(
                        rows[0].at[pl.ds(0, 1)],
                        out_hbm.at[pl.ds(base + h * 16 + l, 1)],
                    )

            return cc

        lax.fori_loop(0, _RPW // 16, fix16, 0)


def kernel(x, y):
    xi = x.astype(jnp.int32)
    return _sc_select(xi, y)

# --- scband reference (transcript-rebuilt; emitter-appended) ---
"""Pipeline reference for scband-discrete-selector-transform-214748365028 (READ-ONLY COPY).

The authoritative reference and input builder live on the scoring server;
editing this copy changes nothing except your own understanding.
"""

import jax, jax.numpy as jnp
import numpy as np

K = 64
N_TOKENS = 32768
D_MODEL = 1024

def setup_inputs(seed: int = 0) -> dict:
    key = jax.random.key(seed)
    k1, k2 = jax.random.split(key)
    x = jax.random.randint(k1, (N_TOKENS,), 0, K).astype(jnp.int64)
    y = jax.random.normal(k2, (N_TOKENS, D_MODEL), dtype=jnp.float32)
    return {"x": x, "y": y}

def reference(x, y):
    # DiscreteSelectorTransform with K IdentityTransform flows.
    # SelectedBijector.forward: for each expert k, gather rows with label k,
    # apply flows[k].forward (identity), and scatter results back into u_out.
    x_flat = x.reshape(-1)
    u_out = jnp.zeros_like(y)
    for k in range(K):
        mask = (x_flat == k)
        # identity flow: u_k = y_k; scatter back via masked select
        u_out = jnp.where(mask[:, None], y, u_out)
    return u_out

if __name__ == "__main__":
    import jax
    _d = setup_inputs()
    print(jax.jit(kernel)(*tuple(_d.values())))

</pallas_src>

<mosaic_0001>
#map = affine_map<(d0, d1) -> (0)>
#map1 = affine_map<(d0, d1) -> (0, 0)>
module attributes {stable_mosaic.version = 14 : i64} {
  func.func @_sc_select(%arg0: i32, %arg1: i32, %arg2: memref<32768xi32, #tpu.memory_space<hbm>>, %arg3: memref<32768x1024xf32, #tpu.memory_space<hbm>>, %arg4: memref<32768x1024xf32, #tpu.memory_space<hbm>>, %arg5: memref<1024xi32, #tpu.memory_space<vmem>>, %arg6: memref<8x1024xf32, #tpu.memory_space<vmem>>, %arg7: memref<8x1024xf32, #tpu.memory_space<vmem>>, %arg8: memref<8x1024xf32, #tpu.memory_space<vmem>>, %arg9: memref<8x1024xf32, #tpu.memory_space<vmem>>, %arg10: memref<8x1024xf32, #tpu.memory_space<vmem>>, %arg11: memref<8x1024xf32, #tpu.memory_space<vmem>>, %arg12: memref<8x1024xf32, #tpu.memory_space<vmem>>, %arg13: memref<8x1024xf32, #tpu.memory_space<vmem>>, %arg14: memref<!tpu.dma_semaphore, #tpu.memory_space<semaphore_mem>>, %arg15: memref<!tpu.dma_semaphore, #tpu.memory_space<semaphore_mem>>, %arg16: memref<!tpu.dma_semaphore, #tpu.memory_space<semaphore_mem>>, %arg17: memref<!tpu.dma_semaphore, #tpu.memory_space<semaphore_mem>>, %arg18: memref<!tpu.dma_semaphore, #tpu.memory_space<semaphore_mem>>, %arg19: memref<!tpu.dma_semaphore, #tpu.memory_space<semaphore_mem>>, %arg20: memref<!tpu.dma_semaphore, #tpu.memory_space<semaphore_mem>>, %arg21: memref<!tpu.dma_semaphore, #tpu.memory_space<semaphore_mem>>, %arg22: memref<!tpu.dma_semaphore, #tpu.memory_space<semaphore_mem>>, %arg23: memref<!tpu.dma_semaphore, #tpu.memory_space<semaphore_mem>>, %arg24: memref<!tpu.dma_semaphore, #tpu.memory_space<semaphore_mem>>, %arg25: memref<!tpu.dma_semaphore, #tpu.memory_space<semaphore_mem>>, %arg26: memref<!tpu.dma_semaphore, #tpu.memory_space<semaphore_mem>>, %arg27: memref<!tpu.dma_semaphore, #tpu.memory_space<semaphore_mem>>, %arg28: memref<!tpu.dma_semaphore, #tpu.memory_space<semaphore_mem>>, %arg29: memref<!tpu.dma_semaphore, #tpu.memory_space<semaphore_mem>>) attributes {dimension_semantics = [#tpu.dimension_semantics<core_parallel>, #tpu.dimension_semantics<subcore_parallel>], iteration_bounds = array<i64: 2, 16>, scalar_prefetch = 0 : i64, scratch_operands = 25 : i64, tpu.core_type = #tpu.core_type<sc_vector_subcore>, window_params = [{transform_indices = #map}, {transform_indices = #map1}, {transform_indices = #map1}]} {
    %mul3A = arith.constant 2 : i32
    %mul3A_0 = arith.muli %arg1, %mul3A : i32
    %add3A = arith.addi %mul3A_0, %arg0 : i32
    %mul3A_1 = arith.constant 1024 : i32
    %mul3A_2 = arith.muli %add3A, %mul3A_1 : i32
    %add3A_3 = arith.constant 0 : i32
    %add3A_4 = arith.addi %mul3A_2, %add3A_3 : i32
    %dma_start3A = arith.constant 0 : i32
    %dma_start3A_5 = tpu.memref_slice %arg3[%add3A_4, %dma_start3A] : memref<32768x1024xf32, #tpu.memory_space<hbm>> -> memref<8x1024xf32, #tpu.memory_space<hbm>>
    %dma_start3A_6 = arith.constant 0 : i32
    %dma_start3A_7 = tpu.memref_slice %arg3[%add3A_4, %dma_start3A_6] : memref<32768x1024xf32, #tpu.memory_space<hbm>> -> memref<8x1024xf32, #tpu.memory_space<hbm>>
    tpu.enqueue_dma source(%dma_start3A_7 : memref<8x1024xf32, #tpu.memory_space<hbm>>) target(%arg6 : memref<8x1024xf32, #tpu.memory_space<vmem>>) target_semaphore(%arg14 : memref<!tpu.dma_semaphore, #tpu.memory_space<semaphore_mem>>)
    %add3A_8 = arith.constant 8 : i32
    %add3A_9 = arith.addi %mul3A_2, %add3A_8 : i32
    %dma_start3A_10 = arith.constant 0 : i32
    %dma_start3A_11 = tpu.memref_slice %arg3[%add3A_9, %dma_start3A_10] : memref<32768x1024xf32, #tpu.memory_space<hbm>> -> memref<8x1024xf32, #tpu.memory_space<hbm>>
    %dma_start3A_12 = arith.constant 0 : i32
    %dma_start3A_13 = tpu.memref_slice %arg3[%add3A_9, %dma_start3A_12] : memref<32768x1024xf32, #tpu.memory_space<hbm>> -> memref<8x1024xf32, #tpu.memory_space<hbm>>
    tpu.enqueue_dma source(%dma_start3A_13 : memref<8x1024xf32, #tpu.memory_space<hbm>>) target(%arg7 : memref<8x1024xf32, #tpu.memory_space<vmem>>) target_semaphore(%arg15 : memref<!tpu.dma_semaphore, #tpu.memory_space<semaphore_mem>>)
    %add3A_14 = arith.constant 16 : i32
    %add3A_15 = arith.addi %mul3A_2, %add3A_14 : i32
    %dma_start3A_16 = arith.constant 0 : i32
    %dma_start3A_17 = tpu.memref_slice %arg3[%add3A_15, %dma_start3A_16] : memref<32768x1024xf32, #tpu.memory_space<hbm>> -> memref<8x1024xf32, #tpu.memory_space<hbm>>
    %dma_start3A_18 = arith.constant 0 : i32
    %dma_start3A_19 = tpu.memref_slice %arg3[%add3A_15, %dma_start3A_18] : memref<32768x1024xf32, #tpu.memory_space<hbm>> -> memref<8x1024xf32, #tpu.memory_space<hbm>>
    tpu.enqueue_dma source(%dma_start3A_19 : memref<8x1024xf32, #tpu.memory_space<hbm>>) target(%arg8 : memref<8x1024xf32, #tpu.memory_space<vmem>>) target_semaphore(%arg16 : memref<!tpu.dma_semaphore, #tpu.memory_space<semaphore_mem>>)
    %add3A_20 = arith.constant 24 : i32
    %add3A_21 = arith.addi %mul3A_2, %add3A_20 : i32
    %dma_start3A_22 = arith.constant 0 : i32
    %dma_start3A_23 = tpu.memref_slice %arg3[%add3A_21, %dma_start3A_22] : memref<32768x1024xf32, #tpu.memory_space<hbm>> -> memref<8x1024xf32, #tpu.memory_space<hbm>>
    %dma_start3A_24 = arith.constant 0 : i32
    %dma_start3A_25 = tpu.memref_slice %arg3[%add3A_21, %dma_start3A_24] : memref<32768x1024xf32, #tpu.memory_space<hbm>> -> memref<8x1024xf32, #tpu.memory_space<hbm>>
    tpu.enqueue_dma source(%dma_start3A_25 : memref<8x1024xf32, #tpu.memory_space<hbm>>) target(%arg9 : memref<8x1024xf32, #tpu.memory_space<vmem>>) target_semaphore(%arg17 : memref<!tpu.dma_semaphore, #tpu.memory_space<semaphore_mem>>)
    %add3A_26 = arith.constant 32 : i32
    %add3A_27 = arith.addi %mul3A_2, %add3A_26 : i32
    %dma_start3A_28 = arith.constant 0 : i32
    %dma_start3A_29 = tpu.memref_slice %arg3[%add3A_27, %dma_start3A_28] : memref<32768x1024xf32, #tpu.memory_space<hbm>> -> memref<8x1024xf32, #tpu.memory_space<hbm>>
    %dma_start3A_30 = arith.constant 0 : i32
    %dma_start3A_31 = tpu.memref_slice %arg3[%add3A_27, %dma_start3A_30] : memref<32768x1024xf32, #tpu.memory_space<hbm>> -> memref<8x1024xf32, #tpu.memory_space<hbm>>
    tpu.enqueue_dma source(%dma_start3A_31 : memref<8x1024xf32, #tpu.memory_space<hbm>>) target(%arg10 : memref<8x1024xf32, #tpu.memory_space<vmem>>) target_semaphore(%arg18 : memref<!tpu.dma_semaphore, #tpu.memory_space<semaphore_mem>>)
    %add3A_32 = arith.constant 40 : i32
    %add3A_33 = arith.addi %mul3A_2, %add3A_32 : i32
    %dma_start3A_34 = arith.constant 0 : i32
    %dma_start3A_35 = tpu.memref_slice %arg3[%add3A_33, %dma_start3A_34] : memref<32768x1024xf32, #tpu.memory_space<hbm>> -> memref<8x1024xf32, #tpu.memory_space<hbm>>
    %dma_start3A_36 = arith.constant 0 : i32
    %dma_start3A_37 = tpu.memref_slice %arg3[%add3A_33, %dma_start3A_36] : memref<32768x1024xf32, #tpu.memory_space<hbm>> -> memref<8x1024xf32, #tpu.memory_space<hbm>>
    tpu.enqueue_dma source(%dma_start3A_37 : memref<8x1024xf32, #tpu.memory_space<hbm>>) target(%arg11 : memref<8x1024xf32, #tpu.memory_space<vmem>>) target_semaphore(%arg19 : memref<!tpu.dma_semaphore, #tpu.memory_space<semaphore_mem>>)
    %add3A_38 = arith.constant 48 : i32
    %add3A_39 = arith.addi %mul3A_2, %add3A_38 : i32
    %dma_start3A_40 = arith.constant 0 : i32
    %dma_start3A_41 = tpu.memref_slice %arg3[%add3A_39, %dma_start3A_40] : memref<32768x1024xf32, #tpu.memory_space<hbm>> -> memref<8x1024xf32, #tpu.memory_space<hbm>>
    %dma_start3A_42 = arith.constant 0 : i32
    %dma_start3A_43 = tpu.memref_slice %arg3[%add3A_39, %dma_start3A_42] : memref<32768x1024xf32, #tpu.memory_space<hbm>> -> memref<8x1024xf32, #tpu.memory_space<hbm>>
    tpu.enqueue_dma source(%dma_start3A_43 : memref<8x1024xf32, #tpu.memory_space<hbm>>) target(%arg12 : memref<8x1024xf32, #tpu.memory_space<vmem>>) target_semaphore(%arg20 : memref<!tpu.dma_semaphore, #tpu.memory_space<semaphore_mem>>)
    %add3A_44 = arith.constant 56 : i32
    %add3A_45 = arith.addi %mul3A_2, %add3A_44 : i32
    %dma_start3A_46 = arith.constant 0 : i32
    %dma_start3A_47 = tpu.memref_slice %arg3[%add3A_45, %dma_start3A_46] : memref<32768x1024xf32, #tpu.memory_space<hbm>> -> memref<8x1024xf32, #tpu.memory_space<hbm>>
    %dma_start3A_48 = arith.constant 0 : i32
    %dma_start3A_49 = tpu.memref_slice %arg3[%add3A_45, %dma_start3A_48] : memref<32768x1024xf32, #tpu.memory_space<hbm>> -> memref<8x1024xf32, #tpu.memory_space<hbm>>
    tpu.enqueue_dma source(%dma_start3A_49 : memref<8x1024xf32, #tpu.memory_space<hbm>>) target(%arg13 : memref<8x1024xf32, #tpu.memory_space<vmem>>) target_semaphore(%arg21 : memref<!tpu.dma_semaphore, #tpu.memory_space<semaphore_mem>>)
    "tpu.region"() ({
      %run_scoped3A = tpu.sem_alloc : memref<!tpu.dma_semaphore, #tpu.memory_space<semaphore_mem>>
      %dma_start3A_156 = tpu.memref_slice %arg2[%mul3A_2] : memref<32768xi32, #tpu.memory_space<hbm>> -> memref<1024xi32, #tpu.memory_space<hbm>>
      %dma_start3A_157 = tpu.memref_slice %arg2[%mul3A_2] : memref<32768xi32, #tpu.memory_space<hbm>> -> memref<1024xi32, #tpu.memory_space<hbm>>
      tpu.enqueue_dma source(%dma_start3A_157 : memref<1024xi32, #tpu.memory_space<hbm>>) target(%arg5 : memref<1024xi32, #tpu.memory_space<vmem>>) target_semaphore(%run_scoped3A : memref<!tpu.dma_semaphore, #tpu.memory_space<semaphore_mem>>)
      %dma_wait3A_158 = tpu.memref_slice %arg2[%mul3A_2] : memref<32768xi32, #tpu.memory_space<hbm>> -> memref<1024xi32, #tpu.memory_space<hbm>>
      %dma_wait3A_159 = tpu.memref_slice %arg2[%mul3A_2] : memref<32768xi32, #tpu.memory_space<hbm>> -> memref<1024xi32, #tpu.memory_space<hbm>>
      tpu.wait_dma2 semaphore(%run_scoped3A : memref<!tpu.dma_semaphore, #tpu.memory_space<semaphore_mem>>) src(%dma_wait3A_159 : memref<1024xi32, #tpu.memory_space<hbm>>) dst(%arg5 : memref<1024xi32, #tpu.memory_space<vmem>>)
      tpu.yield
    }) : () -> ()
    %scan3A = arith.constant 0 : i32
    %scan3A_50 = arith.constant 0 : i32
    %scan3A_51 = arith.constant 16 : i32
    %scan3A_52 = arith.addi %scan3A_50, %scan3A_51 : i32
    %scan3A_53 = arith.constant 1 : i32
    scf.for %scan3A_156 = %scan3A_50 to %scan3A_52 step %scan3A_53  : i32 {
      %mul3A_157 = arith.constant 8 : i32
      %mul3A_158 = arith.muli %scan3A_156, %mul3A_157 : i32
      %add3A_159 = arith.constant 0 : i32
      %add3A_160 = arith.addi %mul3A_158, %add3A_159 : i32
      %mul3A_161 = arith.constant 8 : i32
      %mul3A_162 = arith.muli %add3A_160, %mul3A_161 : i32
      %add3A_163 = arith.addi %mul3A_2, %mul3A_162 : i32
      %dma_wait3A_164 = arith.constant 0 : i32
      %dma_wait3A_165 = tpu.memref_slice %arg3[%add3A_163, %dma_wait3A_164] : memref<32768x1024xf32, #tpu.memory_space<hbm>> -> memref<8x1024xf32, #tpu.memory_space<hbm>>
      %dma_wait3A_166 = arith.constant 0 : i32
      %dma_wait3A_167 = tpu.memref_slice %arg3[%add3A_163, %dma_wait3A_166] : memref<32768x1024xf32, #tpu.memory_space<hbm>> -> memref<8x1024xf32, #tpu.memory_space<hbm>>
      tpu.wait_dma2 semaphore(%arg14 : memref<!tpu.dma_semaphore, #tpu.memory_space<semaphore_mem>>) src(%dma_wait3A_167 : memref<8x1024xf32, #tpu.memory_space<hbm>>) dst(%arg6 : memref<8x1024xf32, #tpu.memory_space<vmem>>)
      %dma_start3A_168 = arith.constant 0 : i32
      %dma_start3A_169 = tpu.memref_slice %arg4[%add3A_163, %dma_start3A_168] : memref<32768x1024xf32, #tpu.memory_space<hbm>> -> memref<8x1024xf32, #tpu.memory_space<hbm>>
      %dma_start3A_170 = arith.constant 0 : i32
      %dma_start3A_171 = tpu.memref_slice %arg4[%add3A_163, %dma_start3A_170] : memref<32768x1024xf32, #tpu.memory_space<hbm>> -> memref<8x1024xf32, #tpu.memory_space<hbm>>
      tpu.enqueue_dma source(%arg6 : memref<8x1024xf32, #tpu.memory_space<vmem>>) target(%dma_start3A_171 : memref<8x1024xf32, #tpu.memory_space<hbm>>) target_semaphore(%arg22 : memref<!tpu.dma_semaphore, #tpu.memory_space<semaphore_mem>>)
      %lt3A = arith.constant 15 : i32
      %lt3A_172 = arith.cmpi slt, %scan3A_156, %lt3A : i32
      %convert_element_type3A_173 = arith.extui %lt3A_172 : i1 to i32
      %cond3A_174 = arith.constant 0 : i32
      %cond3A_175 = arith.cmpi ne, %convert_element_type3A_173, %cond3A_174 : i32
      scf.if %cond3A_175 {
        %dma_wait3A_316 = arith.constant 0 : i32
        %dma_wait3A_317 = tpu.memref_slice %arg4[%add3A_163, %dma_wait3A_316] : memref<32768x1024xf32, #tpu.memory_space<hbm>> -> memref<8x1024xf32, #tpu.memory_space<hbm>>
        %dma_wait3A_318 = arith.constant 0 : i32
        %dma_wait3A_319 = tpu.memref_slice %arg4[%add3A_163, %dma_wait3A_318] : memref<32768x1024xf32, #tpu.memory_space<hbm>> -> memref<8x1024xf32, #tpu.memory_space<hbm>>
        tpu.wait_dma2 semaphore(%arg22 : memref<!tpu.dma_semaphore, #tpu.memory_space<semaphore_mem>>) src(%arg6 : memref<8x1024xf32, #tpu.memory_space<vmem>>) dst(%dma_wait3A_319 : memref<8x1024xf32, #tpu.memory_space<hbm>>)
        %add3A_320 = arith.constant 64 : i32
        %add3A_321 = arith.addi %add3A_163, %add3A_320 : i32
        %dma_start3A_322 = arith.constant 0 : i32
        %dma_start3A_323 = tpu.memref_slice %arg3[%add3A_321, %dma_start3A_322] : memref<32768x1024xf32, #tpu.memory_space<hbm>> -> memref<8x1024xf32, #tpu.memory_space<hbm>>
        %dma_start3A_324 = arith.constant 0 : i32
        %dma_start3A_325 = tpu.memref_slice %arg3[%add3A_321, %dma_start3A_324] : memref<32768x1024xf32, #tpu.memory_space<hbm>> -> memref<8x1024xf32, #tpu.memory_space<hbm>>
        tpu.enqueue_dma source(%dma_start3A_325 : memref<8x1024xf32, #tpu.memory_space<hbm>>) target(%arg6 : memref<8x1024xf32, #tpu.memory_space<vmem>>) target_semaphore(%arg14 : memref<!tpu.dma_semaphore, #tpu.memory_space<semaphore_mem>>)
      } else {
      }
      %mul3A_176 = arith.constant 8 : i32
      %mul3A_177 = arith.muli %scan3A_156, %mul3A_176 : i32
      %add3A_178 = arith.constant 1 : i32
      %add3A_179 = arith.addi %mul3A_177, %add3A_178 : i32
      %mul3A_180 = arith.constant 8 : i32
      %mul3A_181 = arith.muli %add3A_179, %mul3A_180 : i32
      %add3A_182 = arith.addi %mul3A_2, %mul3A_181 : i32
      %dma_wait3A_183 = arith.constant 0 : i32
      %dma_wait3A_184 = tpu.memref_slice %arg3[%add3A_182, %dma_wait3A_183] : memref<32768x1024xf32, #tpu.memory_space<hbm>> -> memref<8x1024xf32, #tpu.memory_space<hbm>>
      %dma_wait3A_185 = arith.constant 0 : i32
      %dma_wait3A_186 = tpu.memref_slice %arg3[%add3A_182, %dma_wait3A_185] : memref<32768x1024xf32, #tpu.memory_space<hbm>> -> memref<8x1024xf32, #tpu.memory_space<hbm>>
      tpu.wait_dma2 semaphore(%arg15 : memref<!tpu.dma_semaphore, #tpu.memory_space<semaphore_mem>>) src(%dma_wait3A_186 : memref<8x1024xf32, #tpu.memory_space<hbm>>) dst(%arg7 : memref<8x1024xf32, #tpu.memory_space<vmem>>)
      %dma_start3A_187 = arith.constant 0 : i32
      %dma_start3A_188 = tpu.memref_slice %arg4[%add3A_182, %dma_start3A_187] : memref<32768x1024xf32, #tpu.memory_space<hbm>> -> memref<8x1024xf32, #tpu.memory_space<hbm>>
      %dma_start3A_189 = arith.constant 0 : i32
      %dma_start3A_190 = tpu.memref_slice %arg4[%add3A_182, %dma_start3A_189] : memref<32768x1024xf32, #tpu.memory_space<hbm>> -> memref<8x1024xf32, #tpu.memory_space<hbm>>
      tpu.enqueue_dma source(%arg7 : memref<8x1024xf32, #tpu.memory_space<vmem>>) target(%dma_start3A_190 : memref<8x1024xf32, #tpu.memory_space<hbm>>) target_semaphore(%arg23 : memref<!tpu.dma_semaphore, #tpu.memory_space<semaphore_mem>>)
      %lt3A_191 = arith.constant 15 : i32
      %lt3A_192 = arith.cmpi slt, %scan3A_156, %lt3A_191 : i32
      %convert_element_type3A_193 = arith.extui %lt3A_192 : i1 to i32
      %cond3A_194 = arith.constant 0 : i32
      %cond3A_195 = arith.cmpi ne, %convert_element_type3A_193, %cond3A_194 : i32
      scf.if %cond3A_195 {
        %dma_wait3A_316 = arith.constant 0 : i32
        %dma_wait3A_317 = tpu.memref_slice %arg4[%add3A_182, %dma_wait3A_316] : memref<32768x1024xf32, #tpu.memory_space<hbm>> -> memref<8x1024xf32, #tpu.memory_space<hbm>>
        %dma_wait3A_318 = arith.constant 0 : i32
        %dma_wait3A_319 = tpu.memref_slice %arg4[%add3A_182, %dma_wait3A_318] : memref<32768x1024xf32, #tpu.memory_space<hbm>> -> memref<8x1024xf32, #tpu.memory_space<hbm>>
        tpu.wait_dma2 semaphore(%arg23 : memref<!tpu.dma_semaphore, #tpu.memory_space<semaphore_mem>>) src(%arg7 : memref<8x1024xf32, #tpu.memory_space<vmem>>) dst(%dma_wait3A_319 : memref<8x1024xf32, #tpu.memory_space<hbm>>)
        %add3A_320 = arith.constant 64 : i32
        %add3A_321 = arith.addi %add3A_182, %add3A_320 : i32
        %dma_start3A_322 = arith.constant 0 : i32
        %dma_start3A_323 = tpu.memref_slice %arg3[%add3A_321, %dma_start3A_322] : memref<32768x1024xf32, #tpu.memory_space<hbm>> -> memref<8x1024xf32, #tpu.memory_space<hbm>>
        %dma_start3A_324 = arith.constant 0 : i32
        %dma_start3A_325 = tpu.memref_slice %arg3[%add3A_321, %dma_start3A_324] : memref<32768x1024xf32, #tpu.memory_space<hbm>> -> memref<8x1024xf32, #tpu.memory_space<hbm>>
        tpu.enqueue_dma source(%dma_start3A_325 : memref<8x1024xf32, #tpu.memory_space<hbm>>) target(%arg7 : memref<8x1024xf32, #tpu.memory_space<vmem>>) target_semaphore(%arg15 : memref<!tpu.dma_semaphore, #tpu.memory_space<semaphore_mem>>)
      } else {
      }
      %mul3A_196 = arith.constant 8 : i32
      %mul3A_197 = arith.muli %scan3A_156, %mul3A_196 : i32
      %add3A_198 = arith.constant 2 : i32
      %add3A_199 = arith.addi %mul3A_197, %add3A_198 : i32
      %mul3A_200 = arith.constant 8 : i32
      %mul3A_201 = arith.muli %add3A_199, %mul3A_200 : i32
      %add3A_202 = arith.addi %mul3A_2, %mul3A_201 : i32
      %dma_wait3A_203 = arith.constant 0 : i32
      %dma_wait3A_204 = tpu.memref_slice %arg3[%add3A_202, %dma_wait3A_203] : memref<32768x1024xf32, #tpu.memory_space<hbm>> -> memref<8x1024xf32, #tpu.memory_space<hbm>>
      %dma_wait3A_205 = arith.constant 0 : i32
      %dma_wait3A_206 = tpu.memref_slice %arg3[%add3A_202, %dma_wait3A_205] : memref<32768x1024xf32, #tpu.memory_space<hbm>> -> memref<8x1024xf32, #tpu.memory_space<hbm>>
      tpu.wait_dma2 semaphore(%arg16 : memref<!tpu.dma_semaphore, #tpu.memory_space<semaphore_mem>>) src(%dma_wait3A_206 : memref<8x1024xf32, #tpu.memory_space<hbm>>) dst(%arg8 : memref<8x1024xf32, #tpu.memory_space<vmem>>)
      %dma_start3A_207 = arith.constant 0 : i32
      %dma_start3A_208 = tpu.memref_slice %arg4[%add3A_202, %dma_start3A_207] : memref<32768x1024xf32, #tpu.memory_space<hbm>> -> memref<8x1024xf32, #tpu.memory_space<hbm>>
      %dma_start3A_209 = arith.constant 0 : i32
      %dma_start3A_210 = tpu.memref_slice %arg4[%add3A_202, %dma_start3A_209] : memref<32768x1024xf32, #tpu.memory_space<hbm>> -> memref<8x1024xf32, #tpu.memory_space<hbm>>
      tpu.enqueue_dma source(%arg8 : memref<8x1024xf32, #tpu.memory_space<vmem>>) target(%dma_start3A_210 : memref<8x1024xf32, #tpu.memory_space<hbm>>) target_semaphore(%arg24 : memref<!tpu.dma_semaphore, #tpu.memory_space<semaphore_mem>>)
      %lt3A_211 = arith.constant 15 : i32
      %lt3A_212 = arith.cmpi slt, %scan3A_156, %lt3A_211 : i32
      %convert_element_type3A_213 = arith.extui %lt3A_212 : i1 to i32
      %cond3A_214 = arith.constant 0 : i32
      %cond3A_215 = arith.cmpi ne, %convert_element_type3A_213, %cond3A_214 : i32
      scf.if %cond3A_215 {
        %dma_wait3A_316 = arith.constant 0 : i32
        %dma_wait3A_317 = tpu.memref_slice %arg4[%add3A_202, %dma_wait3A_316] : memref<32768x1024xf32, #tpu.memory_space<hbm>> -> memref<8x1024xf32, #tpu.memory_space<hbm>>
        %dma_wait3A_318 = arith.constant 0 : i32
        %dma_wait3A_319 = tpu.memref_slice %arg4[%add3A_202, %dma_wait3A_318] : memref<32768x1024xf32, #tpu.memory_space<hbm>> -> memref<8x1024xf32, #tpu.memory_space<hbm>>
        tpu.wait_dma2 semaphore(%arg24 : memref<!tpu.dma_semaphore, #tpu.memory_space<semaphore_mem>>) src(%arg8 : memref<8x1024xf32, #tpu.memory_space<vmem>>) dst(%dma_wait3A_319 : memref<8x1024xf32, #tpu.memory_space<hbm>>)
        %add3A_320 = arith.constant 64 : i32
        %add3A_321 = arith.addi %add3A_202, %add3A_320 : i32
        %dma_start3A_322 = arith.constant 0 : i32
        %dma_start3A_323 = tpu.memref_slice %arg3[%add3A_321, %dma_start3A_322] : memref<32768x1024xf32, #tpu.memory_space<hbm>> -> memref<8x1024xf32, #tpu.memory_space<hbm>>
        %dma_start3A_324 = arith.constant 0 : i32
        %dma_start3A_325 = tpu.memref_slice %arg3[%add3A_321, %dma_start3A_324] : memref<32768x1024xf32, #tpu.memory_space<hbm>> -> memref<8x1024xf32, #tpu.memory_space<hbm>>
        tpu.enqueue_dma source(%dma_start3A_325 : memref<8x1024xf32, #tpu.memory_space<hbm>>) target(%arg8 : memref<8x1024xf32, #tpu.memory_space<vmem>>) target_semaphore(%arg16 : memref<!tpu.dma_semaphore, #tpu.memory_space<semaphore_mem>>)
      } else {
      }
      %mul3A_216 = arith.constant 8 : i32
      %mul3A_217 = arith.muli %scan3A_156, %mul3A_216 : i32
      %add3A_218 = arith.constant 3 : i32
      %add3A_219 = arith.addi %mul3A_217, %add3A_218 : i32
      %mul3A_220 = arith.constant 8 : i32
      %mul3A_221 = arith.muli %add3A_219, %mul3A_220 : i32
      %add3A_222 = arith.addi %mul3A_2, %mul3A_221 : i32
      %dma_wait3A_223 = arith.constant 0 : i32
      %dma_wait3A_224 = tpu.memref_slice %arg3[%add3A_222, %dma_wait3A_223] : memref<32768x1024xf32, #tpu.memory_space<hbm>> -> memref<8x1024xf32, #tpu.memory_space<hbm>>
      %dma_wait3A_225 = arith.constant 0 : i32
      %dma_wait3A_226 = tpu.memref_slice %arg3[%add3A_222, %dma_wait3A_225] : memref<32768x1024xf32, #tpu.memory_space<hbm>> -> memref<8x1024xf32, #tpu.memory_space<hbm>>
      tpu.wait_dma2 semaphore(%arg17 : memref<!tpu.dma_semaphore, #tpu.memory_space<semaphore_mem>>) src(%dma_wait3A_226 : memref<8x1024xf32, #tpu.memory_space<hbm>>) dst(%arg9 : memref<8x1024xf32, #tpu.memory_space<vmem>>)
      %dma_start3A_227 = arith.constant 0 : i32
      %dma_start3A_228 = tpu.memref_slice %arg4[%add3A_222, %dma_start3A_227] : memref<32768x1024xf32, #tpu.memory_space<hbm>> -> memref<8x1024xf32, #tpu.memory_space<hbm>>
      %dma_start3A_229 = arith.constant 0 : i32
      %dma_start3A_230 = tpu.memref_slice %arg4[%add3A_222, %dma_start3A_229] : memref<32768x1024xf32, #tpu.memory_space<hbm>> -> memref<8x1024xf32, #tpu.memory_space<hbm>>
      tpu.enqueue_dma source(%arg9 : memref<8x1024xf32, #tpu.memory_space<vmem>>) target(%dma_start3A_230 : memref<8x1024xf32, #tpu.memory_space<hbm>>) target_semaphore(%arg25 : memref<!tpu.dma_semaphore, #tpu.memory_space<semaphore_mem>>)
      %lt3A_231 = arith.constant 15 : i32
      %lt3A_232 = arith.cmpi slt, %scan3A_156, %lt3A_231 : i32
      %convert_element_type3A_233 = arith.extui %lt3A_232 : i1 to i32
      %cond3A_234 = arith.constant 0 : i32
      %cond3A_235 = arith.cmpi ne, %convert_element_type3A_233, %cond3A_234 : i32
      scf.if %cond3A_235 {
        %dma_wait3A_316 = arith.constant 0 : i32
        %dma_wait3A_317 = tpu.memref_slice %arg4[%add3A_222, %dma_wait3A_316] : memref<32768x1024xf32, #tpu.memory_space<hbm>> -> memref<8x1024xf32, #tpu.memory_space<hbm>>
        %dma_wait3A_318 = arith.constant 0 : i32
        %dma_wait3A_319 = tpu.memref_slice %arg4[%add3A_222, %dma_wait3A_318] : memref<32768x1024xf32, #tpu.memory_space<hbm>> -> memref<8x1024xf32, #tpu.memory_space<hbm>>
        tpu.wait_dma2 semaphore(%arg25 : memref<!tpu.dma_semaphore, #tpu.memory_space<semaphore_mem>>) src(%arg9 : memref<8x1024xf32, #tpu.memory_space<vmem>>) dst(%dma_wait3A_319 : memref<8x1024xf32, #tpu.memory_space<hbm>>)
        %add3A_320 = arith.constant 64 : i32
        %add3A_321 = arith.addi %add3A_222, %add3A_320 : i32
        %dma_start3A_322 = arith.constant 0 : i32
        %dma_start3A_323 = tpu.memref_slice %arg3[%add3A_321, %dma_start3A_322] : memref<32768x1024xf32, #tpu.memory_space<hbm>> -> memref<8x1024xf32, #tpu.memory_space<hbm>>
        %dma_start3A_324 = arith.constant 0 : i32
        %dma_start3A_325 = tpu.memref_slice %arg3[%add3A_321, %dma_start3A_324] : memref<32768x1024xf32, #tpu.memory_space<hbm>> -> memref<8x1024xf32, #tpu.memory_space<hbm>>
        tpu.enqueue_dma source(%dma_start3A_325 : memref<8x1024xf32, #tpu.memory_space<hbm>>) target(%arg9 : memref<8x1024xf32, #tpu.memory_space<vmem>>) target_semaphore(%arg17 : memref<!tpu.dma_semaphore, #tpu.memory_space<semaphore_mem>>)
      } else {
      }
      %mul3A_236 = arith.constant 8 : i32
      %mul3A_237 = arith.muli %scan3A_156, %mul3A_236 : i32
      %add3A_238 = arith.constant 4 : i32
      %add3A_239 = arith.addi %mul3A_237, %add3A_238 : i32
      %mul3A_240 = arith.constant 8 : i32
      %mul3A_241 = arith.muli %add3A_239, %mul3A_240 : i32
      %add3A_242 = arith.addi %mul3A_2, %mul3A_241 : i32
      %dma_wait3A_243 = arith.constant 0 : i32
      %dma_wait3A_244 = tpu.memref_slice %arg3[%add3A_242, %dma_wait3A_243] : memref<32768x1024xf32, #tpu.memory_space<hbm>> -> memref<8x1024xf32, #tpu.memory_space<hbm>>
      %dma_wait3A_245 = arith.constant 0 : i32
      %dma_wait3A_246 = tpu.memref_slice %arg3[%add3A_242, %dma_wait3A_245] : memref<32768x1024xf32, #tpu.memory_space<hbm>> -> memref<8x1024xf32, #tpu.memory_space<hbm>>
      tpu.wait_dma2 semaphore(%arg18 : memref<!tpu.dma_semaphore, #tpu.memory_space<semaphore_mem>>) src(%dma_wait3A_246 : memref<8x1024xf32, #tpu.memory_space<hbm>>) dst(%arg10 : memref<8x1024xf32, #tpu.memory_space<vmem>>)
      %dma_start3A_247 = arith.constant 0 : i32
      %dma_start3A_248 = tpu.memref_slice %arg4[%add3A_242, %dma_start3A_247] : memref<32768x1024xf32, #tpu.memory_space<hbm>> -> memref<8x1024xf32, #tpu.memory_space<hbm>>
      %dma_start3A_249 = arith.constant 0 : i32
      %dma_start3A_250 = tpu.memref_slice %arg4[%add3A_242, %dma_start3A_249] : memref<32768x1024xf32, #tpu.memory_space<hbm>> -> memref<8x1024xf32, #tpu.memory_space<hbm>>
      tpu.enqueue_dma source(%arg10 : memref<8x1024xf32, #tpu.memory_space<vmem>>) target(%dma_start3A_250 : memref<8x1024xf32, #tpu.memory_space<hbm>>) target_semaphore(%arg26 : memref<!tpu.dma_semaphore, #tpu.memory_space<semaphore_mem>>)
      %lt3A_251 = arith.constant 15 : i32
      %lt3A_252 = arith.cmpi slt, %scan3A_156, %lt3A_251 : i32
      %convert_element_type3A_253 = arith.extui %lt3A_252 : i1 to i32
      %cond3A_254 = arith.constant 0 : i32
      %cond3A_255 = arith.cmpi ne, %convert_element_type3A_253, %cond3A_254 : i32
      scf.if %cond3A_255 {
        %dma_wait3A_316 = arith.constant 0 : i32
        %dma_wait3A_317 = tpu.memref_slice %arg4[%add3A_242, %dma_wait3A_316] : memref<32768x1024xf32, #tpu.memory_space<hbm>> -> memref<8x1024xf32, #tpu.memory_space<hbm>>
        %dma_wait3A_318 = arith.constant 0 : i32
        %dma_wait3A_319 = tpu.memref_slice %arg4[%add3A_242, %dma_wait3A_318] : memref<32768x1024xf32, #tpu.memory_space<hbm>> -> memref<8x1024xf32, #tpu.memory_space<hbm>>
        tpu.wait_dma2 semaphore(%arg26 : memref<!tpu.dma_semaphore, #tpu.memory_space<semaphore_mem>>) src(%arg10 : memref<8x1024xf32, #tpu.memory_space<vmem>>) dst(%dma_wait3A_319 : memref<8x1024xf32, #tpu.memory_space<hbm>>)
        %add3A_320 = arith.constant 64 : i32
        %add3A_321 = arith.addi %add3A_242, %add3A_320 : i32
        %dma_start3A_322 = arith.constant 0 : i32
        %dma_start3A_323 = tpu.memref_slice %arg3[%add3A_321, %dma_start3A_322] : memref<32768x1024xf32, #tpu.memory_space<hbm>> -> memref<8x1024xf32, #tpu.memory_space<hbm>>
        %dma_start3A_324 = arith.constant 0 : i32
        %dma_start3A_325 = tpu.memref_slice %arg3[%add3A_321, %dma_start3A_324] : memref<32768x1024xf32, #tpu.memory_space<hbm>> -> memref<8x1024xf32, #tpu.memory_space<hbm>>
        tpu.enqueue_dma source(%dma_start3A_325 : memref<8x1024xf32, #tpu.memory_space<hbm>>) target(%arg10 : memref<8x1024xf32, #tpu.memory_space<vmem>>) target_semaphore(%arg18 : memref<!tpu.dma_semaphore, #tpu.memory_space<semaphore_mem>>)
      } else {
      }
      %mul3A_256 = arith.constant 8 : i32
      %mul3A_257 = arith.muli %scan3A_156, %mul3A_256 : i32
      %add3A_258 = arith.constant 5 : i32
      %add3A_259 = arith.addi %mul3A_257, %add3A_258 : i32
      %mul3A_260 = arith.constant 8 : i32
      %mul3A_261 = arith.muli %add3A_259, %mul3A_260 : i32
      %add3A_262 = arith.addi %mul3A_2, %mul3A_261 : i32
      %dma_wait3A_263 = arith.constant 0 : i32
      %dma_wait3A_264 = tpu.memref_slice %arg3[%add3A_262, %dma_wait3A_263] : memref<32768x1024xf32, #tpu.memory_space<hbm>> -> memref<8x1024xf32, #tpu.memory_space<hbm>>
      %dma_wait3A_265 = arith.constant 0 : i32
      %dma_wait3A_266 = tpu.memref_slice %arg3[%add3A_262, %dma_wait3A_265] : memref<32768x1024xf32, #tpu.memory_space<hbm>> -> memref<8x1024xf32, #tpu.memory_space<hbm>>
      tpu.wait_dma2 semaphore(%arg19 : memref<!tpu.dma_semaphore, #tpu.memory_space<semaphore_mem>>) src(%dma_wait3A_266 : memref<8x1024xf32, #tpu.memory_space<hbm>>) dst(%arg11 : memref<8x1024xf32, #tpu.memory_space<vmem>>)
      %dma_start3A_267 = arith.constant 0 : i32
      %dma_start3A_268 = tpu.memref_slice %arg4[%add3A_262, %dma_start3A_267] : memref<32768x1024xf32, #tpu.memory_space<hbm>> -> memref<8x1024xf32, #tpu.memory_space<hbm>>
      %dma_start3A_269 = arith.constant 0 : i32
      %dma_start3A_270 = tpu.memref_slice %arg4[%add3A_262, %dma_start3A_269] : memref<32768x1024xf32, #tpu.memory_space<hbm>> -> memref<8x1024xf32, #tpu.memory_space<hbm>>
      tpu.enqueue_dma source(%arg11 : memref<8x1024xf32, #tpu.memory_space<vmem>>) target(%dma_start3A_270 : memref<8x1024xf32, #tpu.memory_space<hbm>>) target_semaphore(%arg27 : memref<!tpu.dma_semaphore, #tpu.memory_space<semaphore_mem>>)
      %lt3A_271 = arith.constant 15 : i32
      %lt3A_272 = arith.cmpi slt, %scan3A_156, %lt3A_271 : i32
      %convert_element_type3A_273 = arith.extui %lt3A_272 : i1 to i32
      %cond3A_274 = arith.constant 0 : i32
      %cond3A_275 = arith.cmpi ne, %convert_element_type3A_273, %cond3A_274 : i32
      scf.if %cond3A_275 {
        %dma_wait3A_316 = arith.constant 0 : i32
        %dma_wait3A_317 = tpu.memref_slice %arg4[%add3A_262, %dma_wait3A_316] : memref<32768x1024xf32, #tpu.memory_space<hbm>> -> memref<8x1024xf32, #tpu.memory_space<hbm>>
        %dma_wait3A_318 = arith.constant 0 : i32
        %dma_wait3A_319 = tpu.memref_slice %arg4[%add3A_262, %dma_wait3A_318] : memref<32768x1024xf32, #tpu.memory_space<hbm>> -> memref<8x1024xf32, #tpu.memory_space<hbm>>
        tpu.wait_dma2 semaphore(%arg27 : memref<!tpu.dma_semaphore, #tpu.memory_space<semaphore_mem>>) src(%arg11 : memref<8x1024xf32, #tpu.memory_space<vmem>>) dst(%dma_wait3A_319 : memref<8x1024xf32, #tpu.memory_space<hbm>>)
        %add3A_320 = arith.constant 64 : i32
        %add3A_321 = arith.addi %add3A_262, %add3A_320 : i32
        %dma_start3A_322 = arith.constant 0 : i32
        %dma_start3A_323 = tpu.memref_slice %arg3[%add3A_321, %dma_start3A_322] : memref<32768x1024xf32, #tpu.memory_space<hbm>> -> memref<8x1024xf32, #tpu.memory_space<hbm>>
        %dma_start3A_324 = arith.constant 0 : i32
        %dma_start3A_325 = tpu.memref_slice %arg3[%add3A_321, %dma_start3A_324] : memref<32768x1024xf32, #tpu.memory_space<hbm>> -> memref<8x1024xf32, #tpu.memory_space<hbm>>
        tpu.enqueue_dma source(%dma_start3A_325 : memref<8x1024xf32, #tpu.memory_space<hbm>>) target(%arg11 : memref<8x1024xf32, #tpu.memory_space<vmem>>) target_semaphore(%arg19 : memref<!tpu.dma_semaphore, #tpu.memory_space<semaphore_mem>>)
      } else {
      }
      %mul3A_276 = arith.constant 8 : i32
      %mul3A_277 = arith.muli %scan3A_156, %mul3A_276 : i32
      %add3A_278 = arith.constant 6 : i32
      %add3A_279 = arith.addi %mul3A_277, %add3A_278 : i32
      %mul3A_280 = arith.constant 8 : i32
      %mul3A_281 = arith.muli %add3A_279, %mul3A_280 : i32
      %add3A_282 = arith.addi %mul3A_2, %mul3A_281 : i32
      %dma_wait3A_283 = arith.constant 0 : i32
      %dma_wait3A_284 = tpu.memref_slice %arg3[%add3A_282, %dma_wait3A_283] : memref<32768x1024xf32, #tpu.memory_space<hbm>> -> memref<8x1024xf32, #tpu.memory_space<hbm>>
      %dma_wait3A_285 = arith.constant 0 : i32
      %dma_wait3A_286 = tpu.memref_slice %arg3[%add3A_282, %dma_wait3A_285] : memref<32768x1024xf32, #tpu.memory_space<hbm>> -> memref<8x1024xf32, #tpu.memory_space<hbm>>
      tpu.wait_dma2 semaphore(%arg20 : memref<!tpu.dma_semaphore, #tpu.memory_space<semaphore_mem>>) src(%dma_wait3A_286 : memref<8x1024xf32, #tpu.memory_space<hbm>>) dst(%arg12 : memref<8x1024xf32, #tpu.memory_space<vmem>>)
      %dma_start3A_287 = arith.constant 0 : i32
      %dma_start3A_288 = tpu.memref_slice %arg4[%add3A_282, %dma_start3A_287] : memref<32768x1024xf32, #tpu.memory_space<hbm>> -> memref<8x1024xf32, #tpu.memory_space<hbm>>
      %dma_start3A_289 = arith.constant 0 : i32
      %dma_start3A_290 = tpu.memref_slice %arg4[%add3A_282, %dma_start3A_289] : memref<32768x1024xf32, #tpu.memory_space<hbm>> -> memref<8x1024xf32, #tpu.memory_space<hbm>>
      tpu.enqueue_dma source(%arg12 : memref<8x1024xf32, #tpu.memory_space<vmem>>) target(%dma_start3A_290 : memref<8x1024xf32, #tpu.memory_space<hbm>>) target_semaphore(%arg28 : memref<!tpu.dma_semaphore, #tpu.memory_space<semaphore_mem>>)
      %lt3A_291 = arith.constant 15 : i32
      %lt3A_292 = arith.cmpi slt, %scan3A_156, %lt3A_291 : i32
      %convert_element_type3A_293 = arith.extui %lt3A_292 : i1 to i32
      %cond3A_294 = arith.constant 0 : i32
      %cond3A_295 = arith.cmpi ne, %convert_element_type3A_293, %cond3A_294 : i32
      scf.if %cond3A_295 {
        %dma_wait3A_316 = arith.constant 0 : i32
        %dma_wait3A_317 = tpu.memref_slice %arg4[%add3A_282, %dma_wait3A_316] : memref<32768x1024xf32, #tpu.memory_space<hbm>> -> memref<8x1024xf32, #tpu.memory_space<hbm>>
        %dma_wait3A_318 = arith.constant 0 : i32
        %dma_wait3A_319 = tpu.memref_slice %arg4[%add3A_282, %dma_wait3A_318] : memref<32768x1024xf32, #tpu.memory_space<hbm>> -> memref<8x1024xf32, #tpu.memory_space<hbm>>
        tpu.wait_dma2 semaphore(%arg28 : memref<!tpu.dma_semaphore, #tpu.memory_space<semaphore_mem>>) src(%arg12 : memref<8x1024xf32, #tpu.memory_space<vmem>>) dst(%dma_wait3A_319 : memref<8x1024xf32, #tpu.memory_space<hbm>>)
        %add3A_320 = arith.constant 64 : i32
        %add3A_321 = arith.addi %add3A_282, %add3A_320 : i32
        %dma_start3A_322 = arith.constant 0 : i32
        %dma_start3A_323 = tpu.memref_slice %arg3[%add3A_321, %dma_start3A_322] : memref<32768x1024xf32, #tpu.memory_space<hbm>> -> memref<8x1024xf32, #tpu.memory_space<hbm>>
        %dma_start3A_324 = arith.constant 0 : i32
        %dma_start3A_325 = tpu.memref_slice %arg3[%add3A_321, %dma_start3A_324] : memref<32768x1024xf32, #tpu.memory_space<hbm>> -> memref<8x1024xf32, #tpu.memory_space<hbm>>
        tpu.enqueue_dma source(%dma_start3A_325 : memref<8x1024xf32, #tpu.memory_space<hbm>>) target(%arg12 : memref<8x1024xf32, #tpu.memory_space<vmem>>) target_semaphore(%arg20 : memref<!tpu.dma_semaphore, #tpu.memory_space<semaphore_mem>>)
      } else {
      }
      %mul3A_296 = arith.constant 8 : i32
      %mul3A_297 = arith.muli %scan3A_156, %mul3A_296 : i32
      %add3A_298 = arith.constant 7 : i32
      %add3A_299 = arith.addi %mul3A_297, %add3A_298 : i32
      %mul3A_300 = arith.constant 8 : i32
      %mul3A_301 = arith.muli %add3A_299, %mul3A_300 : i32
      %add3A_302 = arith.addi %mul3A_2, %mul3A_301 : i32
      %dma_wait3A_303 = arith.constant 0 : i32
      %dma_wait3A_304 = tpu.memref_slice %arg3[%add3A_302, %dma_wait3A_303] : memref<32768x1024xf32, #tpu.memory_space<hbm>> -> memref<8x1024xf32, #tpu.memory_space<hbm>>
      %dma_wait3A_305 = arith.constant 0 : i32
      %dma_wait3A_306 = tpu.memref_slice %arg3[%add3A_302, %dma_wait3A_305] : memref<32768x1024xf32, #tpu.memory_space<hbm>> -> memref<8x1024xf32, #tpu.memory_space<hbm>>
      tpu.wait_dma2 semaphore(%arg21 : memref<!tpu.dma_semaphore, #tpu.memory_space<semaphore_mem>>) src(%dma_wait3A_306 : memref<8x1024xf32, #tpu.memory_space<hbm>>) dst(%arg13 : memref<8x1024xf32, #tpu.memory_space<vmem>>)
      %dma_start3A_307 = arith.constant 0 : i32
      %dma_start3A_308 = tpu.memref_slice %arg4[%add3A_302, %dma_start3A_307] : memref<32768x1024xf32, #tpu.memory_space<hbm>> -> memref<8x1024xf32, #tpu.memory_space<hbm>>
      %dma_start3A_309 = arith.constant 0 : i32
      %dma_start3A_310 = tpu.memref_slice %arg4[%add3A_302, %dma_start3A_309] : memref<32768x1024xf32, #tpu.memory_space<hbm>> -> memref<8x1024xf32, #tpu.memory_space<hbm>>
      tpu.enqueue_dma source(%arg13 : memref<8x1024xf32, #tpu.memory_space<vmem>>) target(%dma_start3A_310 : memref<8x1024xf32, #tpu.memory_space<hbm>>) target_semaphore(%arg29 : memref<!tpu.dma_semaphore, #tpu.memory_space<semaphore_mem>>)
      %lt3A_311 = arith.constant 15 : i32
      %lt3A_312 = arith.cmpi slt, %scan3A_156, %lt3A_311 : i32
      %convert_element_type3A_313 = arith.extui %lt3A_312 : i1 to i32
      %cond3A_314 = arith.constant 0 : i32
      %cond3A_315 = arith.cmpi ne, %convert_element_type3A_313, %cond3A_314 : i32
      scf.if %cond3A_315 {
        %dma_wait3A_316 = arith.constant 0 : i32
        %dma_wait3A_317 = tpu.memref_slice %arg4[%add3A_302, %dma_wait3A_316] : memref<32768x1024xf32, #tpu.memory_space<hbm>> -> memref<8x1024xf32, #tpu.memory_space<hbm>>
        %dma_wait3A_318 = arith.constant 0 : i32
        %dma_wait3A_319 = tpu.memref_slice %arg4[%add3A_302, %dma_wait3A_318] : memref<32768x1024xf32, #tpu.memory_space<hbm>> -> memref<8x1024xf32, #tpu.memory_space<hbm>>
        tpu.wait_dma2 semaphore(%arg29 : memref<!tpu.dma_semaphore, #tpu.memory_space<semaphore_mem>>) src(%arg13 : memref<8x1024xf32, #tpu.memory_space<vmem>>) dst(%dma_wait3A_319 : memref<8x1024xf32, #tpu.memory_space<hbm>>)
        %add3A_320 = arith.constant 64 : i32
        %add3A_321 = arith.addi %add3A_302, %add3A_320 : i32
        %dma_start3A_322 = arith.constant 0 : i32
        %dma_start3A_323 = tpu.memref_slice %arg3[%add3A_321, %dma_start3A_322] : memref<32768x1024xf32, #tpu.memory_space<hbm>> -> memref<8x1024xf32, #tpu.memory_space<hbm>>
        %dma_start3A_324 = arith.constant 0 : i32
        %dma_start3A_325 = tpu.memref_slice %arg3[%add3A_321, %dma_start3A_324] : memref<32768x1024xf32, #tpu.memory_space<hbm>> -> memref<8x1024xf32, #tpu.memory_space<hbm>>
        tpu.enqueue_dma source(%dma_start3A_325 : memref<8x1024xf32, #tpu.memory_space<hbm>>) target(%arg13 : memref<8x1024xf32, #tpu.memory_space<vmem>>) target_semaphore(%arg21 : memref<!tpu.dma_semaphore, #tpu.memory_space<semaphore_mem>>)
      } else {
      }
    }
    %scan3A_54 = arith.constant 16 : i32
    %broadcast_in_dim3A = arith.constant 1 : i32
    %broadcast_in_dim3A_55 = vector.broadcast %broadcast_in_dim3A : i32 to vector<16xi32>
    %scan3A_56 = arith.constant 0 : i32
    %scan3A_57 = arith.constant 64 : i32
    %scan3A_58 = arith.addi %scan3A_56, %scan3A_57 : i32
    %scan3A_59 = arith.constant 1 : i32
    %scan3A_60 = scf.for %scan3A_156 = %scan3A_56 to %scan3A_58 step %scan3A_59 iter_args(%scan3A_157 = %broadcast_in_dim3A_55) -> (vector<16xi32>)  : i32 {
      %mul3A_158 = arith.constant 16 : i32
      %mul3A_159 = arith.muli %scan3A_156, %mul3A_158 : i32
      %get3A = arith.index_cast %mul3A_159 : i32 to index
      %get3A_160 = tpu.vector_load %arg5[%get3A] {strides = array<i32>} : memref<1024xi32, #tpu.memory_space<vmem>>, vector<16xi32>,
      %get3A_161 = vector.shape_cast %get3A_160 : vector<16xi32> to vector<16xi32>
      %ge3A = arith.constant 0 : i32
      %ge3A_162 = vector.broadcast %ge3A : i32 to vector<16xi32>
      %ge3A_163 = arith.cmpi sge, %get3A_161, %ge3A_162 : vector<16xi32>
      %lt3A = arith.constant 64 : i32
      %lt3A_164 = vector.broadcast %lt3A : i32 to vector<16xi32>
      %lt3A_165 = arith.cmpi slt, %get3A_161, %lt3A_164 : vector<16xi32>
      %and3A_166 = arith.andi %ge3A_163, %lt3A_165 : vector<16xi1>
      %jit3A = arith.constant 1 : i32
      %jit3A_167 = arith.constant 0 : i32
      %broadcast_in_dim3A_168 = vector.broadcast %jit3A : i32 to vector<16xi32>
      %broadcast_in_dim3A_169 = vector.broadcast %jit3A_167 : i32 to vector<16xi32>
      %select_n3A = arith.select %and3A_166, %broadcast_in_dim3A_168, %broadcast_in_dim3A_169 : vector<16xi1>, vector<16xi32>
      %and3A_170 = arith.andi %scan3A_157, %select_n3A : vector<16xi32>
      scf.yield %and3A_170 : vector<16xi32>
    }
    %scan3A_61 = arith.constant 64 : i32
    %slice3A = vector.extract_strided_slice %scan3A_60 {offsets = [0], sizes = [1], strides = [1]} : vector<16xi32> to vector<1xi32>
    %squeeze3A = vector.extract %slice3A[0] : i32 from vector<1xi32>
    %slice3A_62 = vector.extract_strided_slice %scan3A_60 {offsets = [1], sizes = [1], strides = [1]} : vector<16xi32> to vector<1xi32>
    %squeeze3A_63 = vector.extract %slice3A_62[0] : i32 from vector<1xi32>
    %and3A = arith.andi %squeeze3A, %squeeze3A_63 : i32
    %slice3A_64 = vector.extract_strided_slice %scan3A_60 {offsets = [2], sizes = [1], strides = [1]} : vector<16xi32> to vector<1xi32>
    %squeeze3A_65 = vector.extract %slice3A_64[0] : i32 from vector<1xi32>
    %and3A_66 = arith.andi %and3A, %squeeze3A_65 : i32
    %slice3A_67 = vector.extract_strided_slice %scan3A_60 {offsets = [3], sizes = [1], strides = [1]} : vector<16xi32> to vector<1xi32>
    %squeeze3A_68 = vector.extract %slice3A_67[0] : i32 from vector<1xi32>
    %and3A_69 = arith.andi %and3A_66, %squeeze3A_68 : i32
    %slice3A_70 = vector.extract_strided_slice %scan3A_60 {offsets = [4], sizes = [1], strides = [1]} : vector<16xi32> to vector<1xi32>
    %squeeze3A_71 = vector.extract %slice3A_70[0] : i32 from vector<1xi32>
    %and3A_72 = arith.andi %and3A_69, %squeeze3A_71 : i32
    %slice3A_73 = vector.extract_strided_slice %scan3A_60 {offsets = [5], sizes = [1], strides = [1]} : vector<16xi32> to vector<1xi32>
    %squeeze3A_74 = vector.extract %slice3A_73[0] : i32 from vector<1xi32>
    %and3A_75 = arith.andi %and3A_72, %squeeze3A_74 : i32
    %slice3A_76 = vector.extract_strided_slice %scan3A_60 {offsets = [6], sizes = [1], strides = [1]} : vector<16xi32> to vector<1xi32>
    %squeeze3A_77 = vector.extract %slice3A_76[0] : i32 from vector<1xi32>
    %and3A_78 = arith.andi %and3A_75, %squeeze3A_77 : i32
    %slice3A_79 = vector.extract_strided_slice %scan3A_60 {offsets = [7], sizes = [1], strides = [1]} : vector<16xi32> to vector<1xi32>
    %squeeze3A_80 = vector.extract %slice3A_79[0] : i32 from vector<1xi32>
    %and3A_81 = arith.andi %and3A_78, %squeeze3A_80 : i32
    %slice3A_82 = vector.extract_strided_slice %scan3A_60 {offsets = [8], sizes = [1], strides = [1]} : vector<16xi32> to vector<1xi32>
    %squeeze3A_83 = vector.extract %slice3A_82[0] : i32 from vector<1xi32>
    %and3A_84 = arith.andi %and3A_81, %squeeze3A_83 : i32
    %slice3A_85 = vector.extract_strided_slice %scan3A_60 {offsets = [9], sizes = [1], strides = [1]} : vector<16xi32> to vector<1xi32>
    %squeeze3A_86 = vector.extract %slice3A_85[0] : i32 from vector<1xi32>
    %and3A_87 = arith.andi %and3A_84, %squeeze3A_86 : i32
    %slice3A_88 = vector.extract_strided_slice %scan3A_60 {offsets = [10], sizes = [1], strides = [1]} : vector<16xi32> to vector<1xi32>
    %squeeze3A_89 = vector.extract %slice3A_88[0] : i32 from vector<1xi32>
    %and3A_90 = arith.andi %and3A_87, %squeeze3A_89 : i32
    %slice3A_91 = vector.extract_strided_slice %scan3A_60 {offsets = [11], sizes = [1], strides = [1]} : vector<16xi32> to vector<1xi32>
    %squeeze3A_92 = vector.extract %slice3A_91[0] : i32 from vector<1xi32>
    %and3A_93 = arith.andi %and3A_90, %squeeze3A_92 : i32
    %slice3A_94 = vector.extract_strided_slice %scan3A_60 {offsets = [12], sizes = [1], strides = [1]} : vector<16xi32> to vector<1xi32>
    %squeeze3A_95 = vector.extract %slice3A_94[0] : i32 from vector<1xi32>
    %and3A_96 = arith.andi %and3A_93, %squeeze3A_95 : i32
    %slice3A_97 = vector.extract_strided_slice %scan3A_60 {offsets = [13], sizes = [1], strides = [1]} : vector<16xi32> to vector<1xi32>
    %squeeze3A_98 = vector.extract %slice3A_97[0] : i32 from vector<1xi32>
    %and3A_99 = arith.andi %and3A_96, %squeeze3A_98 : i32
    %slice3A_100 = vector.extract_strided_slice %scan3A_60 {offsets = [14], sizes = [1], strides = [1]} : vector<16xi32> to vector<1xi32>
    %squeeze3A_101 = vector.extract %slice3A_100[0] : i32 from vector<1xi32>
    %and3A_102 = arith.andi %and3A_99, %squeeze3A_101 : i32
    %slice3A_103 = vector.extract_strided_slice %scan3A_60 {offsets = [15], sizes = [1], strides = [1]} : vector<16xi32> to vector<1xi32>
    %squeeze3A_104 = vector.extract %slice3A_103[0] : i32 from vector<1xi32>
    %and3A_105 = arith.andi %and3A_102, %squeeze3A_104 : i32
    %eq3A = arith.constant 1 : i32
    %eq3A_106 = arith.cmpi eq, %and3A_105, %eq3A : i32
    %add3A_107 = arith.constant 960 : i32
    %add3A_108 = arith.addi %mul3A_2, %add3A_107 : i32
    %dma_wait3A = arith.constant 0 : i32
    %dma_wait3A_109 = tpu.memref_slice %arg4[%add3A_108, %dma_wait3A] : memref<32768x1024xf32, #tpu.memory_space<hbm>> -> memref<8x1024xf32, #tpu.memory_space<hbm>>
    %dma_wait3A_110 = arith.constant 0 : i32
    %dma_wait3A_111 = tpu.memref_slice %arg4[%add3A_108, %dma_wait3A_110] : memref<32768x1024xf32, #tpu.memory_space<hbm>> -> memref<8x1024xf32, #tpu.memory_space<hbm>>
    tpu.wait_dma2 semaphore(%arg22 : memref<!tpu.dma_semaphore, #tpu.memory_space<semaphore_mem>>) src(%arg6 : memref<8x1024xf32, #tpu.memory_space<vmem>>) dst(%dma_wait3A_111 : memref<8x1024xf32, #tpu.memory_space<hbm>>)
    %add3A_112 = arith.constant 968 : i32
    %add3A_113 = arith.addi %mul3A_2, %add3A_112 : i32
    %dma_wait3A_114 = arith.constant 0 : i32
    %dma_wait3A_115 = tpu.memref_slice %arg4[%add3A_113, %dma_wait3A_114] : memref<32768x1024xf32, #tpu.memory_space<hbm>> -> memref<8x1024xf32, #tpu.memory_space<hbm>>
    %dma_wait3A_116 = arith.constant 0 : i32
    %dma_wait3A_117 = tpu.memref_slice %arg4[%add3A_113, %dma_wait3A_116] : memref<32768x1024xf32, #tpu.memory_space<hbm>> -> memref<8x1024xf32, #tpu.memory_space<hbm>>
    tpu.wait_dma2 semaphore(%arg23 : memref<!tpu.dma_semaphore, #tpu.memory_space<semaphore_mem>>) src(%arg7 : memref<8x1024xf32, #tpu.memory_space<vmem>>) dst(%dma_wait3A_117 : memref<8x1024xf32, #tpu.memory_space<hbm>>)
    %add3A_118 = arith.constant 976 : i32
    %add3A_119 = arith.addi %mul3A_2, %add3A_118 : i32
    %dma_wait3A_120 = arith.constant 0 : i32
    %dma_wait3A_121 = tpu.memref_slice %arg4[%add3A_119, %dma_wait3A_120] : memref<32768x1024xf32, #tpu.memory_space<hbm>> -> memref<8x1024xf32, #tpu.memory_space<hbm>>
    %dma_wait3A_122 = arith.constant 0 : i32
    %dma_wait3A_123 = tpu.memref_slice %arg4[%add3A_119, %dma_wait3A_122] : memref<32768x1024xf32, #tpu.memory_space<hbm>> -> memref<8x1024xf32, #tpu.memory_space<hbm>>
    tpu.wait_dma2 semaphore(%arg24 : memref<!tpu.dma_semaphore, #tpu.memory_space<semaphore_mem>>) src(%arg8 : memref<8x1024xf32, #tpu.memory_space<vmem>>) dst(%dma_wait3A_123 : memref<8x1024xf32, #tpu.memory_space<hbm>>)
    %add3A_124 = arith.constant 984 : i32
    %add3A_125 = arith.addi %mul3A_2, %add3A_124 : i32
    %dma_wait3A_126 = arith.constant 0 : i32
    %dma_wait3A_127 = tpu.memref_slice %arg4[%add3A_125, %dma_wait3A_126] : memref<32768x1024xf32, #tpu.memory_space<hbm>> -> memref<8x1024xf32, #tpu.memory_space<hbm>>
    %dma_wait3A_128 = arith.constant 0 : i32
    %dma_wait3A_129 = tpu.memref_slice %arg4[%add3A_125, %dma_wait3A_128] : memref<32768x1024xf32, #tpu.memory_space<hbm>> -> memref<8x1024xf32, #tpu.memory_space<hbm>>
    tpu.wait_dma2 semaphore(%arg25 : memref<!tpu.dma_semaphore, #tpu.memory_space<semaphore_mem>>) src(%arg9 : memref<8x1024xf32, #tpu.memory_space<vmem>>) dst(%dma_wait3A_129 : memref<8x1024xf32, #tpu.memory_space<hbm>>)
    %add3A_130 = arith.constant 992 : i32
    %add3A_131 = arith.addi %mul3A_2, %add3A_130 : i32
    %dma_wait3A_132 = arith.constant 0 : i32
    %dma_wait3A_133 = tpu.memref_slice %arg4[%add3A_131, %dma_wait3A_132] : memref<32768x1024xf32, #tpu.memory_space<hbm>> -> memref<8x1024xf32, #tpu.memory_space<hbm>>
    %dma_wait3A_134 = arith.constant 0 : i32
    %dma_wait3A_135 = tpu.memref_slice %arg4[%add3A_131, %dma_wait3A_134] : memref<32768x1024xf32, #tpu.memory_space<hbm>> -> memref<8x1024xf32, #tpu.memory_space<hbm>>
    tpu.wait_dma2 semaphore(%arg26 : memref<!tpu.dma_semaphore, #tpu.memory_space<semaphore_mem>>) src(%arg10 : memref<8x1024xf32, #tpu.memory_space<vmem>>) dst(%dma_wait3A_135 : memref<8x1024xf32, #tpu.memory_space<hbm>>)
    %add3A_136 = arith.constant 1000 : i32
    %add3A_137 = arith.addi %mul3A_2, %add3A_136 : i32
    %dma_wait3A_138 = arith.constant 0 : i32
    %dma_wait3A_139 = tpu.memref_slice %arg4[%add3A_137, %dma_wait3A_138] : memref<32768x1024xf32, #tpu.memory_space<hbm>> -> memref<8x1024xf32, #tpu.memory_space<hbm>>
    %dma_wait3A_140 = arith.constant 0 : i32
    %dma_wait3A_141 = tpu.memref_slice %arg4[%add3A_137, %dma_wait3A_140] : memref<32768x1024xf32, #tpu.memory_space<hbm>> -> memref<8x1024xf32, #tpu.memory_space<hbm>>
    tpu.wait_dma2 semaphore(%arg27 : memref<!tpu.dma_semaphore, #tpu.memory_space<semaphore_mem>>) src(%arg11 : memref<8x1024xf32, #tpu.memory_space<vmem>>) dst(%dma_wait3A_141 : memref<8x1024xf32, #tpu.memory_space<hbm>>)
    %add3A_142 = arith.constant 1008 : i32
    %add3A_143 = arith.addi %mul3A_2, %add3A_142 : i32
    %dma_wait3A_144 = arith.constant 0 : i32
    %dma_wait3A_145 = tpu.memref_slice %arg4[%add3A_143, %dma_wait3A_144] : memref<32768x1024xf32, #tpu.memory_space<hbm>> -> memref<8x1024xf32, #tpu.memory_space<hbm>>
    %dma_wait3A_146 = arith.constant 0 : i32
    %dma_wait3A_147 = tpu.memref_slice %arg4[%add3A_143, %dma_wait3A_146] : memref<32768x1024xf32, #tpu.memory_space<hbm>> -> memref<8x1024xf32, #tpu.memory_space<hbm>>
    tpu.wait_dma2 semaphore(%arg28 : memref<!tpu.dma_semaphore, #tpu.memory_space<semaphore_mem>>) src(%arg12 : memref<8x1024xf32, #tpu.memory_space<vmem>>) dst(%dma_wait3A_147 : memref<8x1024xf32, #tpu.memory_space<hbm>>)
    %add3A_148 = arith.constant 1016 : i32
    %add3A_149 = arith.addi %mul3A_2, %add3A_148 : i32
    %dma_wait3A_150 = arith.constant 0 : i32
    %dma_wait3A_151 = tpu.memref_slice %arg4[%add3A_149, %dma_wait3A_150] : memref<32768x1024xf32, #tpu.memory_space<hbm>> -> memref<8x1024xf32, #tpu.memory_space<hbm>>
    %dma_wait3A_152 = arith.constant 0 : i32
    %dma_wait3A_153 = tpu.memref_slice %arg4[%add3A_149, %dma_wait3A_152] : memref<32768x1024xf32, #tpu.memory_space<hbm>> -> memref<8x1024xf32, #tpu.memory_space<hbm>>
    tpu.wait_dma2 semaphore(%arg29 : memref<!tpu.dma_semaphore, #tpu.memory_space<semaphore_mem>>) src(%arg13 : memref<8x1024xf32, #tpu.memory_space<vmem>>) dst(%dma_wait3A_153 : memref<8x1024xf32, #tpu.memory_space<hbm>>)
    %not3A = arith.constant true
    %not3A_154 = arith.xori %eq3A_106, %not3A : i1
    %convert_element_type3A = arith.extui %not3A_154 : i1 to i32
    %cond3A = arith.constant 0 : i32
    %cond3A_155 = arith.cmpi ne, %convert_element_type3A, %cond3A : i32
    scf.if %cond3A_155 {
      %scan3A_156 = arith.constant 0 : i32
      %scan3A_157 = arith.constant 0 : i32
      %scan3A_158 = arith.constant 64 : i32
      %scan3A_159 = arith.addi %scan3A_157, %scan3A_158 : i32
      %scan3A_160 = arith.constant 1 : i32
      scf.for %scan3A_168 = %scan3A_157 to %scan3A_159 step %scan3A_160  : i32 {
        %broadcast_in_dim3A_169 = arith.constant 0.000000e+00 : f32
        %broadcast_in_dim3A_170 = vector.broadcast %broadcast_in_dim3A_169 : f32 to vector<16xf32>
        %mul3A_171 = arith.constant 16 : i32
        %mul3A_172 = arith.muli %scan3A_168, %mul3A_171 : i32
        %swap3A = arith.constant 0 : i32
        %swap3A_173 = arith.index_cast %swap3A : i32 to index
        %swap3A_174 = arith.index_cast %mul3A_172 : i32 to index
        %swap3A_175 = tpu.vector_load %arg6[%swap3A_173, %swap3A_174] {strides = array<i32>} : memref<8x1024xf32, #tpu.memory_space<vmem>>, vector<1x16xf32>,
        %swap3A_176 = vector.shape_cast %swap3A_175 : vector<1x16xf32> to vector<16xf32>
        %swap3A_177 = vector.shape_cast %broadcast_in_dim3A_170 : vector<16xf32> to vector<1x16xf32>
        tpu.vector_store %arg6[%swap3A_173, %swap3A_174], %swap3A_177 {strides = array<i32>} : memref<8x1024xf32, #tpu.memory_space<vmem>>, vector<1x16xf32>,
      }
      %scan3A_161 = arith.constant 64 : i32
      %scan3A_162 = arith.constant 0 : i32
      %scan3A_163 = arith.constant 0 : i32
      %scan3A_164 = arith.constant 64 : i32
      %scan3A_165 = arith.addi %scan3A_163, %scan3A_164 : i32
      %scan3A_166 = arith.constant 1 : i32
      scf.for %scan3A_168 = %scan3A_163 to %scan3A_165 step %scan3A_166  : i32 {
        %mul3A_169 = arith.constant 16 : i32
        %mul3A_170 = arith.muli %scan3A_168, %mul3A_169 : i32
        %get3A = arith.index_cast %mul3A_170 : i32 to index
        %get3A_171 = tpu.vector_load %arg5[%get3A] {strides = array<i32>} : memref<1024xi32, #tpu.memory_space<vmem>>, vector<16xi32>,
        %get3A_172 = vector.shape_cast %get3A_171 : vector<16xi32> to vector<16xi32>
        %slice3A_173 = vector.extract_strided_slice %get3A_172 {offsets = [0], sizes = [1], strides = [1]} : vector<16xi32> to vector<1xi32>
        %squeeze3A_174 = vector.extract %slice3A_173[0] : i32 from vector<1xi32>
        %lt3A = arith.constant 0 : i32
        %lt3A_175 = arith.cmpi slt, %squeeze3A_174, %lt3A : i32
        %ge3A = arith.constant 64 : i32
        %ge3A_176 = arith.cmpi sge, %squeeze3A_174, %ge3A : i32
        %or3A = arith.ori %lt3A_175, %ge3A_176 : i1
        %convert_element_type3A_177 = arith.extui %or3A : i1 to i32
        %cond3A_178 = arith.constant 0 : i32
        %cond3A_179 = arith.cmpi ne, %convert_element_type3A_177, %cond3A_178 : i32
        scf.if %cond3A_179 {
          %mul3A_330 = arith.constant 16 : i32
          %mul3A_331 = arith.muli %scan3A_168, %mul3A_330 : i32
          %add3A_332 = arith.addi %mul3A_2, %mul3A_331 : i32
          %add3A_333 = arith.constant 0 : i32
          %add3A_334 = arith.addi %add3A_332, %add3A_333 : i32
          "tpu.region"() ({
            %run_scoped3A = tpu.sem_alloc : memref<!tpu.dma_semaphore, #tpu.memory_space<semaphore_mem>>
            %dma_start3A_335 = arith.constant 0 : i32
            %dma_start3A_336 = arith.constant 0 : i32
            %dma_start3A_337 = tpu.memref_slice %arg6[%dma_start3A_335, %dma_start3A_336] : memref<8x1024xf32, #tpu.memory_space<vmem>> -> memref<1x1024xf32, #tpu.memory_space<vmem>>
            %dma_start3A_338 = arith.constant 0 : i32
            %dma_start3A_339 = tpu.memref_slice %arg4[%add3A_334, %dma_start3A_338] : memref<32768x1024xf32, #tpu.memory_space<hbm>> -> memref<1x1024xf32, #tpu.memory_space<hbm>>
            %dma_start3A_340 = arith.constant 0 : i32
            %dma_start3A_341 = tpu.memref_slice %arg4[%add3A_334, %dma_start3A_340] : memref<32768x1024xf32, #tpu.memory_space<hbm>> -> memref<1x1024xf32, #tpu.memory_space<hbm>>
            %dma_start3A_342 = arith.constant 0 : i32
            %dma_start3A_343 = arith.constant 0 : i32
            %dma_start3A_344 = tpu.memref_slice %arg6[%dma_start3A_342, %dma_start3A_343] : memref<8x1024xf32, #tpu.memory_space<vmem>> -> memref<1x1024xf32, #tpu.memory_space<vmem>>
            tpu.enqueue_dma source(%dma_start3A_344 : memref<1x1024xf32, #tpu.memory_space<vmem>>) target(%dma_start3A_341 : memref<1x1024xf32, #tpu.memory_space<hbm>>) target_semaphore(%run_scoped3A : memref<!tpu.dma_semaphore, #tpu.memory_space<semaphore_mem>>)
            %dma_wait3A_345 = arith.constant 0 : i32
            %dma_wait3A_346 = arith.constant 0 : i32
            %dma_wait3A_347 = tpu.memref_slice %arg6[%dma_wait3A_345, %dma_wait3A_346] : memref<8x1024xf32, #tpu.memory_space<vmem>> -> memref<1x1024xf32, #tpu.memory_space<vmem>>
            %dma_wait3A_348 = arith.constant 0 : i32
            %dma_wait3A_349 = tpu.memref_slice %arg4[%add3A_334, %dma_wait3A_348] : memref<32768x1024xf32, #tpu.memory_space<hbm>> -> memref<1x1024xf32, #tpu.memory_space<hbm>>
            %dma_wait3A_350 = arith.constant 0 : i32
            %dma_wait3A_351 = tpu.memref_slice %arg4[%add3A_334, %dma_wait3A_350] : memref<32768x1024xf32, #tpu.memory_space<hbm>> -> memref<1x1024xf32, #tpu.memory_space<hbm>>
            %dma_wait3A_352 = arith.constant 0 : i32
            %dma_wait3A_353 = arith.constant 0 : i32
            %dma_wait3A_354 = tpu.memref_slice %arg6[%dma_wait3A_352, %dma_wait3A_353] : memref<8x1024xf32, #tpu.memory_space<vmem>> -> memref<1x1024xf32, #tpu.memory_space<vmem>>
            tpu.wait_dma2 semaphore(%run_scoped3A : memref<!tpu.dma_semaphore, #tpu.memory_space<semaphore_mem>>) src(%dma_wait3A_354 : memref<1x1024xf32, #tpu.memory_space<vmem>>) dst(%dma_wait3A_351 : memref<1x1024xf32, #tpu.memory_space<hbm>>)
            tpu.yield
          }) : () -> ()
        } else {
        }
        %slice3A_180 = vector.extract_strided_slice %get3A_172 {offsets = [1], sizes = [1], strides = [1]} : vector<16xi32> to vector<1xi32>
        %squeeze3A_181 = vector.extract %slice3A_180[0] : i32 from vector<1xi32>
        %lt3A_182 = arith.constant 0 : i32
        %lt3A_183 = arith.cmpi slt, %squeeze3A_181, %lt3A_182 : i32
        %ge3A_184 = arith.constant 64 : i32
        %ge3A_185 = arith.cmpi sge, %squeeze3A_181, %ge3A_184 : i32
        %or3A_186 = arith.ori %lt3A_183, %ge3A_185 : i1
        %convert_element_type3A_187 = arith.extui %or3A_186 : i1 to i32
        %cond3A_188 = arith.constant 0 : i32
        %cond3A_189 = arith.cmpi ne, %convert_element_type3A_187, %cond3A_188 : i32
        scf.if %cond3A_189 {
          %mul3A_330 = arith.constant 16 : i32
          %mul3A_331 = arith.muli %scan3A_168, %mul3A_330 : i32
          %add3A_332 = arith.addi %mul3A_2, %mul3A_331 : i32
          %add3A_333 = arith.constant 1 : i32
          %add3A_334 = arith.addi %add3A_332, %add3A_333 : i32
          "tpu.region"() ({
            %run_scoped3A = tpu.sem_alloc : memref<!tpu.dma_semaphore, #tpu.memory_space<semaphore_mem>>
            %dma_start3A_335 = arith.constant 0 : i32
            %dma_start3A_336 = arith.constant 0 : i32
            %dma_start3A_337 = tpu.memref_slice %arg6[%dma_start3A_335, %dma_start3A_336] : memref<8x1024xf32, #tpu.memory_space<vmem>> -> memref<1x1024xf32, #tpu.memory_space<vmem>>
            %dma_start3A_338 = arith.constant 0 : i32
            %dma_start3A_339 = tpu.memref_slice %arg4[%add3A_334, %dma_start3A_338] : memref<32768x1024xf32, #tpu.memory_space<hbm>> -> memref<1x1024xf32, #tpu.memory_space<hbm>>
            %dma_start3A_340 = arith.constant 0 : i32
            %dma_start3A_341 = tpu.memref_slice %arg4[%add3A_334, %dma_start3A_340] : memref<32768x1024xf32, #tpu.memory_space<hbm>> -> memref<1x1024xf32, #tpu.memory_space<hbm>>
            %dma_start3A_342 = arith.constant 0 : i32
            %dma_start3A_343 = arith.constant 0 : i32
            %dma_start3A_344 = tpu.memref_slice %arg6[%dma_start3A_342, %dma_start3A_343] : memref<8x1024xf32, #tpu.memory_space<vmem>> -> memref<1x1024xf32, #tpu.memory_space<vmem>>
            tpu.enqueue_dma source(%dma_start3A_344 : memref<1x1024xf32, #tpu.memory_space<vmem>>) target(%dma_start3A_341 : memref<1x1024xf32, #tpu.memory_space<hbm>>) target_semaphore(%run_scoped3A : memref<!tpu.dma_semaphore, #tpu.memory_space<semaphore_mem>>)
            %dma_wait3A_345 = arith.constant 0 : i32
            %dma_wait3A_346 = arith.constant 0 : i32
            %dma_wait3A_347 = tpu.memref_slice %arg6[%dma_wait3A_345, %dma_wait3A_346] : memref<8x1024xf32, #tpu.memory_space<vmem>> -> memref<1x1024xf32, #tpu.memory_space<vmem>>
            %dma_wait3A_348 = arith.constant 0 : i32
            %dma_wait3A_349 = tpu.memref_slice %arg4[%add3A_334, %dma_wait3A_348] : memref<32768x1024xf32, #tpu.memory_space<hbm>> -> memref<1x1024xf32, #tpu.memory_space<hbm>>
            %dma_wait3A_350 = arith.constant 0 : i32
            %dma_wait3A_351 = tpu.memref_slice %arg4[%add3A_334, %dma_wait3A_350] : memref<32768x1024xf32, #tpu.memory_space<hbm>> -> memref<1x1024xf32, #tpu.memory_space<hbm>>
            %dma_wait3A_352 = arith.constant 0 : i32
            %dma_wait3A_353 = arith.constant 0 : i32
            %dma_wait3A_354 = tpu.memref_slice %arg6[%dma_wait3A_352, %dma_wait3A_353] : memref<8x1024xf32, #tpu.memory_space<vmem>> -> memref<1x1024xf32, #tpu.memory_space<vmem>>
            tpu.wait_dma2 semaphore(%run_scoped3A : memref<!tpu.dma_semaphore, #tpu.memory_space<semaphore_mem>>) src(%dma_wait3A_354 : memref<1x1024xf32, #tpu.memory_space<vmem>>) dst(%dma_wait3A_351 : memref<1x1024xf32, #tpu.memory_space<hbm>>)
            tpu.yield
          }) : () -> ()
        } else {
        }
        %slice3A_190 = vector.extract_strided_slice %get3A_172 {offsets = [2], sizes = [1], strides = [1]} : vector<16xi32> to vector<1xi32>
        %squeeze3A_191 = vector.extract %slice3A_190[0] : i32 from vector<1xi32>
        %lt3A_192 = arith.constant 0 : i32
        %lt3A_193 = arith.cmpi slt, %squeeze3A_191, %lt3A_192 : i32
        %ge3A_194 = arith.constant 64 : i32
        %ge3A_195 = arith.cmpi sge, %squeeze3A_191, %ge3A_194 : i32
        %or3A_196 = arith.ori %lt3A_193, %ge3A_195 : i1
        %convert_element_type3A_197 = arith.extui %or3A_196 : i1 to i32
        %cond3A_198 = arith.constant 0 : i32
        %cond3A_199 = arith.cmpi ne, %convert_element_type3A_197, %cond3A_198 : i32
        scf.if %cond3A_199 {
          %mul3A_330 = arith.constant 16 : i32
          %mul3A_331 = arith.muli %scan3A_168, %mul3A_330 : i32
          %add3A_332 = arith.addi %mul3A_2, %mul3A_331 : i32
          %add3A_333 = arith.constant 2 : i32
          %add3A_334 = arith.addi %add3A_332, %add3A_333 : i32
          "tpu.region"() ({
            %run_scoped3A = tpu.sem_alloc : memref<!tpu.dma_semaphore, #tpu.memory_space<semaphore_mem>>
            %dma_start3A_335 = arith.constant 0 : i32
            %dma_start3A_336 = arith.constant 0 : i32
            %dma_start3A_337 = tpu.memref_slice %arg6[%dma_start3A_335, %dma_start3A_336] : memref<8x1024xf32, #tpu.memory_space<vmem>> -> memref<1x1024xf32, #tpu.memory_space<vmem>>
            %dma_start3A_338 = arith.constant 0 : i32
            %dma_start3A_339 = tpu.memref_slice %arg4[%add3A_334, %dma_start3A_338] : memref<32768x1024xf32, #tpu.memory_space<hbm>> -> memref<1x1024xf32, #tpu.memory_space<hbm>>
            %dma_start3A_340 = arith.constant 0 : i32
            %dma_start3A_341 = tpu.memref_slice %arg4[%add3A_334, %dma_start3A_340] : memref<32768x1024xf32, #tpu.memory_space<hbm>> -> memref<1x1024xf32, #tpu.memory_space<hbm>>
            %dma_start3A_342 = arith.constant 0 : i32
            %dma_start3A_343 = arith.constant 0 : i32
            %dma_start3A_344 = tpu.memref_slice %arg6[%dma_start3A_342, %dma_start3A_343] : memref<8x1024xf32, #tpu.memory_space<vmem>> -> memref<1x1024xf32, #tpu.memory_space<vmem>>
            tpu.enqueue_dma source(%dma_start3A_344 : memref<1x1024xf32, #tpu.memory_space<vmem>>) target(%dma_start3A_341 : memref<1x1024xf32, #tpu.memory_space<hbm>>) target_semaphore(%run_scoped3A : memref<!tpu.dma_semaphore, #tpu.memory_space<semaphore_mem>>)
            %dma_wait3A_345 = arith.constant 0 : i32
            %dma_wait3A_346 = arith.constant 0 : i32
            %dma_wait3A_347 = tpu.memref_slice %arg6[%dma_wait3A_345, %dma_wait3A_346] : memref<8x1024xf32, #tpu.memory_space<vmem>> -> memref<1x1024xf32, #tpu.memory_space<vmem>>
            %dma_wait3A_348 = arith.constant 0 : i32
            %dma_wait3A_349 = tpu.memref_slice %arg4[%add3A_334, %dma_wait3A_348] : memref<32768x1024xf32, #tpu.memory_space<hbm>> -> memref<1x1024xf32, #tpu.memory_space<hbm>>
            %dma_wait3A_350 = arith.constant 0 : i32
            %dma_wait3A_351 = tpu.memref_slice %arg4[%add3A_334, %dma_wait3A_350] : memref<32768x1024xf32, #tpu.memory_space<hbm>> -> memref<1x1024xf32, #tpu.memory_space<hbm>>
            %dma_wait3A_352 = arith.constant 0 : i32
            %dma_wait3A_353 = arith.constant 0 : i32
            %dma_wait3A_354 = tpu.memref_slice %arg6[%dma_wait3A_352, %dma_wait3A_353] : memref<8x1024xf32, #tpu.memory_space<vmem>> -> memref<1x1024xf32, #tpu.memory_space<vmem>>
            tpu.wait_dma2 semaphore(%run_scoped3A : memref<!tpu.dma_semaphore, #tpu.memory_space<semaphore_mem>>) src(%dma_wait3A_354 : memref<1x1024xf32, #tpu.memory_space<vmem>>) dst(%dma_wait3A_351 : memref<1x1024xf32, #tpu.memory_space<hbm>>)
            tpu.yield
          }) : () -> ()
        } else {
        }
        %slice3A_200 = vector.extract_strided_slice %get3A_172 {offsets = [3], sizes = [1], strides = [1]} : vector<16xi32> to vector<1xi32>
        %squeeze3A_201 = vector.extract %slice3A_200[0] : i32 from vector<1xi32>
        %lt3A_202 = arith.constant 0 : i32
        %lt3A_203 = arith.cmpi slt, %squeeze3A_201, %lt3A_202 : i32
        %ge3A_204 = arith.constant 64 : i32
        %ge3A_205 = arith.cmpi sge, %squeeze3A_201, %ge3A_204 : i32
        %or3A_206 = arith.ori %lt3A_203, %ge3A_205 : i1
        %convert_element_type3A_207 = arith.extui %or3A_206 : i1 to i32
        %cond3A_208 = arith.constant 0 : i32
        %cond3A_209 = arith.cmpi ne, %convert_element_type3A_207, %cond3A_208 : i32
        scf.if %cond3A_209 {
          %mul3A_330 = arith.constant 16 : i32
          %mul3A_331 = arith.muli %scan3A_168, %mul3A_330 : i32
          %add3A_332 = arith.addi %mul3A_2, %mul3A_331 : i32
          %add3A_333 = arith.constant 3 : i32
          %add3A_334 = arith.addi %add3A_332, %add3A_333 : i32
          "tpu.region"() ({
            %run_scoped3A = tpu.sem_alloc : memref<!tpu.dma_semaphore, #tpu.memory_space<semaphore_mem>>
            %dma_start3A_335 = arith.constant 0 : i32
            %dma_start3A_336 = arith.constant 0 : i32
            %dma_start3A_337 = tpu.memref_slice %arg6[%dma_start3A_335, %dma_start3A_336] : memref<8x1024xf32, #tpu.memory_space<vmem>> -> memref<1x1024xf32, #tpu.memory_space<vmem>>
            %dma_start3A_338 = arith.constant 0 : i32
            %dma_start3A_339 = tpu.memref_slice %arg4[%add3A_334, %dma_start3A_338] : memref<32768x1024xf32, #tpu.memory_space<hbm>> -> memref<1x1024xf32, #tpu.memory_space<hbm>>
            %dma_start3A_340 = arith.constant 0 : i32
            %dma_start3A_341 = tpu.memref_slice %arg4[%add3A_334, %dma_start3A_340] : memref<32768x1024xf32, #tpu.memory_space<hbm>> -> memref<1x1024xf32, #tpu.memory_space<hbm>>
            %dma_start3A_342 = arith.constant 0 : i32
            %dma_start3A_343 = arith.constant 0 : i32
            %dma_start3A_344 = tpu.memref_slice %arg6[%dma_start3A_342, %dma_start3A_343] : memref<8x1024xf32, #tpu.memory_space<vmem>> -> memref<1x1024xf32, #tpu.memory_space<vmem>>
            tpu.enqueue_dma source(%dma_start3A_344 : memref<1x1024xf32, #tpu.memory_space<vmem>>) target(%dma_start3A_341 : memref<1x1024xf32, #tpu.memory_space<hbm>>) target_semaphore(%run_scoped3A : memref<!tpu.dma_semaphore, #tpu.memory_space<semaphore_mem>>)
            %dma_wait3A_345 = arith.constant 0 : i32
            %dma_wait3A_346 = arith.constant 0 : i32
            %dma_wait3A_347 = tpu.memref_slice %arg6[%dma_wait3A_345, %dma_wait3A_346] : memref<8x1024xf32, #tpu.memory_space<vmem>> -> memref<1x1024xf32, #tpu.memory_space<vmem>>
            %dma_wait3A_348 = arith.constant 0 : i32
            %dma_wait3A_349 = tpu.memref_slice %arg4[%add3A_334, %dma_wait3A_348] : memref<32768x1024xf32, #tpu.memory_space<hbm>> -> memref<1x1024xf32, #tpu.memory_space<hbm>>
            %dma_wait3A_350 = arith.constant 0 : i32
            %dma_wait3A_351 = tpu.memref_slice %arg4[%add3A_334, %dma_wait3A_350] : memref<32768x1024xf32, #tpu.memory_space<hbm>> -> memref<1x1024xf32, #tpu.memory_space<hbm>>
            %dma_wait3A_352 = arith.constant 0 : i32
            %dma_wait3A_353 = arith.constant 0 : i32
            %dma_wait3A_354 = tpu.memref_slice %arg6[%dma_wait3A_352, %dma_wait3A_353] : memref<8x1024xf32, #tpu.memory_space<vmem>> -> memref<1x1024xf32, #tpu.memory_space<vmem>>
            tpu.wait_dma2 semaphore(%run_scoped3A : memref<!tpu.dma_semaphore, #tpu.memory_space<semaphore_mem>>) src(%dma_wait3A_354 : memref<1x1024xf32, #tpu.memory_space<vmem>>) dst(%dma_wait3A_351 : memref<1x1024xf32, #tpu.memory_space<hbm>>)
            tpu.yield
          }) : () -> ()
        } else {
        }
        %slice3A_210 = vector.extract_strided_slice %get3A_172 {offsets = [4], sizes = [1], strides = [1]} : vector<16xi32> to vector<1xi32>
        %squeeze3A_211 = vector.extract %slice3A_210[0] : i32 from vector<1xi32>
        %lt3A_212 = arith.constant 0 : i32
        %lt3A_213 = arith.cmpi slt, %squeeze3A_211, %lt3A_212 : i32
        %ge3A_214 = arith.constant 64 : i32
        %ge3A_215 = arith.cmpi sge, %squeeze3A_211, %ge3A_214 : i32
        %or3A_216 = arith.ori %lt3A_213, %ge3A_215 : i1
        %convert_element_type3A_217 = arith.extui %or3A_216 : i1 to i32
        %cond3A_218 = arith.constant 0 : i32
        %cond3A_219 = arith.cmpi ne, %convert_element_type3A_217, %cond3A_218 : i32
        scf.if %cond3A_219 {
          %mul3A_330 = arith.constant 16 : i32
          %mul3A_331 = arith.muli %scan3A_168, %mul3A_330 : i32
          %add3A_332 = arith.addi %mul3A_2, %mul3A_331 : i32
          %add3A_333 = arith.constant 4 : i32
          %add3A_334 = arith.addi %add3A_332, %add3A_333 : i32
          "tpu.region"() ({
            %run_scoped3A = tpu.sem_alloc : memref<!tpu.dma_semaphore, #tpu.memory_space<semaphore_mem>>
            %dma_start3A_335 = arith.constant 0 : i32
            %dma_start3A_336 = arith.constant 0 : i32
            %dma_start3A_337 = tpu.memref_slice %arg6[%dma_start3A_335, %dma_start3A_336] : memref<8x1024xf32, #tpu.memory_space<vmem>> -> memref<1x1024xf32, #tpu.memory_space<vmem>>
            %dma_start3A_338 = arith.constant 0 : i32
            %dma_start3A_339 = tpu.memref_slice %arg4[%add3A_334, %dma_start3A_338] : memref<32768x1024xf32, #tpu.memory_space<hbm>> -> memref<1x1024xf32, #tpu.memory_space<hbm>>
            %dma_start3A_340 = arith.constant 0 : i32
            %dma_start3A_341 = tpu.memref_slice %arg4[%add3A_334, %dma_start3A_340] : memref<32768x1024xf32, #tpu.memory_space<hbm>> -> memref<1x1024xf32, #tpu.memory_space<hbm>>
            %dma_start3A_342 = arith.constant 0 : i32
            %dma_start3A_343 = arith.constant 0 : i32
            %dma_start3A_344 = tpu.memref_slice %arg6[%dma_start3A_342, %dma_start3A_343] : memref<8x1024xf32, #tpu.memory_space<vmem>> -> memref<1x1024xf32, #tpu.memory_space<vmem>>
            tpu.enqueue_dma source(%dma_start3A_344 : memref<1x1024xf32, #tpu.memory_space<vmem>>) target(%dma_start3A_341 : memref<1x1024xf32, #tpu.memory_space<hbm>>) target_semaphore(%run_scoped3A : memref<!tpu.dma_semaphore, #tpu.memory_space<semaphore_mem>>)
            %dma_wait3A_345 = arith.constant 0 : i32
            %dma_wait3A_346 = arith.constant 0 : i32
            %dma_wait3A_347 = tpu.memref_slice %arg6[%dma_wait3A_345, %dma_wait3A_346] : memref<8x1024xf32, #tpu.memory_space<vmem>> -> memref<1x1024xf32, #tpu.memory_space<vmem>>
            %dma_wait3A_348 = arith.constant 0 : i32
            %dma_wait3A_349 = tpu.memref_slice %arg4[%add3A_334, %dma_wait3A_348] : memref<32768x1024xf32, #tpu.memory_space<hbm>> -> memref<1x1024xf32, #tpu.memory_space<hbm>>
            %dma_wait3A_350 = arith.constant 0 : i32
            %dma_wait3A_351 = tpu.memref_slice %arg4[%add3A_334, %dma_wait3A_350] : memref<32768x1024xf32, #tpu.memory_space<hbm>> -> memref<1x1024xf32, #tpu.memory_space<hbm>>
            %dma_wait3A_352 = arith.constant 0 : i32
            %dma_wait3A_353 = arith.constant 0 : i32
            %dma_wait3A_354 = tpu.memref_slice %arg6[%dma_wait3A_352, %dma_wait3A_353] : memref<8x1024xf32, #tpu.memory_space<vmem>> -> memref<1x1024xf32, #tpu.memory_space<vmem>>
            tpu.wait_dma2 semaphore(%run_scoped3A : memref<!tpu.dma_semaphore, #tpu.memory_space<semaphore_mem>>) src(%dma_wait3A_354 : memref<1x1024xf32, #tpu.memory_space<vmem>>) dst(%dma_wait3A_351 : memref<1x1024xf32, #tpu.memory_space<hbm>>)
            tpu.yield
          }) : () -> ()
        } else {
        }
        %slice3A_220 = vector.extract_strided_slice %get3A_172 {offsets = [5], sizes = [1], strides = [1]} : vector<16xi32> to vector<1xi32>
        %squeeze3A_221 = vector.extract %slice3A_220[0] : i32 from vector<1xi32>
        %lt3A_222 = arith.constant 0 : i32
        %lt3A_223 = arith.cmpi slt, %squeeze3A_221, %lt3A_222 : i32
        %ge3A_224 = arith.constant 64 : i32
        %ge3A_225 = arith.cmpi sge, %squeeze3A_221, %ge3A_224 : i32
        %or3A_226 = arith.ori %lt3A_223, %ge3A_225 : i1
        %convert_element_type3A_227 = arith.extui %or3A_226 : i1 to i32
        %cond3A_228 = arith.constant 0 : i32
        %cond3A_229 = arith.cmpi ne, %convert_element_type3A_227, %cond3A_228 : i32
        scf.if %cond3A_229 {
          %mul3A_330 = arith.constant 16 : i32
          %mul3A_331 = arith.muli %scan3A_168, %mul3A_330 : i32
          %add3A_332 = arith.addi %mul3A_2, %mul3A_331 : i32
          %add3A_333 = arith.constant 5 : i32
          %add3A_334 = arith.addi %add3A_332, %add3A_333 : i32
          "tpu.region"() ({
            %run_scoped3A = tpu.sem_alloc : memref<!tpu.dma_semaphore, #tpu.memory_space<semaphore_mem>>
            %dma_start3A_335 = arith.constant 0 : i32
            %dma_start3A_336 = arith.constant 0 : i32
            %dma_start3A_337 = tpu.memref_slice %arg6[%dma_start3A_335, %dma_start3A_336] : memref<8x1024xf32, #tpu.memory_space<vmem>> -> memref<1x1024xf32, #tpu.memory_space<vmem>>
            %dma_start3A_338 = arith.constant 0 : i32
            %dma_start3A_339 = tpu.memref_slice %arg4[%add3A_334, %dma_start3A_338] : memref<32768x1024xf32, #tpu.memory_space<hbm>> -> memref<1x1024xf32, #tpu.memory_space<hbm>>
            %dma_start3A_340 = arith.constant 0 : i32
            %dma_start3A_341 = tpu.memref_slice %arg4[%add3A_334, %dma_start3A_340] : memref<32768x1024xf32, #tpu.memory_space<hbm>> -> memref<1x1024xf32, #tpu.memory_space<hbm>>
            %dma_start3A_342 = arith.constant 0 : i32
            %dma_start3A_343 = arith.constant 0 : i32
            %dma_start3A_344 = tpu.memref_slice %arg6[%dma_start3A_342, %dma_start3A_343] : memref<8x1024xf32, #tpu.memory_space<vmem>> -> memref<1x1024xf32, #tpu.memory_space<vmem>>
            tpu.enqueue_dma source(%dma_start3A_344 : memref<1x1024xf32, #tpu.memory_space<vmem>>) target(%dma_start3A_341 : memref<1x1024xf32, #tpu.memory_space<hbm>>) target_semaphore(%run_scoped3A : memref<!tpu.dma_semaphore, #tpu.memory_space<semaphore_mem>>)
            %dma_wait3A_345 = arith.constant 0 : i32
            %dma_wait3A_346 = arith.constant 0 : i32
            %dma_wait3A_347 = tpu.memref_slice %arg6[%dma_wait3A_345, %dma_wait3A_346] : memref<8x1024xf32, #tpu.memory_space<vmem>> -> memref<1x1024xf32, #tpu.memory_space<vmem>>
            %dma_wait3A_348 = arith.constant 0 : i32
            %dma_wait3A_349 = tpu.memref_slice %arg4[%add3A_334, %dma_wait3A_348] : memref<32768x1024xf32, #tpu.memory_space<hbm>> -> memref<1x1024xf32, #tpu.memory_space<hbm>>
            %dma_wait3A_350 = arith.constant 0 : i32
            %dma_wait3A_351 = tpu.memref_slice %arg4[%add3A_334, %dma_wait3A_350] : memref<32768x1024xf32, #tpu.memory_space<hbm>> -> memref<1x1024xf32, #tpu.memory_space<hbm>>
            %dma_wait3A_352 = arith.constant 0 : i32
            %dma_wait3A_353 = arith.constant 0 : i32
            %dma_wait3A_354 = tpu.memref_slice %arg6[%dma_wait3A_352, %dma_wait3A_353] : memref<8x1024xf32, #tpu.memory_space<vmem>> -> memref<1x1024xf32, #tpu.memory_space<vmem>>
            tpu.wait_dma2 semaphore(%run_scoped3A : memref<!tpu.dma_semaphore, #tpu.memory_space<semaphore_mem>>) src(%dma_wait3A_354 : memref<1x1024xf32, #tpu.memory_space<vmem>>) dst(%dma_wait3A_351 : memref<1x1024xf32, #tpu.memory_space<hbm>>)
            tpu.yield
          }) : () -> ()
        } else {
        }
        %slice3A_230 = vector.extract_strided_slice %get3A_172 {offsets = [6], sizes = [1], strides = [1]} : vector<16xi32> to vector<1xi32>
        %squeeze3A_231 = vector.extract %slice3A_230[0] : i32 from vector<1xi32>
        %lt3A_232 = arith.constant 0 : i32
        %lt3A_233 = arith.cmpi slt, %squeeze3A_231, %lt3A_232 : i32
        %ge3A_234 = arith.constant 64 : i32
        %ge3A_235 = arith.cmpi sge, %squeeze3A_231, %ge3A_234 : i32
        %or3A_236 = arith.ori %lt3A_233, %ge3A_235 : i1
        %convert_element_type3A_237 = arith.extui %or3A_236 : i1 to i32
        %cond3A_238 = arith.constant 0 : i32
        %cond3A_239 = arith.cmpi ne, %convert_element_type3A_237, %cond3A_238 : i32
        scf.if %cond3A_239 {
          %mul3A_330 = arith.constant 16 : i32
          %mul3A_331 = arith.muli %scan3A_168, %mul3A_330 : i32
          %add3A_332 = arith.addi %mul3A_2, %mul3A_331 : i32
          %add3A_333 = arith.constant 6 : i32
          %add3A_334 = arith.addi %add3A_332, %add3A_333 : i32
          "tpu.region"() ({
            %run_scoped3A = tpu.sem_alloc : memref<!tpu.dma_semaphore, #tpu.memory_space<semaphore_mem>>
            %dma_start3A_335 = arith.constant 0 : i32
            %dma_start3A_336 = arith.constant 0 : i32
            %dma_start3A_337 = tpu.memref_slice %arg6[%dma_start3A_335, %dma_start3A_336] : memref<8x1024xf32, #tpu.memory_space<vmem>> -> memref<1x1024xf32, #tpu.memory_space<vmem>>
            %dma_start3A_338 = arith.constant 0 : i32
            %dma_start3A_339 = tpu.memref_slice %arg4[%add3A_334, %dma_start3A_338] : memref<32768x1024xf32, #tpu.memory_space<hbm>> -> memref<1x1024xf32, #tpu.memory_space<hbm>>
            %dma_start3A_340 = arith.constant 0 : i32
            %dma_start3A_341 = tpu.memref_slice %arg4[%add3A_334, %dma_start3A_340] : memref<32768x1024xf32, #tpu.memory_space<hbm>> -> memref<1x1024xf32, #tpu.memory_space<hbm>>
            %dma_start3A_342 = arith.constant 0 : i32
            %dma_start3A_343 = arith.constant 0 : i32
            %dma_start3A_344 = tpu.memref_slice %arg6[%dma_start3A_342, %dma_start3A_343] : memref<8x1024xf32, #tpu.memory_space<vmem>> -> memref<1x1024xf32, #tpu.memory_space<vmem>>
            tpu.enqueue_dma source(%dma_start3A_344 : memref<1x1024xf32, #tpu.memory_space<vmem>>) target(%dma_start3A_341 : memref<1x1024xf32, #tpu.memory_space<hbm>>) target_semaphore(%run_scoped3A : memref<!tpu.dma_semaphore, #tpu.memory_space<semaphore_mem>>)
            %dma_wait3A_345 = arith.constant 0 : i32
            %dma_wait3A_346 = arith.constant 0 : i32
            %dma_wait3A_347 = tpu.memref_slice %arg6[%dma_wait3A_345, %dma_wait3A_346] : memref<8x1024xf32, #tpu.memory_space<vmem>> -> memref<1x1024xf32, #tpu.memory_space<vmem>>
            %dma_wait3A_348 = arith.constant 0 : i32
            %dma_wait3A_349 = tpu.memref_slice %arg4[%add3A_334, %dma_wait3A_348] : memref<32768x1024xf32, #tpu.memory_space<hbm>> -> memref<1x1024xf32, #tpu.memory_space<hbm>>
            %dma_wait3A_350 = arith.constant 0 : i32
            %dma_wait3A_351 = tpu.memref_slice %arg4[%add3A_334, %dma_wait3A_350] : memref<32768x1024xf32, #tpu.memory_space<hbm>> -> memref<1x1024xf32, #tpu.memory_space<hbm>>
            %dma_wait3A_352 = arith.constant 0 : i32
            %dma_wait3A_353 = arith.constant 0 : i32
            %dma_wait3A_354 = tpu.memref_slice %arg6[%dma_wait3A_352, %dma_wait3A_353] : memref<8x1024xf32, #tpu.memory_space<vmem>> -> memref<1x1024xf32, #tpu.memory_space<vmem>>
            tpu.wait_dma2 semaphore(%run_scoped3A : memref<!tpu.dma_semaphore, #tpu.memory_space<semaphore_mem>>) src(%dma_wait3A_354 : memref<1x1024xf32, #tpu.memory_space<vmem>>) dst(%dma_wait3A_351 : memref<1x1024xf32, #tpu.memory_space<hbm>>)
            tpu.yield
          }) : () -> ()
        } else {
        }
        %slice3A_240 = vector.extract_strided_slice %get3A_172 {offsets = [7], sizes = [1], strides = [1]} : vector<16xi32> to vector<1xi32>
        %squeeze3A_241 = vector.extract %slice3A_240[0] : i32 from vector<1xi32>
        %lt3A_242 = arith.constant 0 : i32
        %lt3A_243 = arith.cmpi slt, %squeeze3A_241, %lt3A_242 : i32
        %ge3A_244 = arith.constant 64 : i32
        %ge3A_245 = arith.cmpi sge, %squeeze3A_241, %ge3A_244 : i32
        %or3A_246 = arith.ori %lt3A_243, %ge3A_245 : i1
        %convert_element_type3A_247 = arith.extui %or3A_246 : i1 to i32
        %cond3A_248 = arith.constant 0 : i32
        %cond3A_249 = arith.cmpi ne, %convert_element_type3A_247, %cond3A_248 : i32
        scf.if %cond3A_249 {
          %mul3A_330 = arith.constant 16 : i32
          %mul3A_331 = arith.muli %scan3A_168, %mul3A_330 : i32
          %add3A_332 = arith.addi %mul3A_2, %mul3A_331 : i32
          %add3A_333 = arith.constant 7 : i32
          %add3A_334 = arith.addi %add3A_332, %add3A_333 : i32
          "tpu.region"() ({
            %run_scoped3A = tpu.sem_alloc : memref<!tpu.dma_semaphore, #tpu.memory_space<semaphore_mem>>
            %dma_start3A_335 = arith.constant 0 : i32
            %dma_start3A_336 = arith.constant 0 : i32
            %dma_start3A_337 = tpu.memref_slice %arg6[%dma_start3A_335, %dma_start3A_336] : memref<8x1024xf32, #tpu.memory_space<vmem>> -> memref<1x1024xf32, #tpu.memory_space<vmem>>
            %dma_start3A_338 = arith.constant 0 : i32
            %dma_start3A_339 = tpu.memref_slice %arg4[%add3A_334, %dma_start3A_338] : memref<32768x1024xf32, #tpu.memory_space<hbm>> -> memref<1x1024xf32, #tpu.memory_space<hbm>>
            %dma_start3A_340 = arith.constant 0 : i32
            %dma_start3A_341 = tpu.memref_slice %arg4[%add3A_334, %dma_start3A_340] : memref<32768x1024xf32, #tpu.memory_space<hbm>> -> memref<1x1024xf32, #tpu.memory_space<hbm>>
            %dma_start3A_342 = arith.constant 0 : i32
            %dma_start3A_343 = arith.constant 0 : i32
            %dma_start3A_344 = tpu.memref_slice %arg6[%dma_start3A_342, %dma_start3A_343] : memref<8x1024xf32, #tpu.memory_space<vmem>> -> memref<1x1024xf32, #tpu.memory_space<vmem>>
            tpu.enqueue_dma source(%dma_start3A_344 : memref<1x1024xf32, #tpu.memory_space<vmem>>) target(%dma_start3A_341 : memref<1x1024xf32, #tpu.memory_space<hbm>>) target_semaphore(%run_scoped3A : memref<!tpu.dma_semaphore, #tpu.memory_space<semaphore_mem>>)
            %dma_wait3A_345 = arith.constant 0 : i32
            %dma_wait3A_346 = arith.constant 0 : i32
            %dma_wait3A_347 = tpu.memref_slice %arg6[%dma_wait3A_345, %dma_wait3A_346] : memref<8x1024xf32, #tpu.memory_space<vmem>> -> memref<1x1024xf32, #tpu.memory_space<vmem>>
            %dma_wait3A_348 = arith.constant 0 : i32
            %dma_wait3A_349 = tpu.memref_slice %arg4[%add3A_334, %dma_wait3A_348] : memref<32768x1024xf32, #tpu.memory_space<hbm>> -> memref<1x1024xf32, #tpu.memory_space<hbm>>
            %dma_wait3A_350 = arith.constant 0 : i32
            %dma_wait3A_351 = tpu.memref_slice %arg4[%add3A_334, %dma_wait3A_350] : memref<32768x1024xf32, #tpu.memory_space<hbm>> -> memref<1x1024xf32, #tpu.memory_space<hbm>>
            %dma_wait3A_352 = arith.constant 0 : i32
            %dma_wait3A_353 = arith.constant 0 : i32
            %dma_wait3A_354 = tpu.memref_slice %arg6[%dma_wait3A_352, %dma_wait3A_353] : memref<8x1024xf32, #tpu.memory_space<vmem>> -> memref<1x1024xf32, #tpu.memory_space<vmem>>
            tpu.wait_dma2 semaphore(%run_scoped3A : memref<!tpu.dma_semaphore, #tpu.memory_space<semaphore_mem>>) src(%dma_wait3A_354 : memref<1x1024xf32, #tpu.memory_space<vmem>>) dst(%dma_wait3A_351 : memref<1x1024xf32, #tpu.memory_space<hbm>>)
            tpu.yield
          }) : () -> ()
        } else {
        }
        %slice3A_250 = vector.extract_strided_slice %get3A_172 {offsets = [8], sizes = [1], strides = [1]} : vector<16xi32> to vector<1xi32>
        %squeeze3A_251 = vector.extract %slice3A_250[0] : i32 from vector<1xi32>
        %lt3A_252 = arith.constant 0 : i32
        %lt3A_253 = arith.cmpi slt, %squeeze3A_251, %lt3A_252 : i32
        %ge3A_254 = arith.constant 64 : i32
        %ge3A_255 = arith.cmpi sge, %squeeze3A_251, %ge3A_254 : i32
        %or3A_256 = arith.ori %lt3A_253, %ge3A_255 : i1
        %convert_element_type3A_257 = arith.extui %or3A_256 : i1 to i32
        %cond3A_258 = arith.constant 0 : i32
        %cond3A_259 = arith.cmpi ne, %convert_element_type3A_257, %cond3A_258 : i32
        scf.if %cond3A_259 {
          %mul3A_330 = arith.constant 16 : i32
          %mul3A_331 = arith.muli %scan3A_168, %mul3A_330 : i32
          %add3A_332 = arith.addi %mul3A_2, %mul3A_331 : i32
          %add3A_333 = arith.constant 8 : i32
          %add3A_334 = arith.addi %add3A_332, %add3A_333 : i32
          "tpu.region"() ({
            %run_scoped3A = tpu.sem_alloc : memref<!tpu.dma_semaphore, #tpu.memory_space<semaphore_mem>>
            %dma_start3A_335 = arith.constant 0 : i32
            %dma_start3A_336 = arith.constant 0 : i32
            %dma_start3A_337 = tpu.memref_slice %arg6[%dma_start3A_335, %dma_start3A_336] : memref<8x1024xf32, #tpu.memory_space<vmem>> -> memref<1x1024xf32, #tpu.memory_space<vmem>>
            %dma_start3A_338 = arith.constant 0 : i32
            %dma_start3A_339 = tpu.memref_slice %arg4[%add3A_334, %dma_start3A_338] : memref<32768x1024xf32, #tpu.memory_space<hbm>> -> memref<1x1024xf32, #tpu.memory_space<hbm>>
            %dma_start3A_340 = arith.constant 0 : i32
            %dma_start3A_341 = tpu.memref_slice %arg4[%add3A_334, %dma_start3A_340] : memref<32768x1024xf32, #tpu.memory_space<hbm>> -> memref<1x1024xf32, #tpu.memory_space<hbm>>
            %dma_start3A_342 = arith.constant 0 : i32
            %dma_start3A_343 = arith.constant 0 : i32
            %dma_start3A_344 = tpu.memref_slice %arg6[%dma_start3A_342, %dma_start3A_343] : memref<8x1024xf32, #tpu.memory_space<vmem>> -> memref<1x1024xf32, #tpu.memory_space<vmem>>
            tpu.enqueue_dma source(%dma_start3A_344 : memref<1x1024xf32, #tpu.memory_space<vmem>>) target(%dma_start3A_341 : memref<1x1024xf32, #tpu.memory_space<hbm>>) target_semaphore(%run_scoped3A : memref<!tpu.dma_semaphore, #tpu.memory_space<semaphore_mem>>)
            %dma_wait3A_345 = arith.constant 0 : i32
            %dma_wait3A_346 = arith.constant 0 : i32
            %dma_wait3A_347 = tpu.memref_slice %arg6[%dma_wait3A_345, %dma_wait3A_346] : memref<8x1024xf32, #tpu.memory_space<vmem>> -> memref<1x1024xf32, #tpu.memory_space<vmem>>
            %dma_wait3A_348 = arith.constant 0 : i32
            %dma_wait3A_349 = tpu.memref_slice %arg4[%add3A_334, %dma_wait3A_348] : memref<32768x1024xf32, #tpu.memory_space<hbm>> -> memref<1x1024xf32, #tpu.memory_space<hbm>>
            %dma_wait3A_350 = arith.constant 0 : i32
            %dma_wait3A_351 = tpu.memref_slice %arg4[%add3A_334, %dma_wait3A_350] : memref<32768x1024xf32, #tpu.memory_space<hbm>> -> memref<1x1024xf32, #tpu.memory_space<hbm>>
            %dma_wait3A_352 = arith.constant 0 : i32
            %dma_wait3A_353 = arith.constant 0 : i32
            %dma_wait3A_354 = tpu.memref_slice %arg6[%dma_wait3A_352, %dma_wait3A_353] : memref<8x1024xf32, #tpu.memory_space<vmem>> -> memref<1x1024xf32, #tpu.memory_space<vmem>>
            tpu.wait_dma2 semaphore(%run_scoped3A : memref<!tpu.dma_semaphore, #tpu.memory_space<semaphore_mem>>) src(%dma_wait3A_354 : memref<1x1024xf32, #tpu.memory_space<vmem>>) dst(%dma_wait3A_351 : memref<1x1024xf32, #tpu.memory_space<hbm>>)
            tpu.yield
          }) : () -> ()
        } else {
        }
        %slice3A_260 = vector.extract_strided_slice %get3A_172 {offsets = [9], sizes = [1], strides = [1]} : vector<16xi32> to vector<1xi32>
        %squeeze3A_261 = vector.extract %slice3A_260[0] : i32 from vector<1xi32>
        %lt3A_262 = arith.constant 0 : i32
        %lt3A_263 = arith.cmpi slt, %squeeze3A_261, %lt3A_262 : i32
        %ge3A_264 = arith.constant 64 : i32
        %ge3A_265 = arith.cmpi sge, %squeeze3A_261, %ge3A_264 : i32
        %or3A_266 = arith.ori %lt3A_263, %ge3A_265 : i1
        %convert_element_type3A_267 = arith.extui %or3A_266 : i1 to i32
        %cond3A_268 = arith.constant 0 : i32
        %cond3A_269 = arith.cmpi ne, %convert_element_type3A_267, %cond3A_268 : i32
        scf.if %cond3A_269 {
          %mul3A_330 = arith.constant 16 : i32
          %mul3A_331 = arith.muli %scan3A_168, %mul3A_330 : i32
          %add3A_332 = arith.addi %mul3A_2, %mul3A_331 : i32
          %add3A_333 = arith.constant 9 : i32
          %add3A_334 = arith.addi %add3A_332, %add3A_333 : i32
          "tpu.region"() ({
            %run_scoped3A = tpu.sem_alloc : memref<!tpu.dma_semaphore, #tpu.memory_space<semaphore_mem>>
            %dma_start3A_335 = arith.constant 0 : i32
            %dma_start3A_336 = arith.constant 0 : i32
            %dma_start3A_337 = tpu.memref_slice %arg6[%dma_start3A_335, %dma_start3A_336] : memref<8x1024xf32, #tpu.memory_space<vmem>> -> memref<1x1024xf32, #tpu.memory_space<vmem>>
            %dma_start3A_338 = arith.constant 0 : i32
            %dma_start3A_339 = tpu.memref_slice %arg4[%add3A_334, %dma_start3A_338] : memref<32768x1024xf32, #tpu.memory_space<hbm>> -> memref<1x1024xf32, #tpu.memory_space<hbm>>
            %dma_start3A_340 = arith.constant 0 : i32
            %dma_start3A_341 = tpu.memref_slice %arg4[%add3A_334, %dma_start3A_340] : memref<32768x1024xf32, #tpu.memory_space<hbm>> -> memref<1x1024xf32, #tpu.memory_space<hbm>>
            %dma_start3A_342 = arith.constant 0 : i32
            %dma_start3A_343 = arith.constant 0 : i32
            %dma_start3A_344 = tpu.memref_slice %arg6[%dma_start3A_342, %dma_start3A_343] : memref<8x1024xf32, #tpu.memory_space<vmem>> -> memref<1x1024xf32, #tpu.memory_space<vmem>>
            tpu.enqueue_dma source(%dma_start3A_344 : memref<1x1024xf32, #tpu.memory_space<vmem>>) target(%dma_start3A_341 : memref<1x1024xf32, #tpu.memory_space<hbm>>) target_semaphore(%run_scoped3A : memref<!tpu.dma_semaphore, #tpu.memory_space<semaphore_mem>>)
            %dma_wait3A_345 = arith.constant 0 : i32
            %dma_wait3A_346 = arith.constant 0 : i32
            %dma_wait3A_347 = tpu.memref_slice %arg6[%dma_wait3A_345, %dma_wait3A_346] : memref<8x1024xf32, #tpu.memory_space<vmem>> -> memref<1x1024xf32, #tpu.memory_space<vmem>>
            %dma_wait3A_348 = arith.constant 0 : i32
            %dma_wait3A_349 = tpu.memref_slice %arg4[%add3A_334, %dma_wait3A_348] : memref<32768x1024xf32, #tpu.memory_space<hbm>> -> memref<1x1024xf32, #tpu.memory_space<hbm>>
            %dma_wait3A_350 = arith.constant 0 : i32
            %dma_wait3A_351 = tpu.memref_slice %arg4[%add3A_334, %dma_wait3A_350] : memref<32768x1024xf32, #tpu.memory_space<hbm>> -> memref<1x1024xf32, #tpu.memory_space<hbm>>
            %dma_wait3A_352 = arith.constant 0 : i32
            %dma_wait3A_353 = arith.constant 0 : i32
            %dma_wait3A_354 = tpu.memref_slice %arg6[%dma_wait3A_352, %dma_wait3A_353] : memref<8x1024xf32, #tpu.memory_space<vmem>> -> memref<1x1024xf32, #tpu.memory_space<vmem>>
            tpu.wait_dma2 semaphore(%run_scoped3A : memref<!tpu.dma_semaphore, #tpu.memory_space<semaphore_mem>>) src(%dma_wait3A_354 : memref<1x1024xf32, #tpu.memory_space<vmem>>) dst(%dma_wait3A_351 : memref<1x1024xf32, #tpu.memory_space<hbm>>)
            tpu.yield
          }) : () -> ()
        } else {
        }
        %slice3A_270 = vector.extract_strided_slice %get3A_172 {offsets = [10], sizes = [1], strides = [1]} : vector<16xi32> to vector<1xi32>
        %squeeze3A_271 = vector.extract %slice3A_270[0] : i32 from vector<1xi32>
        %lt3A_272 = arith.constant 0 : i32
        %lt3A_273 = arith.cmpi slt, %squeeze3A_271, %lt3A_272 : i32
        %ge3A_274 = arith.constant 64 : i32
        %ge3A_275 = arith.cmpi sge, %squeeze3A_271, %ge3A_274 : i32
        %or3A_276 = arith.ori %lt3A_273, %ge3A_275 : i1
        %convert_element_type3A_277 = arith.extui %or3A_276 : i1 to i32
        %cond3A_278 = arith.constant 0 : i32
        %cond3A_279 = arith.cmpi ne, %convert_element_type3A_277, %cond3A_278 : i32
        scf.if %cond3A_279 {
          %mul3A_330 = arith.constant 16 : i32
          %mul3A_331 = arith.muli %scan3A_168, %mul3A_330 : i32
          %add3A_332 = arith.addi %mul3A_2, %mul3A_331 : i32
          %add3A_333 = arith.constant 10 : i32
          %add3A_334 = arith.addi %add3A_332, %add3A_333 : i32
          "tpu.region"() ({
            %run_scoped3A = tpu.sem_alloc : memref<!tpu.dma_semaphore, #tpu.memory_space<semaphore_mem>>
            %dma_start3A_335 = arith.constant 0 : i32
            %dma_start3A_336 = arith.constant 0 : i32
            %dma_start3A_337 = tpu.memref_slice %arg6[%dma_start3A_335, %dma_start3A_336] : memref<8x1024xf32, #tpu.memory_space<vmem>> -> memref<1x1024xf32, #tpu.memory_space<vmem>>
            %dma_start3A_338 = arith.constant 0 : i32
            %dma_start3A_339 = tpu.memref_slice %arg4[%add3A_334, %dma_start3A_338] : memref<32768x1024xf32, #tpu.memory_space<hbm>> -> memref<1x1024xf32, #tpu.memory_space<hbm>>
            %dma_start3A_340 = arith.constant 0 : i32
            %dma_start3A_341 = tpu.memref_slice %arg4[%add3A_334, %dma_start3A_340] : memref<32768x1024xf32, #tpu.memory_space<hbm>> -> memref<1x1024xf32, #tpu.memory_space<hbm>>
            %dma_start3A_342 = arith.constant 0 : i32
            %dma_start3A_343 = arith.constant 0 : i32
            %dma_start3A_344 = tpu.memref_slice %arg6[%dma_start3A_342, %dma_start3A_343] : memref<8x1024xf32, #tpu.memory_space<vmem>> -> memref<1x1024xf32, #tpu.memory_space<vmem>>
            tpu.enqueue_dma source(%dma_start3A_344 : memref<1x1024xf32, #tpu.memory_space<vmem>>) target(%dma_start3A_341 : memref<1x1024xf32, #tpu.memory_space<hbm>>) target_semaphore(%run_scoped3A : memref<!tpu.dma_semaphore, #tpu.memory_space<semaphore_mem>>)
            %dma_wait3A_345 = arith.constant 0 : i32
            %dma_wait3A_346 = arith.constant 0 : i32
            %dma_wait3A_347 = tpu.memref_slice %arg6[%dma_wait3A_345, %dma_wait3A_346] : memref<8x1024xf32, #tpu.memory_space<vmem>> -> memref<1x1024xf32, #tpu.memory_space<vmem>>
            %dma_wait3A_348 = arith.constant 0 : i32
            %dma_wait3A_349 = tpu.memref_slice %arg4[%add3A_334, %dma_wait3A_348] : memref<32768x1024xf32, #tpu.memory_space<hbm>> -> memref<1x1024xf32, #tpu.memory_space<hbm>>
            %dma_wait3A_350 = arith.constant 0 : i32
            %dma_wait3A_351 = tpu.memref_slice %arg4[%add3A_334, %dma_wait3A_350] : memref<32768x1024xf32, #tpu.memory_space<hbm>> -> memref<1x1024xf32, #tpu.memory_space<hbm>>
            %dma_wait3A_352 = arith.constant 0 : i32
            %dma_wait3A_353 = arith.constant 0 : i32
            %dma_wait3A_354 = tpu.memref_slice %arg6[%dma_wait3A_352, %dma_wait3A_353] : memref<8x1024xf32, #tpu.memory_space<vmem>> -> memref<1x1024xf32, #tpu.memory_space<vmem>>
            tpu.wait_dma2 semaphore(%run_scoped3A : memref<!tpu.dma_semaphore, #tpu.memory_space<semaphore_mem>>) src(%dma_wait3A_354 : memref<1x1024xf32, #tpu.memory_space<vmem>>) dst(%dma_wait3A_351 : memref<1x1024xf32, #tpu.memory_space<hbm>>)
            tpu.yield
          }) : () -> ()
        } else {
        }
        %slice3A_280 = vector.extract_strided_slice %get3A_172 {offsets = [11], sizes = [1], strides = [1]} : vector<16xi32> to vector<1xi32>
        %squeeze3A_281 = vector.extract %slice3A_280[0] : i32 from vector<1xi32>
        %lt3A_282 = arith.constant 0 : i32
        %lt3A_283 = arith.cmpi slt, %squeeze3A_281, %lt3A_282 : i32
        %ge3A_284 = arith.constant 64 : i32
        %ge3A_285 = arith.cmpi sge, %squeeze3A_281, %ge3A_284 : i32
        %or3A_286 = arith.ori %lt3A_283, %ge3A_285 : i1
        %convert_element_type3A_287 = arith.extui %or3A_286 : i1 to i32
        %cond3A_288 = arith.constant 0 : i32
        %cond3A_289 = arith.cmpi ne, %convert_element_type3A_287, %cond3A_288 : i32
        scf.if %cond3A_289 {
          %mul3A_330 = arith.constant 16 : i32
          %mul3A_331 = arith.muli %scan3A_168, %mul3A_330 : i32
          %add3A_332 = arith.addi %mul3A_2, %mul3A_331 : i32
          %add3A_333 = arith.constant 11 : i32
          %add3A_334 = arith.addi %add3A_332, %add3A_333 : i32
          "tpu.region"() ({
            %run_scoped3A = tpu.sem_alloc : memref<!tpu.dma_semaphore, #tpu.memory_space<semaphore_mem>>
            %dma_start3A_335 = arith.constant 0 : i32
            %dma_start3A_336 = arith.constant 0 : i32
            %dma_start3A_337 = tpu.memref_slice %arg6[%dma_start3A_335, %dma_start3A_336] : memref<8x1024xf32, #tpu.memory_space<vmem>> -> memref<1x1024xf32, #tpu.memory_space<vmem>>
            %dma_start3A_338 = arith.constant 0 : i32
            %dma_start3A_339 = tpu.memref_slice %arg4[%add3A_334, %dma_start3A_338] : memref<32768x1024xf32, #tpu.memory_space<hbm>> -> memref<1x1024xf32, #tpu.memory_space<hbm>>
            %dma_start3A_340 = arith.constant 0 : i32
            %dma_start3A_341 = tpu.memref_slice %arg4[%add3A_334, %dma_start3A_340] : memref<32768x1024xf32, #tpu.memory_space<hbm>> -> memref<1x1024xf32, #tpu.memory_space<hbm>>
            %dma_start3A_342 = arith.constant 0 : i32
            %dma_start3A_343 = arith.constant 0 : i32
            %dma_start3A_344 = tpu.memref_slice %arg6[%dma_start3A_342, %dma_start3A_343] : memref<8x1024xf32, #tpu.memory_space<vmem>> -> memref<1x1024xf32, #tpu.memory_space<vmem>>
            tpu.enqueue_dma source(%dma_start3A_344 : memref<1x1024xf32, #tpu.memory_space<vmem>>) target(%dma_start3A_341 : memref<1x1024xf32, #tpu.memory_space<hbm>>) target_semaphore(%run_scoped3A : memref<!tpu.dma_semaphore, #tpu.memory_space<semaphore_mem>>)
            %dma_wait3A_345 = arith.constant 0 : i32
            %dma_wait3A_346 = arith.constant 0 : i32
            %dma_wait3A_347 = tpu.memref_slice %arg6[%dma_wait3A_345, %dma_wait3A_346] : memref<8x1024xf32, #tpu.memory_space<vmem>> -> memref<1x1024xf32, #tpu.memory_space<vmem>>
            %dma_wait3A_348 = arith.constant 0 : i32
            %dma_wait3A_349 = tpu.memref_slice %arg4[%add3A_334, %dma_wait3A_348] : memref<32768x1024xf32, #tpu.memory_space<hbm>> -> memref<1x1024xf32, #tpu.memory_space<hbm>>
            %dma_wait3A_350 = arith.constant 0 : i32
            %dma_wait3A_351 = tpu.memref_slice %arg4[%add3A_334, %dma_wait3A_350] : memref<32768x1024xf32, #tpu.memory_space<hbm>> -> memref<1x1024xf32, #tpu.memory_space<hbm>>
            %dma_wait3A_352 = arith.constant 0 : i32
            %dma_wait3A_353 = arith.constant 0 : i32
            %dma_wait3A_354 = tpu.memref_slice %arg6[%dma_wait3A_352, %dma_wait3A_353] : memref<8x1024xf32, #tpu.memory_space<vmem>> -> memref<1x1024xf32, #tpu.memory_space<vmem>>
            tpu.wait_dma2 semaphore(%run_scoped3A : memref<!tpu.dma_semaphore, #tpu.memory_space<semaphore_mem>>) src(%dma_wait3A_354 : memref<1x1024xf32, #tpu.memory_space<vmem>>) dst(%dma_wait3A_351 : memref<1x1024xf32, #tpu.memory_space<hbm>>)
            tpu.yield
          }) : () -> ()
        } else {
        }
        %slice3A_290 = vector.extract_strided_slice %get3A_172 {offsets = [12], sizes = [1], strides = [1]} : vector<16xi32> to vector<1xi32>
        %squeeze3A_291 = vector.extract %slice3A_290[0] : i32 from vector<1xi32>
        %lt3A_292 = arith.constant 0 : i32
        %lt3A_293 = arith.cmpi slt, %squeeze3A_291, %lt3A_292 : i32
        %ge3A_294 = arith.constant 64 : i32
        %ge3A_295 = arith.cmpi sge, %squeeze3A_291, %ge3A_294 : i32
        %or3A_296 = arith.ori %lt3A_293, %ge3A_295 : i1
        %convert_element_type3A_297 = arith.extui %or3A_296 : i1 to i32
        %cond3A_298 = arith.constant 0 : i32
        %cond3A_299 = arith.cmpi ne, %convert_element_type3A_297, %cond3A_298 : i32
        scf.if %cond3A_299 {
          %mul3A_330 = arith.constant 16 : i32
          %mul3A_331 = arith.muli %scan3A_168, %mul3A_330 : i32
          %add3A_332 = arith.addi %mul3A_2, %mul3A_331 : i32
          %add3A_333 = arith.constant 12 : i32
          %add3A_334 = arith.addi %add3A_332, %add3A_333 : i32
          "tpu.region"() ({
            %run_scoped3A = tpu.sem_alloc : memref<!tpu.dma_semaphore, #tpu.memory_space<semaphore_mem>>
            %dma_start3A_335 = arith.constant 0 : i32
            %dma_start3A_336 = arith.constant 0 : i32
            %dma_start3A_337 = tpu.memref_slice %arg6[%dma_start3A_335, %dma_start3A_336] : memref<8x1024xf32, #tpu.memory_space<vmem>> -> memref<1x1024xf32, #tpu.memory_space<vmem>>
            %dma_start3A_338 = arith.constant 0 : i32
            %dma_start3A_339 = tpu.memref_slice %arg4[%add3A_334, %dma_start3A_338] : memref<32768x1024xf32, #tpu.memory_space<hbm>> -> memref<1x1024xf32, #tpu.memory_space<hbm>>
            %dma_start3A_340 = arith.constant 0 : i32
            %dma_start3A_341 = tpu.memref_slice %arg4[%add3A_334, %dma_start3A_340] : memref<32768x1024xf32, #tpu.memory_space<hbm>> -> memref<1x1024xf32, #tpu.memory_space<hbm>>
            %dma_start3A_342 = arith.constant 0 : i32
            %dma_start3A_343 = arith.constant 0 : i32
            %dma_start3A_344 = tpu.memref_slice %arg6[%dma_start3A_342, %dma_start3A_343] : memref<8x1024xf32, #tpu.memory_space<vmem>> -> memref<1x1024xf32, #tpu.memory_space<vmem>>
            tpu.enqueue_dma source(%dma_start3A_344 : memref<1x1024xf32, #tpu.memory_space<vmem>>) target(%dma_start3A_341 : memref<1x1024xf32, #tpu.memory_space<hbm>>) target_semaphore(%run_scoped3A : memref<!tpu.dma_semaphore, #tpu.memory_space<semaphore_mem>>)
            %dma_wait3A_345 = arith.constant 0 : i32
            %dma_wait3A_346 = arith.constant 0 : i32
            %dma_wait3A_347 = tpu.memref_slice %arg6[%dma_wait3A_345, %dma_wait3A_346] : memref<8x1024xf32, #tpu.memory_space<vmem>> -> memref<1x1024xf32, #tpu.memory_space<vmem>>
            %dma_wait3A_348 = arith.constant 0 : i32
            %dma_wait3A_349 = tpu.memref_slice %arg4[%add3A_334, %dma_wait3A_348] : memref<32768x1024xf32, #tpu.memory_space<hbm>> -> memref<1x1024xf32, #tpu.memory_space<hbm>>
            %dma_wait3A_350 = arith.constant 0 : i32
            %dma_wait3A_351 = tpu.memref_slice %arg4[%add3A_334, %dma_wait3A_350] : memref<32768x1024xf32, #tpu.memory_space<hbm>> -> memref<1x1024xf32, #tpu.memory_space<hbm>>
            %dma_wait3A_352 = arith.constant 0 : i32
            %dma_wait3A_353 = arith.constant 0 : i32
            %dma_wait3A_354 = tpu.memref_slice %arg6[%dma_wait3A_352, %dma_wait3A_353] : memref<8x1024xf32, #tpu.memory_space<vmem>> -> memref<1x1024xf32, #tpu.memory_space<vmem>>
            tpu.wait_dma2 semaphore(%run_scoped3A : memref<!tpu.dma_semaphore, #tpu.memory_space<semaphore_mem>>) src(%dma_wait3A_354 : memref<1x1024xf32, #tpu.memory_space<vmem>>) dst(%dma_wait3A_351 : memref<1x1024xf32, #tpu.memory_space<hbm>>)
            tpu.yield
          }) : () -> ()
        } else {
        }
        %slice3A_300 = vector.extract_strided_slice %get3A_172 {offsets = [13], sizes = [1], strides = [1]} : vector<16xi32> to vector<1xi32>
        %squeeze3A_301 = vector.extract %slice3A_300[0] : i32 from vector<1xi32>
        %lt3A_302 = arith.constant 0 : i32
        %lt3A_303 = arith.cmpi slt, %squeeze3A_301, %lt3A_302 : i32
        %ge3A_304 = arith.constant 64 : i32
        %ge3A_305 = arith.cmpi sge, %squeeze3A_301, %ge3A_304 : i32
        %or3A_306 = arith.ori %lt3A_303, %ge3A_305 : i1
        %convert_element_type3A_307 = arith.extui %or3A_306 : i1 to i32
        %cond3A_308 = arith.constant 0 : i32
        %cond3A_309 = arith.cmpi ne, %convert_element_type3A_307, %cond3A_308 : i32
        scf.if %cond3A_309 {
          %mul3A_330 = arith.constant 16 : i32
          %mul3A_331 = arith.muli %scan3A_168, %mul3A_330 : i32
          %add3A_332 = arith.addi %mul3A_2, %mul3A_331 : i32
          %add3A_333 = arith.constant 13 : i32
          %add3A_334 = arith.addi %add3A_332, %add3A_333 : i32
          "tpu.region"() ({
            %run_scoped3A = tpu.sem_alloc : memref<!tpu.dma_semaphore, #tpu.memory_space<semaphore_mem>>
            %dma_start3A_335 = arith.constant 0 : i32
            %dma_start3A_336 = arith.constant 0 : i32
            %dma_start3A_337 = tpu.memref_slice %arg6[%dma_start3A_335, %dma_start3A_336] : memref<8x1024xf32, #tpu.memory_space<vmem>> -> memref<1x1024xf32, #tpu.memory_space<vmem>>
            %dma_start3A_338 = arith.constant 0 : i32
            %dma_start3A_339 = tpu.memref_slice %arg4[%add3A_334, %dma_start3A_338] : memref<32768x1024xf32, #tpu.memory_space<hbm>> -> memref<1x1024xf32, #tpu.memory_space<hbm>>
            %dma_start3A_340 = arith.constant 0 : i32
            %dma_start3A_341 = tpu.memref_slice %arg4[%add3A_334, %dma_start3A_340] : memref<32768x1024xf32, #tpu.memory_space<hbm>> -> memref<1x1024xf32, #tpu.memory_space<hbm>>
            %dma_start3A_342 = arith.constant 0 : i32
            %dma_start3A_343 = arith.constant 0 : i32
            %dma_start3A_344 = tpu.memref_slice %arg6[%dma_start3A_342, %dma_start3A_343] : memref<8x1024xf32, #tpu.memory_space<vmem>> -> memref<1x1024xf32, #tpu.memory_space<vmem>>
            tpu.enqueue_dma source(%dma_start3A_344 : memref<1x1024xf32, #tpu.memory_space<vmem>>) target(%dma_start3A_341 : memref<1x1024xf32, #tpu.memory_space<hbm>>) target_semaphore(%run_scoped3A : memref<!tpu.dma_semaphore, #tpu.memory_space<semaphore_mem>>)
            %dma_wait3A_345 = arith.constant 0 : i32
            %dma_wait3A_346 = arith.constant 0 : i32
            %dma_wait3A_347 = tpu.memref_slice %arg6[%dma_wait3A_345, %dma_wait3A_346] : memref<8x1024xf32, #tpu.memory_space<vmem>> -> memref<1x1024xf32, #tpu.memory_space<vmem>>
            %dma_wait3A_348 = arith.constant 0 : i32
            %dma_wait3A_349 = tpu.memref_slice %arg4[%add3A_334, %dma_wait3A_348] : memref<32768x1024xf32, #tpu.memory_space<hbm>> -> memref<1x1024xf32, #tpu.memory_space<hbm>>
            %dma_wait3A_350 = arith.constant 0 : i32
            %dma_wait3A_351 = tpu.memref_slice %arg4[%add3A_334, %dma_wait3A_350] : memref<32768x1024xf32, #tpu.memory_space<hbm>> -> memref<1x1024xf32, #tpu.memory_space<hbm>>
            %dma_wait3A_352 = arith.constant 0 : i32
            %dma_wait3A_353 = arith.constant 0 : i32
            %dma_wait3A_354 = tpu.memref_slice %arg6[%dma_wait3A_352, %dma_wait3A_353] : memref<8x1024xf32, #tpu.memory_space<vmem>> -> memref<1x1024xf32, #tpu.memory_space<vmem>>
            tpu.wait_dma2 semaphore(%run_scoped3A : memref<!tpu.dma_semaphore, #tpu.memory_space<semaphore_mem>>) src(%dma_wait3A_354 : memref<1x1024xf32, #tpu.memory_space<vmem>>) dst(%dma_wait3A_351 : memref<1x1024xf32, #tpu.memory_space<hbm>>)
            tpu.yield
          }) : () -> ()
        } else {
        }
        %slice3A_310 = vector.extract_strided_slice %get3A_172 {offsets = [14], sizes = [1], strides = [1]} : vector<16xi32> to vector<1xi32>
        %squeeze3A_311 = vector.extract %slice3A_310[0] : i32 from vector<1xi32>
        %lt3A_312 = arith.constant 0 : i32
        %lt3A_313 = arith.cmpi slt, %squeeze3A_311, %lt3A_312 : i32
        %ge3A_314 = arith.constant 64 : i32
        %ge3A_315 = arith.cmpi sge, %squeeze3A_311, %ge3A_314 : i32
        %or3A_316 = arith.ori %lt3A_313, %ge3A_315 : i1
        %convert_element_type3A_317 = arith.extui %or3A_316 : i1 to i32
        %cond3A_318 = arith.constant 0 : i32
        %cond3A_319 = arith.cmpi ne, %convert_element_type3A_317, %cond3A_318 : i32
        scf.if %cond3A_319 {
          %mul3A_330 = arith.constant 16 : i32
          %mul3A_331 = arith.muli %scan3A_168, %mul3A_330 : i32
          %add3A_332 = arith.addi %mul3A_2, %mul3A_331 : i32
          %add3A_333 = arith.constant 14 : i32
          %add3A_334 = arith.addi %add3A_332, %add3A_333 : i32
          "tpu.region"() ({
            %run_scoped3A = tpu.sem_alloc : memref<!tpu.dma_semaphore, #tpu.memory_space<semaphore_mem>>
            %dma_start3A_335 = arith.constant 0 : i32
            %dma_start3A_336 = arith.constant 0 : i32
            %dma_start3A_337 = tpu.memref_slice %arg6[%dma_start3A_335, %dma_start3A_336] : memref<8x1024xf32, #tpu.memory_space<vmem>> -> memref<1x1024xf32, #tpu.memory_space<vmem>>
            %dma_start3A_338 = arith.constant 0 : i32
            %dma_start3A_339 = tpu.memref_slice %arg4[%add3A_334, %dma_start3A_338] : memref<32768x1024xf32, #tpu.memory_space<hbm>> -> memref<1x1024xf32, #tpu.memory_space<hbm>>
            %dma_start3A_340 = arith.constant 0 : i32
            %dma_start3A_341 = tpu.memref_slice %arg4[%add3A_334, %dma_start3A_340] : memref<32768x1024xf32, #tpu.memory_space<hbm>> -> memref<1x1024xf32, #tpu.memory_space<hbm>>
            %dma_start3A_342 = arith.constant 0 : i32
            %dma_start3A_343 = arith.constant 0 : i32
            %dma_start3A_344 = tpu.memref_slice %arg6[%dma_start3A_342, %dma_start3A_343] : memref<8x1024xf32, #tpu.memory_space<vmem>> -> memref<1x1024xf32, #tpu.memory_space<vmem>>
            tpu.enqueue_dma source(%dma_start3A_344 : memref<1x1024xf32, #tpu.memory_space<vmem>>) target(%dma_start3A_341 : memref<1x1024xf32, #tpu.memory_space<hbm>>) target_semaphore(%run_scoped3A : memref<!tpu.dma_semaphore, #tpu.memory_space<semaphore_mem>>)
            %dma_wait3A_345 = arith.constant 0 : i32
            %dma_wait3A_346 = arith.constant 0 : i32
            %dma_wait3A_347 = tpu.memref_slice %arg6[%dma_wait3A_345, %dma_wait3A_346] : memref<8x1024xf32, #tpu.memory_space<vmem>> -> memref<1x1024xf32, #tpu.memory_space<vmem>>
            %dma_wait3A_348 = arith.constant 0 : i32
            %dma_wait3A_349 = tpu.memref_slice %arg4[%add3A_334, %dma_wait3A_348] : memref<32768x1024xf32, #tpu.memory_space<hbm>> -> memref<1x1024xf32, #tpu.memory_space<hbm>>
            %dma_wait3A_350 = arith.constant 0 : i32
            %dma_wait3A_351 = tpu.memref_slice %arg4[%add3A_334, %dma_wait3A_350] : memref<32768x1024xf32, #tpu.memory_space<hbm>> -> memref<1x1024xf32, #tpu.memory_space<hbm>>
            %dma_wait3A_352 = arith.constant 0 : i32
            %dma_wait3A_353 = arith.constant 0 : i32
            %dma_wait3A_354 = tpu.memref_slice %arg6[%dma_wait3A_352, %dma_wait3A_353] : memref<8x1024xf32, #tpu.memory_space<vmem>> -> memref<1x1024xf32, #tpu.memory_space<vmem>>
            tpu.wait_dma2 semaphore(%run_scoped3A : memref<!tpu.dma_semaphore, #tpu.memory_space<semaphore_mem>>) src(%dma_wait3A_354 : memref<1x1024xf32, #tpu.memory_space<vmem>>) dst(%dma_wait3A_351 : memref<1x1024xf32, #tpu.memory_space<hbm>>)
            tpu.yield
          }) : () -> ()
        } else {
        }
        %slice3A_320 = vector.extract_strided_slice %get3A_172 {offsets = [15], sizes = [1], strides = [1]} : vector<16xi32> to vector<1xi32>
        %squeeze3A_321 = vector.extract %slice3A_320[0] : i32 from vector<1xi32>
        %lt3A_322 = arith.constant 0 : i32
        %lt3A_323 = arith.cmpi slt, %squeeze3A_321, %lt3A_322 : i32
        %ge3A_324 = arith.constant 64 : i32
        %ge3A_325 = arith.cmpi sge, %squeeze3A_321, %ge3A_324 : i32
        %or3A_326 = arith.ori %lt3A_323, %ge3A_325 : i1
        %convert_element_type3A_327 = arith.extui %or3A_326 : i1 to i32
        %cond3A_328 = arith.constant 0 : i32
        %cond3A_329 = arith.cmpi ne, %convert_element_type3A_327, %cond3A_328 : i32
        scf.if %cond3A_329 {
          %mul3A_330 = arith.constant 16 : i32
          %mul3A_331 = arith.muli %scan3A_168, %mul3A_330 : i32
          %add3A_332 = arith.addi %mul3A_2, %mul3A_331 : i32
          %add3A_333 = arith.constant 15 : i32
          %add3A_334 = arith.addi %add3A_332, %add3A_333 : i32
          "tpu.region"() ({
            %run_scoped3A = tpu.sem_alloc : memref<!tpu.dma_semaphore, #tpu.memory_space<semaphore_mem>>
            %dma_start3A_335 = arith.constant 0 : i32
            %dma_start3A_336 = arith.constant 0 : i32
            %dma_start3A_337 = tpu.memref_slice %arg6[%dma_start3A_335, %dma_start3A_336] : memref<8x1024xf32, #tpu.memory_space<vmem>> -> memref<1x1024xf32, #tpu.memory_space<vmem>>
            %dma_start3A_338 = arith.constant 0 : i32
            %dma_start3A_339 = tpu.memref_slice %arg4[%add3A_334, %dma_start3A_338] : memref<32768x1024xf32, #tpu.memory_space<hbm>> -> memref<1x1024xf32, #tpu.memory_space<hbm>>
            %dma_start3A_340 = arith.constant 0 : i32
            %dma_start3A_341 = tpu.memref_slice %arg4[%add3A_334, %dma_start3A_340] : memref<32768x1024xf32, #tpu.memory_space<hbm>> -> memref<1x1024xf32, #tpu.memory_space<hbm>>
            %dma_start3A_342 = arith.constant 0 : i32
            %dma_start3A_343 = arith.constant 0 : i32
            %dma_start3A_344 = tpu.memref_slice %arg6[%dma_start3A_342, %dma_start3A_343] : memref<8x1024xf32, #tpu.memory_space<vmem>> -> memref<1x1024xf32, #tpu.memory_space<vmem>>
            tpu.enqueue_dma source(%dma_start3A_344 : memref<1x1024xf32, #tpu.memory_space<vmem>>) target(%dma_start3A_341 : memref<1x1024xf32, #tpu.memory_space<hbm>>) target_semaphore(%run_scoped3A : memref<!tpu.dma_semaphore, #tpu.memory_space<semaphore_mem>>)
            %dma_wait3A_345 = arith.constant 0 : i32
            %dma_wait3A_346 = arith.constant 0 : i32
            %dma_wait3A_347 = tpu.memref_slice %arg6[%dma_wait3A_345, %dma_wait3A_346] : memref<8x1024xf32, #tpu.memory_space<vmem>> -> memref<1x1024xf32, #tpu.memory_space<vmem>>
            %dma_wait3A_348 = arith.constant 0 : i32
            %dma_wait3A_349 = tpu.memref_slice %arg4[%add3A_334, %dma_wait3A_348] : memref<32768x1024xf32, #tpu.memory_space<hbm>> -> memref<1x1024xf32, #tpu.memory_space<hbm>>
            %dma_wait3A_350 = arith.constant 0 : i32
            %dma_wait3A_351 = tpu.memref_slice %arg4[%add3A_334, %dma_wait3A_350] : memref<32768x1024xf32, #tpu.memory_space<hbm>> -> memref<1x1024xf32, #tpu.memory_space<hbm>>
            %dma_wait3A_352 = arith.constant 0 : i32
            %dma_wait3A_353 = arith.constant 0 : i32
            %dma_wait3A_354 = tpu.memref_slice %arg6[%dma_wait3A_352, %dma_wait3A_353] : memref<8x1024xf32, #tpu.memory_space<vmem>> -> memref<1x1024xf32, #tpu.memory_space<vmem>>
            tpu.wait_dma2 semaphore(%run_scoped3A : memref<!tpu.dma_semaphore, #tpu.memory_space<semaphore_mem>>) src(%dma_wait3A_354 : memref<1x1024xf32, #tpu.memory_space<vmem>>) dst(%dma_wait3A_351 : memref<1x1024xf32, #tpu.memory_space<hbm>>)
            tpu.yield
          }) : () -> ()
        } else {
        }
      }
      %scan3A_167 = arith.constant 64 : i32
    } else {
    }
    return
  }
}

</mosaic_0001>

<sc_bundles>
// kernel: kernel.3.cloned.1.call-start
scs
__scs_entry_jumppad:
0x0: {  	(pc) =	sbr.rel $0x88, $3  }
0x1: {  	(tag) =	ssettag $0x0;
	lr =	simm.s32 $0x1  }
0x2: {  	[smem:$0x3F9F] =	sst lr;
	_ =	strace $0xD0000000  }
0x3: {  	_ = 	snop  }
0x4: {  	_ = 	snop  }
0x5: {  	_ = 	snop  }
0x6: {  	_ = 	snop  }
0x7: {  	_ = 	snop  }
__scs_overlays_trampoline_lowered:
0x8: {  	[smem:$0x3FAE] =	sst s0  }
0x9: {  	[smem:$0x3FAF] =	sst s1  }
0xa: {  	[smem:$0x3FB0] =	sst s2  }
0xb: {  	[smem:$0x3FB1] =	sst s3  }
0xc: {  	[smem:$0x3FB2] =	sst s4  }
0xd: {  	[smem:$0x3FB3] =	sst s5  }
0xe: {  	[smem:$0x3FB4] =	sst s6  }
0xf: {  	[smem:$0x3FB5] =	sst s7  }
0x10: {  	[smem:$0x3FB6] =	sst s8  }
0x11: {  	[smem:$0x3FB7] =	sst s9;
	s0 =	simm.s32 @!p0 $0x0  }
0x12: {  	s1 =	sld [smem:$0x3F9D];
	s0 =	simm.s32 @p0 $0x1  }
0x13: {  	[smem:$0x3FB8] =	sst s0;
	s0 =	simm.s32 @!p1 $0x0  }
0x14: {  	s2 =	sld [smem:$0x3F9C];
	s0 =	simm.s32 @p1 $0x1  }
0x15: {  	[smem:$0x3FB9] =	sst s0;
	s0 =	simm.s32 @!p2 $0x0  }
0x16: {  	s3 =	sld [smem:$0x3FDB];
	s0 =	simm.s32 @p2 $0x1  }
0x17: {  	s4 =	simm.s32 $0x1BF5;
	[smem:$0x3FBB] =	sst s0  }
0x18: {  	s0 =	sld [smem:$0x3F9E];
	_ =	swait.ge [sflag:s4], $0x0  }
0x19: {  	s7 =	sld [smem:$0x3F9F]  }
0x1a: {  	s8 =	sadd.s32 $0xFFFFE003, lr  }
0x1b: {  	s9 =	sadd.s32 $0xFFFFFEF7, lr;
	s5 =	simm.s32 $0xFFFFFFFF;
	p2 =	slt.u32 s8, $0xFFFFF086  }
0x1c: {  	p1 =	slt.u32 s9, $0xF7A;
	s5 =	simm.s32 @!p2 $0x0  }
0x1d: {  	s5 =	simm.s32 @p1 $0x1;
	p0 =	seq.s32 s7, s2  }
0x1e: {  	s7 =	smul.u32 @!p0 $0xF7A, s2;
	p2 =	seq.s32 @!p0 s5, $0x0  }
0x1f: {  	s9 =	smul.u32 $0xF7A, s1;
	s8 =	simm.s32 @!p0 $0x1BF5;
	p2 =	por !p2, p0  }
0x20: {  	[sflag:s8] =	ssyncset.s32 @!p0 $0xFFFFF086;
	s6 =	sadd.s32 @!p0 s3, s7;
	s7 =	simm.s32 @!p0 $0x108  }
0x21: {  	s3 =	sadd.s32 s3, s9;
	s6 =	sadd.s32 @!p0 $0x88, s6;
	s7 =	simm.s32 @p2 $0x1082  }
0x22: {  	[simem:s7], [sflag:s8] =	dma.local @!p0 [hbm:s6], $0xF7A  }
0x23: {  	s9 =	sor.u32 $0xD0000000, s2;
	s6 =	simm.s32 $0x108;
	_ =	swait.ge @!p0 [sflag:s8], $0x0  }
0x24: {  	s3 =	sadd.s32 $0x88, s3;
	s6 =	simm.s32 @!p1 $0x1082;
	[sflag:s4] =	ssyncset.s32 $0xFFFFF086  }
0x25: {  	[simem:s6], [sflag:s4] =	dma.local [hbm:s3], $0xF7A  }
0x26: {  	[smem:$0x3F9F] =	sst s1;
	(tag) =	ssettag s2;
	_ =	strace s9  }
0x27: {  	s1 =	sld [smem:$0x3FAF]  }
0x28: {  	s2 =	sld [smem:$0x3FB0]  }
0x29: {  	s4 =	sld [smem:$0x3FB2]  }
0x2a: {  	p0 =	seq.s32 s5, $0x0;
	s5 =	sld [smem:$0x3FB3]  }
0x2b: {  	s6 =	sld [smem:$0x3FB4]  }
0x2c: {  	s7 =	sld [smem:$0x3FB5]  }
0x2d: {  	s3 =	simm.s32 $0x108;
	s8 =	sld [smem:$0x3FB6]  }
0x2e: {  	s3 =	simm.s32 @!p0 $0x1082;
	s9 =	sld [smem:$0x3FB7]  }
0x2f: {  	lr =	sadd.s32 s0, s3;
	s0 =	sld [smem:$0x3FAE]  }
0x30: {  	s3 =	sld [smem:$0x3FB1]  }
0x31: {  	[smem:$0x3FBA] =	sst s10  }
0x32: {  	s10 =	sld [smem:$0x3FB8];
	_ =	sdelay $0x3  }
0x33: {  	p0 =	seq.s32 s10, $0x1;
	s10 =	sld [smem:$0x3FBA];
	_ =	sdelay $0x3  }
0x34: {  	[smem:$0x3FBA] =	sst s10  }
0x35: {  	s10 =	sld [smem:$0x3FB9];
	_ =	sdelay $0x3  }
0x36: {  	p1 =	seq.s32 s10, $0x1;
	s10 =	sld [smem:$0x3FBA];
	_ =	sdelay $0x3  }
0x37: {  	[smem:$0x3FBA] =	sst s10  }
0x38: {  	s10 =	sld [smem:$0x3FBB]  }
0x39: {  	_ = 	snop;
	(pc) =	sbr.ind lr, $3  }
0x3a: {  	_ = 	snop  }
0x3b: {  	_ = 	snop  }
0x3c: {  	p2 =	seq.s32 s10, $0x1;
	s10 =	sld [smem:$0x3FBA]  }
0x3d: {  	_ =	shalt  }
0x3e: {  	_ =	shalt  }
0x3f: {  	_ =	shalt  }
0x40: {  	_ =	shalt  }
0x41: {  	_ =	shalt  }
0x42: {  	_ =	shalt  }
0x43: {  	_ =	shalt  }
0x44: {  	_ =	shalt  }
0x45: {  	_ =	shalt  }
0x46: {  	_ =	shalt  }
0x47: {  	_ =	shalt  }
0x48: {  	_ =	shalt  }
0x49: {  	_ =	shalt  }
0x4a: {  	_ =	shalt  }
0x4b: {  	_ =	shalt  }
0x4c: {  	_ =	shalt  }
0x4d: {  	_ =	shalt  }
0x4e: {  	_ =	shalt  }
0x4f: {  	_ =	shalt  }
0x50: {  	_ =	shalt  }
0x51: {  	_ =	shalt  }
0x52: {  	_ =	shalt  }
0x53: {  	_ =	shalt  }
0x54: {  	_ =	shalt  }
0x55: {  	_ =	shalt  }
0x56: {  	_ =	shalt  }
0x57: {  	_ =	shalt  }
0x58: {  	_ =	shalt  }
0x59: {  	_ =	shalt  }
0x5a: {  	_ =	shalt  }
0x5b: {  	_ =	shalt  }
0x5c: {  	_ =	shalt  }
0x5d: {  	_ =	shalt  }
0x5e: {  	_ =	shalt  }
0x5f: {  	_ =	shalt  }
0x60: {  	_ =	shalt  }
0x61: {  	_ =	shalt  }
0x62: {  	_ =	shalt  }
0x63: {  	_ =	shalt  }
0x64: {  	_ =	shalt  }
0x65: {  	_ =	shalt  }
0x66: {  	_ =	shalt  }
0x67: {  	_ =	shalt  }
0x68: {  	_ =	shalt  }
0x69: {  	_ =	shalt  }
0x6a: {  	_ =	shalt  }
0x6b: {  	_ =	shalt  }
0x6c: {  	_ =	shalt  }
0x6d: {  	_ =	shalt  }
0x6e: {  	_ =	shalt  }
0x6f: {  	_ =	shalt  }
0x70: {  	_ =	shalt  }
0x71: {  	_ =	shalt  }
0x72: {  	_ =	shalt  }
0x73: {  	_ =	shalt  }
0x74: {  	_ =	shalt  }
0x75: {  	_ =	shalt  }
0x76: {  	_ =	shalt  }
0x77: {  	_ =	shalt  }
0x78: {  	_ =	shalt  }
0x79: {  	_ =	shalt  }
0x7a: {  	_ =	shalt  }
0x7b: {  	_ =	shalt  }
0x7c: {  	_ =	shalt  }
0x7d: {  	_ =	shalt  }
0x7e: {  	_ =	shalt  }
0x7f: {  	_ =	shalt  }
0x80: {  	_ =	shalt  }
0x81: {  	_ =	shalt  }
0x82: {  	_ =	shalt  }
0x83: {  	_ =	shalt  }
0x84: {  	_ =	shalt  }
0x85: {  	_ =	shalt  }
0x86: {  	_ =	shalt  }
0x87: {  	_ =	shalt  }
.Lfunc_end0:
.L_simem_size_0:
called_computation_lowered:
.L_overlay_start_0:
0x88: {  	s2 =	sld [smem:$0x3FD9]  }
0x89: {  	s3 =	sld [smem:$0x3FFE];
	_ =	sdelay $0x1  }
0x8a: {  	s1 =	srdreg.scid  }
0x8b: {  	s0 =	sand.u32 $0x1, s1  }
0x8c: {  	s18 =	sshll.u32 s0, $0xA;
	s2 =	sadd.s32 s3, s2  }
0x8d: {  	s2 =	sadd.s32 s2, s18  }
0x8e: {  	[smem:$0x3FC6] =	sst s2  }
0x8f: {  	_ = 	snop  }
0x90: {  	s2 =	sld [smem:$0x3FC9]  }
0x91: {  	s19 =	sld [smem:$0x3FC8]  }
0x92: {  	s4 =	sld [smem:$0x3FD0];
	(tm) =	ssettm $0x1  }
0x93: {  	s5 =	sld [smem:$0x3FFB];
	_ =	sdelay $0x3  }
0x94: {  	_ =	strace s5  }
0x95: {  	s5 =	sld [smem:$0x3FFC];
	_ =	sdelay $0x3  }
0x96: {  	_ =	strace s5  }
0x97: {  	s5 =	sld [smem:$0x3FFD];
	_ =	sdelay $0x3  }
0x98: {  	_ =	strace s5  }
0x99: {  	_ =	strace $0x8FFFFFFF  }
0x9a: {  	s20 =	sld [smem:$0x3FDB];
	_ =	sdelay $0x1  }
0x9b: {  	s6 =	simm.s32 $_scs_section_size  }
0x9c: {  	s7 =	simm.s32 $_size__tile_overlayer_lowered;
	s8 =	simm.s32 $_tile_overlayer_lowered  }
0x9d: {  	s23 =	simm.s32 $0x1BFF;
	s22 =	sshll.u32 s8, $0x1;
	s5 =	sadd.s32 s6, s20  }
0x9e: {  	s9 =	simm.s32 $0x0;
	s21 =	sshll.u32 s7, $0x1;
	s7 =	sadd.s32 s22, s5  }
0x9f: {  	[timem:s9], [sflag:s23] =	dma.local [hbm:s7], s21  }
0xa0: {  	_ =	swait.ge [sflag:s23], s21  }
0xa1: {  	s6 =	ssub.s32 $0x0, s21;
	[sflag:s23] =	ssyncset.done $0x0  }
0xa2: {  	[sflag:s23] =	ssyncadd.s32 s6;
	_ =	sdelay $0x1  }
0xa3: {  	s24 =	simm.s32 $0x1B8B  }
0xa4: {  	_ =	swait.ge [sflag:s24], $0x1  }
0xa5: {  	[sflag:s24] =	ssyncset.done $0x0  }
0xa6: {  	s25 =	simm.s32 $0x1B8E;
	[sflag:s24] =	ssyncadd.s32 $0xFFFFFFFF  }
0xa7: {  	s26 =	simm.s32 $execute0_lowered;
	[smem:$0x3FD2] =	sst s25  }
0xa8: {  	s6 =	sshll.u32 s26, $0x1;
	_ =	strace $0x80000046;
	[dreg:$0x1] =	wrdreg $0xFFFFFFFF  }
0xa9: {  	s28 =	simm.s32 $_size_execute0_lowered;
	s5 =	sadd.s32 s5, s6;
	[dreg:$0x0] =	wrdreg $0x0  }
0xaa: {  	s6 =	sshll.u32 s28, $0x1;
	[dreg:$0x2] =	wrdreg s5  }
0xab: {  	[dreg:$0x3] =	wrdreg s6  }
0xac: {  	[dreg:$0x4] =	wrdreg $0xC0  }
0xad: {  	_ =	task [dreg:s9], $0x5FFFF  }
0xae: {  	[dreg:$0x1] =	wrdreg $0xFFFFFFFF  }
0xaf: {  	[dreg:$0x0] =	wrdreg $0x60  }
0xb0: {  	[dreg:$0x2] =	wrdreg s2  }
0xb1: {  	[dreg:$0x3] =	wrdreg s19  }
0xb2: {  	[dreg:$0x4] =	wrdreg s4  }
0xb3: {  	[dreg:$0x5] =	wrdreg $0x9  }
0xb4: {  	_ =	task.clear_ibuf [dreg:s9], $0x6FFFF;
	_ =	strace $0x90000046  }
0xb5: {  	s29 =	simm.s32 $0x9;
	_ =	strace $0x80000048  }
0xb6: {  	_ =	swait.ge [sflag:s29], $0x1  }
0xb7: {  	[sflag:s29] =	ssyncadd.s32 $0xFFFFFFFF  }
0xb8: {  	_ =	strace $0x90000048  }
0xb9: {  	_ =	sfence  }
0xba: {  	s30 =	sld [smem:$0x0];
	_ =	sdelay $0x2  }
0xbb: {  	s31 =	sshll.u32 s1, $0xD;
	s1 =	sshrl.u32 s1, $0x2  }
0xbc: {  	s3 =	sand.u32 $0x4000, s31;
	s1 =	sadd.s32 s1, s30  }
0xbd: {  	s0 =	sor.u32 s3, s0;
	s1 =	sshll.u32 s1, $0x11  }
0xbe: {  	s0 =	sor.u32 s1, s0  }
0xbf: {  	s0 =	sadd.s32 $0x8F2B, s0  }
0xc0: {  	[sflag:s0] =	ssyncadd.remote.s32 $0x1  }
0xc1: {  	_ =	sfence.sel $0xFFFF  }
0xc2: {  	[dreg:$0x0] =	wrdreg $0xFFFFFFFF;
	(pc) =	sbr.abs _section_cstart, $3  }
0xc3: {  	[dreg:$0x1] =	wrdreg $0xFFFFFFFF  }
0xc4: {  	_ =	task.clear_ibuf [dreg:s9], $0x2FFFF;
	_ =	strace $0x9FFFFFFF  }
0xc5: {  	(tm) =	ssettm $0x7FFFFFFF  }
tec
execute0_lowered:
.L_overlay_start_1:
0x0: {  	(tag) =	ssettag $0x1  }
0x1: {  	s0 =	rddreg [dreg:$0x0]  }
0x2: {  	s1 =	srdreg.scid;
	s4 =	rddreg [dreg:$0x1]  }
0x3: {  	s8 =	stileid.u32;
	s2 =	rddreg [dreg:$0x2];
	s19 =	simm.s32 $0x400  }
0x4: {  	s30 =	simm.s32 $0x1;
	s11 =	simm.s32 $0xF;
	s1 =	sand.u32 $0x1, s1  }
0x5: {  	s12 =	simm.s32 $0x10;
	s3 =	sshll.u32 s8, $0xB;
	s5 =	sshll.u32 s1, $0xA  }
0x6: {  	s14 =	sadd.s32 $0x2000, s4;
	s6 =	ssub.s32 $0x2, s1;
	s5 =	sor.u32 s5, s3  }
0x7: {  	s3 =	simm.s32 $0x0;
	s7 =	sshrl.u32 s6, $0x1;
	s17 =	sshll.u32 s5, $0x7  }
0x8: {  	[smem:$0x7FF] =	sst s3;
	s6 =	ssub.s32 s6, s7;
	s5 =	sshrl.u32 s5, $0x3  }
0x9: {  	_ =	strace $0x80000047;
	s0 =	sadd.s32 s0, s5;
	[dreg:$0x4] =	wrdreg s17  }
0xa: {  	s26 =	sshll.u32 s8, $0x12;
	s25 =	smax.u32 s6, $0x1;
	[dreg:$0xd] =	wrdreg s0  }
0xb: {  	s28 =	sadd.s32 s26, s2;
	s18 =	sadd.s32 s4, s17;
	[dreg:$0xe] =	wrdreg s25  }
0xc: {  	s1 =	sshll.u32 s1, $0x11;
	s20 =	sadd.s32 $0x400, s18;
	[dreg:$0x5] =	wrdreg s18  }
0xd: {  	s26 =	simm.s32 $0xE400;
	s9 =	sadd.s32 $0x1400, s18;
	[dreg:$0x6] =	wrdreg s20  }
0xe: {  	s24 =	sadd.s32 s17, s2;
	s22 =	sadd.s32 $0x1800, s18;
	[dreg:$0xa] =	wrdreg s9  }
0xf: {  	s5 =	simm.s32 $0x0;
	s23 =	sadd.s32 $0x1C00, s18;
	[dreg:$0xb] =	wrdreg s22  }
0x10: {  	s29 =	sadd.s32 $0x800, s18;
	s0 =	sadd.s32 $0x1FC00, s24;
	[dreg:$0xc] =	wrdreg s23  }
0x11: {  	s31 =	sadd.s32 $0xC00, s18;
	s21 =	sadd.s32 $0x1000, s18;
	[dreg:$0x12] =	wrdreg s0  }
0x12: {  	s13 =	sadd.s32 $0x1E400, s24;
	s15 =	sadd.s32 $0x1EC00, s24;
	[dreg:$0x7] =	wrdreg s29  }
.Ltmp0:
0x13: {  	s16 =	sadd.s32 $0x1F400, s24;
	[dreg:$0x8] =	wrdreg s31;
	(pc) =	sbr.rel .LBB2_1-.Ltmp0, $4  }
0x14: {  	s25 =	simm.s32 $0xC400;
	s24 =	simm.s32 $0x8;
	[dreg:$0xf] =	wrdreg s13  }
0x15: {  	s20 =	sadd.s32 s1, s28;
	s1 =	smov.u32 s21;
	[dreg:$0x10] =	wrdreg s15  }
0x16: {  	s21 =	simm.s32 $0x4400;
	s23 =	simm.s32 $0x8400;
	[dreg:$0x11] =	wrdreg s16  }
0x17: {  	v0 =	vimm.f32 $0.0e+00;
	s0 =	simm.s32 $0x5;
	s22 =	simm.s32 $0x7;
	[dreg:$0x9] =	wrdreg s1  }
.LBB2_11:
0x18: {  	s17 =	rddreg [dreg:$0x4]  }
0x19: {  	s18 =	rddreg [dreg:$0x5]  }
0x1a: {  	s29 =	rddreg [dreg:$0x7]  }
0x1b: {  	s31 =	rddreg [dreg:$0x8]  }
0x1c: {  	s1 =	rddreg [dreg:$0x9]  }
0x1d: {  	[sflag:s4] =	ssyncadd.s32 @!p1 $0xFFFFFC00;
	s5 =	rddreg [dreg:$0x13]  }
.LBB2_12:
0x1e: {  	s5 =	sadd.s32 $0x1, s5;
	s4 =	rddreg [dreg:$0xe]  }
0x1f: {  	p0 =	sne.s32 s5, s4  }
.Ltmp1:
0x20: {  	s13 =	rddreg [dreg:$0xf];
	(pc) =	sbr.rel @!p0 .LBB2_13-.Ltmp1, $4  }
0x21: {  	s15 =	rddreg [dreg:$0x10]  }
0x22: {  	s16 =	rddreg [dreg:$0x11]  }
0x23: {  	s19 =	simm.s32 $0x400;
	s21 =	simm.s32 $0x4400;
	s23 =	simm.s32 $0x8400  }
0x24: {  	s25 =	simm.s32 $0xC400;
	s26 =	simm.s32 $0xE400;
	s30 =	simm.s32 $0x1  }
.LBB2_1:
0x25: {  	[tilespmem:s19], [sflag:$0x1] =	stream.linear.gather [hbm4b:s18+s3], $0x2000, $0x38;
	[tilespmem:$0x10400] =	vst v63  }
0x26: {  	s4 =	simm.s32 $0x2400;
	s28 =	rddreg [dreg:$0x6]  }
0x27: {  	[tilespmem:s4], [sflag:$0x2] =	stream.linear.gather [hbm4b:s28+s3], $0x2000, $0x38;
	[tilespmem:$0x10400] =	vst v63  }
0x28: {  	_ = 	snop  }
0x29: {  	[tilespmem:s21], [sflag:$0x3] =	stream.linear.gather [hbm4b:s29+s3], $0x2000, $0x38;
	[tilespmem:$0x10400] =	vst v63  }
0x2a: {  	[dreg:$0x13] =	wrdreg s5;
	s5 =	simm.s32 $0x6400  }
0x2b: {  	[tilespmem:s5], [sflag:$0x4] =	stream.linear.gather [hbm4b:s31+s3], $0x2000, $0x38;
	[tilespmem:$0x10400] =	vst v63  }
0x2c: {  	_ = 	snop  }
0x2d: {  	[tilespmem:s23], [sflag:$0x5] =	stream.linear.gather [hbm4b:s1+s3], $0x2000, $0x38;
	[tilespmem:$0x10400] =	vst v63  }
0x2e: {  	s6 =	rddreg [dreg:$0xa];
	s7 =	simm.s32 $0xA400  }
0x2f: {  	[tilespmem:s7], [sflag:$0x6] =	stream.linear.gather [hbm4b:s6+s3], $0x2000, $0x38;
	[tilespmem:$0x10400] =	vst v63  }
0x30: {  	s8 =	rddreg [dreg:$0xb]  }
0x31: {  	[tilespmem:s25], [sflag:$0x7] =	stream.linear.gather [hbm4b:s8+s3], $0x2000, $0x38;
	[tilespmem:$0x10400] =	vst v63  }
0x32: {  	s9 =	rddreg [dreg:$0xc]  }
0x33: {  	[tilespmem:s26], [sflag:$0x8] =	stream.linear.gather [hbm4b:s9+s3], $0x2000, $0x38;
	[tilespmem:$0x10400] =	vst v63  }
0x34: {  	s10 =	rddreg [dreg:$0xd];
	s28 =	simm.s32 $0x11  }
0x35: {  	[tilespmem:s3], [sflag:$0x11] =	stream.linear.gather [hbm4b:s10+s3], $0x400, $0x38;
	[tilespmem:$0x10400] =	vst v63  }
0x36: {  	_ =	swait.ge [sflag:s28], $0x400  }
0x37: {  	[sflag:s28] =	ssyncset.done $0x0  }
0x38: {  	s4 =	simm.s32 $0x0;
	[sflag:s28] =	ssyncadd.s32 $0xFFFFFC00  }
.LBB2_2:
0x39: {  	_ =	swait.ge [sflag:s30], $0x2000  }
0x3a: {  	s5 =	sor.u32 s17, s4;
	[sflag:s30] =	ssyncset.done $0x0  }
0x3b: {  	p0 =	seq.s32 s4, $0x1E000;
	s6 =	sadd.s32 s2, s5;
	[sflag:s30] =	ssyncadd.s32 $0xFFFFE000  }
0x3c: {  	[hbm4b:s6+s3] =	stream.linear.scatter [tilespmem:s19], [sflag:$0x9], $0x2000, $0x38;
	[tilespmem:$0x10400] =	vst v63  }
0x3d: {  	s6 =	simm.s32 @p0 $0x2  }
0x3e: {  	_ =	swait.ge @p0 [sflag:s6], $0x2000  }
0x3f: {  	[sflag:s6] =	ssyncset.done @p0 $0x0  }
0x40: {  	s7 =	simm.s32 @p0 $0x0;
	[sflag:s6] =	ssyncadd.s32 @p0 $0xFFFFE000;
	s6 =	simm.s32 @p0 $0x2400  }
0x41: {  	[hbm4b:s13+s7] =	stream.linear.scatter @p0 [tilespmem:s6], [sflag:$0xA], $0x2000, $0x38;
	[tilespmem:$0x10400] =	vst v63  }
0x42: {  	s6 =	simm.s32 @!p0 $0x9  }
0x43: {  	_ =	swait.ge @!p0 [sflag:s6], $0x2000  }
0x44: {  	s8 =	sadd.s32 @!p0 s5, s14;
	[sflag:s6] =	ssyncset.done @!p0 $0x0  }
0x45: {  	s9 =	simm.s32 @!p0 $0x400;
	[sflag:s6] =	ssyncadd.s32 @!p0 $0xFFFFE000;
	s6 =	simm.s32 @!p0 $0x0  }
0x46: {  	[tilespmem:s9], [sflag:$0x1] =	stream.linear.gather @!p0 [hbm4b:s8+s6], $0x2000, $0x38;
	[tilespmem:$0x10400] =	vst v63  }
0x47: {  	s8 =	simm.s32 @!p0 $0x2  }
0x48: {  	_ =	swait.ge @!p0 [sflag:s8], $0x2000  }
0x49: {  	s9 =	sor.u32 @!p0 $0x400, s5;
	[sflag:s8] =	ssyncset.done @!p0 $0x0  }
0x4a: {  	s10 =	simm.s32 @!p0 $0x2400;
	[sflag:s8] =	ssyncadd.s32 @!p0 $0xFFFFE000;
	s8 =	sadd.s32 @!p0 s2, s9  }
0x4b: {  	[hbm4b:s8+s6] =	stream.linear.scatter @!p0 [tilespmem:s10], [sflag:$0xA], $0x2000, $0x38;
	[tilespmem:$0x10400] =	vst v63  }
0x4c: {  	s8 =	simm.s32 @!p0 $0xA  }
0x4d: {  	_ =	swait.ge @!p0 [sflag:s8], $0x2000  }
0x4e: {  	[sflag:s8] =	ssyncset.done @!p0 $0x0  }
0x4f: {  	[sflag:s8] =	ssyncadd.s32 @!p0 $0xFFFFE000;
	s8 =	sadd.s32 @!p0 s9, s14  }
0x50: {  	[tilespmem:s10], [sflag:$0x2] =	stream.linear.gather @!p0 [hbm4b:s8+s6], $0x2000, $0x38;
	[tilespmem:$0x10400] =	vst v63  }
0x51: {  	s10 =	simm.s32 $0x3  }
0x52: {  	_ =	swait.ge [sflag:s10], $0x2000  }
0x53: {  	s8 =	sor.u32 $0x800, s5;
	[sflag:s10] =	ssyncset.done $0x0  }
0x54: {  	s9 =	simm.s32 @p0 $0x4;
	s28 =	sadd.s32 s2, s8;
	[sflag:s10] =	ssyncadd.s32 $0xFFFFE000  }
0x55: {  	[hbm4b:s28+s3] =	stream.linear.scatter [tilespmem:s21], [sflag:$0xB], $0x2000, $0x38;
	[tilespmem:$0x10400] =	vst v63  }
0x56: {  	_ =	swait.ge @p0 [sflag:s9], $0x2000  }
0x57: {  	[sflag:s9] =	ssyncset.done @p0 $0x0  }
0x58: {  	[sflag:s9] =	ssyncadd.s32 @p0 $0xFFFFE000;
	s9 =	simm.s32 @p0 $0x6400  }
0x59: {  	[hbm4b:s15+s7] =	stream.linear.scatter @p0 [tilespmem:s9], [sflag:$0xC], $0x2000, $0x38;
	[tilespmem:$0x10400] =	vst v63  }
0x5a: {  	s9 =	simm.s32 @!p0 $0xB  }
0x5b: {  	_ =	swait.ge @!p0 [sflag:s9], $0x2000  }
0x5c: {  	[sflag:s9] =	ssyncset.done @!p0 $0x0  }
0x5d: {  	s8 =	sadd.s32 @!p0 s8, s14;
	[sflag:s9] =	ssyncadd.s32 @!p0 $0xFFFFE000;
	s9 =	simm.s32 @!p0 $0x4400  }
0x5e: {  	[tilespmem:s9], [sflag:$0x3] =	stream.linear.gather @!p0 [hbm4b:s8+s6], $0x2000, $0x38;
	[tilespmem:$0x10400] =	vst v63  }
0x5f: {  	s8 =	simm.s32 @!p0 $0x4  }
0x60: {  	_ =	swait.ge @!p0 [sflag:s8], $0x2000  }
0x61: {  	s9 =	sor.u32 @!p0 $0xC00, s5;
	[sflag:s8] =	ssyncset.done @!p0 $0x0  }
0x62: {  	s10 =	simm.s32 @!p0 $0x6400;
	[sflag:s8] =	ssyncadd.s32 @!p0 $0xFFFFE000;
	s8 =	sadd.s32 @!p0 s2, s9  }
0x63: {  	[hbm4b:s8+s6] =	stream.linear.scatter @!p0 [tilespmem:s10], [sflag:$0xC], $0x2000, $0x38;
	[tilespmem:$0x10400] =	vst v63  }
0x64: {  	s8 =	simm.s32 @!p0 $0xC  }
0x65: {  	_ =	swait.ge @!p0 [sflag:s8], $0x2000  }
0x66: {  	[sflag:s8] =	ssyncset.done @!p0 $0x0  }
0x67: {  	[sflag:s8] =	ssyncadd.s32 @!p0 $0xFFFFE000;
	s8 =	sadd.s32 @!p0 s9, s14  }
0x68: {  	[tilespmem:s10], [sflag:$0x4] =	stream.linear.gather @!p0 [hbm4b:s8+s6], $0x2000, $0x38;
	[tilespmem:$0x10400] =	vst v63  }
0x69: {  	_ =	swait.ge [sflag:s0], $0x2000  }
0x6a: {  	s8 =	sor.u32 $0x1000, s5;
	[sflag:s0] =	ssyncset.done $0x0  }
0x6b: {  	s9 =	simm.s32 @p0 $0x6;
	s10 =	sadd.s32 s2, s8;
	[sflag:s0] =	ssyncadd.s32 $0xFFFFE000  }
0x6c: {  	[hbm4b:s10+s3] =	stream.linear.scatter [tilespmem:s23], [sflag:$0xD], $0x2000, $0x38;
	[tilespmem:$0x10400] =	vst v63  }
0x6d: {  	_ =	swait.ge @p0 [sflag:s9], $0x2000  }
0x6e: {  	[sflag:s9] =	ssyncset.done @p0 $0x0  }
0x6f: {  	[sflag:s9] =	ssyncadd.s32 @p0 $0xFFFFE000;
	s9 =	simm.s32 @p0 $0xA400  }
0x70: {  	[hbm4b:s16+s7] =	stream.linear.scatter @p0 [tilespmem:s9], [sflag:$0xE], $0x2000, $0x38;
	[tilespmem:$0x10400] =	vst v63  }
0x71: {  	s7 =	simm.s32 @!p0 $0xD  }
0x72: {  	_ =	swait.ge @!p0 [sflag:s7], $0x2000  }
0x73: {  	[sflag:s7] =	ssyncset.done @!p0 $0x0  }
0x74: {  	[sflag:s7] =	ssyncadd.s32 @!p0 $0xFFFFE000;
	s7 =	sadd.s32 @!p0 s8, s14;
	s8 =	simm.s32 @!p0 $0x8400  }
0x75: {  	[tilespmem:s8], [sflag:$0x5] =	stream.linear.gather @!p0 [hbm4b:s7+s6], $0x2000, $0x38;
	[tilespmem:$0x10400] =	vst v63  }
0x76: {  	s7 =	simm.s32 @!p0 $0x6  }
0x77: {  	_ =	swait.ge @!p0 [sflag:s7], $0x2000  }
0x78: {  	s8 =	sor.u32 @!p0 $0x1400, s5;
	[sflag:s7] =	ssyncset.done @!p0 $0x0  }
0x79: {  	s9 =	simm.s32 @!p0 $0xA400;
	[sflag:s7] =	ssyncadd.s32 @!p0 $0xFFFFE000;
	s7 =	sadd.s32 @!p0 s2, s8  }
0x7a: {  	[hbm4b:s7+s6] =	stream.linear.scatter @!p0 [tilespmem:s9], [sflag:$0xE], $0x2000, $0x38;
	[tilespmem:$0x10400] =	vst v63  }
0x7b: {  	s7 =	simm.s32 @!p0 $0xE  }
0x7c: {  	_ =	swait.ge @!p0 [sflag:s7], $0x2000  }
0x7d: {  	[sflag:s7] =	ssyncset.done @!p0 $0x0  }
0x7e: {  	[sflag:s7] =	ssyncadd.s32 @!p0 $0xFFFFE000;
	s7 =	sadd.s32 @!p0 s8, s14  }
0x7f: {  	[tilespmem:s9], [sflag:$0x6] =	stream.linear.gather @!p0 [hbm4b:s7+s6], $0x2000, $0x38;
	[tilespmem:$0x10400] =	vst v63  }
.Ltmp2:
0x80: {  	_ = 	snop;
	(pc) =	sbr.rel @p0 .LBB2_4-.Ltmp2, $4  }
0x81: {  	_ =	swait.ge [sflag:s22], $0x2000  }
0x82: {  	s6 =	sor.u32 $0x1800, s5;
	[sflag:s22] =	ssyncset.done $0x0  }
0x83: {  	s28 =	sadd.s32 s2, s6;
	[sflag:s22] =	ssyncadd.s32 $0xFFFFE000  }
0x84: {  	[hbm4b:s28+s3] =	stream.linear.scatter [tilespmem:s25], [sflag:$0xF], $0x2000, $0x38;
	[tilespmem:$0x10400] =	vst v63  }
0x85: {  	_ =	swait.ge [sflag:s11], $0x2000  }
0x86: {  	[sflag:s11] =	ssyncset.done $0x0  }
0x87: {  	s6 =	sadd.s32 s6, s14;
	[sflag:s11] =	ssyncadd.s32 $0xFFFFE000  }
0x88: {  	[tilespmem:s25], [sflag:$0x7] =	stream.linear.gather [hbm4b:s6+s3], $0x2000, $0x38;
	[tilespmem:$0x10400] =	vst v63  }
0x89: {  	_ =	swait.ge [sflag:s24], $0x2000  }
0x8a: {  	s5 =	sor.u32 $0x1C00, s5;
	[sflag:s24] =	ssyncset.done $0x0  }
0x8b: {  	s28 =	sadd.s32 s2, s5;
	[sflag:s24] =	ssyncadd.s32 $0xFFFFE000  }
0x8c: {  	[hbm4b:s28+s3] =	stream.linear.scatter [tilespmem:s26], [sflag:$0x10], $0x2000, $0x38;
	[tilespmem:$0x10400] =	vst v63  }
.Ltmp3:
0x8d: {  	_ = 	snop;
	(pc) =	sbr.rel .LBB2_2-.Ltmp3, $4  }
0x8e: {  	_ =	swait.ge [sflag:s12], $0x2000  }
0x8f: {  	[sflag:s12] =	ssyncset.done $0x0  }
0x90: {  	s4 =	sadd.s32 $0x2000, s4;
	s5 =	sadd.s32 s5, s14;
	[sflag:s12] =	ssyncadd.s32 $0xFFFFE000  }
0x91: {  	[tilespmem:s26], [sflag:$0x8] =	stream.linear.gather [hbm4b:s5+s3], $0x2000, $0x38;
	[tilespmem:$0x10400] =	vst v63  }
.LBB2_4:
0x92: {  	_ =	swait.ge [sflag:s24], $0x2000  }
0x93: {  	s4 =	simm.s32 $0x0;
	[sflag:s24] =	ssyncset.done $0x0  }
0x94: {  	s30 =	simm.s32 $0x0;
	s5 =	rddreg [dreg:$0x12];
	[sflag:s24] =	ssyncadd.s32 $0xFFFFE000  }
0x95: {  	[hbm4b:s5+s4] =	stream.linear.scatter [tilespmem:s26], [sflag:$0x10], $0x2000, $0x38;
	[tilespmem:$0x10400] =	vst v63  }
0x96: {  	v1 =	vimm.s32 $0x1;
	s4 =	simm.s32 $0x40;
	v2 =	vld [tilespmem:s30+$0x0]  }
.LBB2_5:
0x97: {  	p0 =	sne.s32 s4, $0xFC0  }
.Ltmp4:
0x98: {  	_ = 	snop;
	(pc) =	sbr.rel @p0 .LBB2_5-.Ltmp4, $3  }
0x99: {  	_ =	sdelay $0x1  }
0x9a: {  	s5 =	sshra.s32 s4, $0x2;
	s4 =	sadd.s32 $0x40, s4;
	vm0 =	vlt.u32 v2, $0x40  }
0x9b: {  	v2 =	vld [tilespmem:s5+$0x0];
	v1 =	vnsel vm0, $0x0, v1  }
0x9c: {  	_ =	sdelay $0x3  }
0x9d: {  	vm0 =	vlt.u32 v2, $0x40  }
0x9e: {  	v1 =	vnsel vm0, $0x0, v1  }
0x9f: {  	(v2sf) =	vpush v1, $0x0  }
0xa0: {  	(v2sf) =	vpush v1, $0x1  }
0xa1: {  	(v2sf) =	vpush v1, $0x2  }
0xa2: {  	(v2sf) =	vpush v1, $0x3  }
0xa3: {  	(v2sf) =	vpush v1, $0x4  }
0xa4: {  	(v2sf) =	vpush v1, $0x5  }
0xa5: {  	(v2sf) =	vpush v1, $0x6  }
0xa6: {  	(v2sf) =	vpush v1, $0x7  }
0xa7: {  	(v2sf) =	vpush v1, $0x8  }
0xa8: {  	(v2sf) =	vpush v1, $0x9  }
0xa9: {  	(v2sf) =	vpush v1, $0xA  }
0xaa: {  	(v2sf) =	vpush v1, $0xB  }
0xab: {  	(v2sf) =	vpush v1, $0xC  }
0xac: {  	(v2sf) =	vpush v1, $0xD  }
0xad: {  	(v2sf) =	vpush v1, $0xE  }
0xae: {  	s4 =	spop (v2sf);
	(v2sf) =	vpush v1, $0xF  }
0xaf: {  	s5 =	spop (v2sf)  }
0xb0: {  	s6 =	spop (v2sf)  }
0xb1: {  	s7 =	spop (v2sf)  }
0xb2: {  	s8 =	spop (v2sf)  }
0xb3: {  	s9 =	spop (v2sf)  }
0xb4: {  	s10 =	spop (v2sf)  }
0xb5: {  	s13 =	spop (v2sf)  }
0xb6: {  	s15 =	spop (v2sf)  }
0xb7: {  	s16 =	spop (v2sf)  }
0xb8: {  	s19 =	spop (v2sf)  }
0xb9: {  	s21 =	spop (v2sf)  }
0xba: {  	s23 =	spop (v2sf)  }
0xbb: {  	s25 =	spop (v2sf)  }
0xbc: {  	s26 =	spop (v2sf)  }
0xbd: {  	s28 =	simm.s32 $0x9;
	s30 =	spop (v2sf)  }
0xbe: {  	_ =	swait.ge [sflag:s28], $0x2000  }
0xbf: {  	[sflag:s28] =	ssyncset.done $0x0  }
0xc0: {  	[sflag:s28] =	ssyncadd.s32 $0xFFFFE000;
	s28 =	simm.s32 $0xA  }
0xc1: {  	s4 =	sand.u32 s5, s4;
	_ =	swait.ge [sflag:s28], $0x2000  }
0xc2: {  	s4 =	sand.u32 s6, s4;
	[sflag:s28] =	ssyncset.done $0x0  }
0xc3: {  	s4 =	sand.u32 s7, s4;
	[sflag:s28] =	ssyncadd.s32 $0xFFFFE000;
	s28 =	simm.s32 $0xB  }
0xc4: {  	s4 =	sand.u32 s8, s4;
	_ =	swait.ge [sflag:s28], $0x2000  }
0xc5: {  	s4 =	sand.u32 s9, s4;
	[sflag:s28] =	ssyncset.done $0x0  }
0xc6: {  	s7 =	simm.s32 $0xC;
	s4 =	sand.u32 s10, s4;
	[sflag:s28] =	ssyncadd.s32 $0xFFFFE000  }
0xc7: {  	s4 =	sand.u32 s13, s4;
	_ =	swait.ge [sflag:s7], $0x2000  }
0xc8: {  	s4 =	sand.u32 s15, s4;
	[sflag:s7] =	ssyncset.done $0x0  }
0xc9: {  	s10 =	simm.s32 $0xD;
	s4 =	sand.u32 s16, s4;
	[sflag:s7] =	ssyncadd.s32 $0xFFFFE000  }
0xca: {  	s4 =	sand.u32 s19, s4;
	_ =	swait.ge [sflag:s10], $0x2000  }
0xcb: {  	s4 =	sand.u32 s21, s4;
	[sflag:s10] =	ssyncset.done $0x0  }
0xcc: {  	s4 =	sand.u32 s23, s4;
	s28 =	simm.s32 $0xE;
	[sflag:s10] =	ssyncadd.s32 $0xFFFFE000  }
0xcd: {  	s4 =	sand.u32 s25, s4;
	_ =	swait.ge [sflag:s28], $0x2000  }
0xce: {  	s4 =	sand.u32 s26, s4;
	[sflag:s28] =	ssyncset.done $0x0  }
0xcf: {  	s4 =	sand.u32 s30, s4;
	[sflag:s28] =	ssyncadd.s32 $0xFFFFE000  }
0xd0: {  	p0 =	sne.s32 s4, $0x0;
	_ =	swait.ge [sflag:s11], $0x2000  }
.Ltmp5:
0xd1: {  	[sflag:s11] =	ssyncset.done $0x0;
	(pc) =	sbr.rel @p0 .LBB2_12-.Ltmp5, $4  }
0xd2: {  	[sflag:s11] =	ssyncadd.s32 $0xFFFFE000  }
0xd3: {  	_ =	swait.ge [sflag:s12], $0x2000  }
0xd4: {  	[sflag:s12] =	ssyncset.done $0x0  }
0xd5: {  	s15 =	simm.s32 $0x0;
	s5 =	rddreg [dreg:$0x13];
	[sflag:s12] =	ssyncadd.s32 $0xFFFFE000  }
0xd6: {  	s4 =	sand.u32 $0x70, s15;
	s5 =	sand.u32 $0x1C00, s15  }
0xd7: {  	s5 =	sor.u32 s4, s5  }
0xd8: {  	s4 =	sadd.s32 $0x10, s15;
	[tilespmem:s5+$0x400] =	vst v0;
	s5 =	simm.s32 $0x0  }
.LBB2_8:
0xd9: {  	p0 =	sne.s32 s4, $0x3F0  }
.Ltmp6:
0xda: {  	_ = 	snop;
	(pc) =	sbr.rel @p0 .LBB2_8-.Ltmp6, $4  }
0xdb: {  	s5 =	sadd.s32 $0x80, s5  }
0xdc: {  	s6 =	sand.u32 $0x70, s4;
	s7 =	sand.u32 $0x1C00, s5  }
0xdd: {  	s6 =	sor.u32 s6, s7  }
0xde: {  	s4 =	sadd.s32 $0x10, s4;
	[tilespmem:s6+$0x400] =	vst v0  }
0xdf: {  	v1 =	vld [tilespmem:s15+$0x0];
	_ =	sdelay $0x4  }
0xe0: {  	(v2sf) =	vpush v1, $0x0;
	_ =	sdelay $0x7  }
0xe1: {  	(v2sf) =	vpush v1, $0x1;
	_ =	sdelay $0x1  }
0xe2: {  	(v2sf) =	vpush v1, $0x2;
	_ =	sdelay $0x1  }
0xe3: {  	(v2sf) =	vpush v1, $0x3;
	_ =	sdelay $0x1  }
0xe4: {  	(v2sf) =	vpush v1, $0x4  }
0xe5: {  	s4 =	spop (v2sf)  }
0xe6: {  	(v2sf) =	vpush v1, $0x5;
	p1 =	slt.u32 s4, $0x40  }
0xe7: {  	s4 =	sadd.s32 @!p1 $0x0, s20;
	s5 =	simm.s32 @!p1 $0x0;
	s6 =	simm.s32 @!p1 $0x400  }
0xe8: {  	[hbm4b:s4+s5] =	stream.linear.scatter @!p1 [tilespmem:s6], [sflag:$0x12], $0x80, $0x38;
	[tilespmem:$0x10400] =	vst v63  }
0xe9: {  	s7 =	simm.s32 @!p1 $0x800;
	s6 =	sadd.s32 @!p1 $0x80, s4  }
0xea: {  	[hbm4b:s6+s5] =	stream.linear.scatter @!p1 [tilespmem:s7], [sflag:$0x12], $0x80, $0x38;
	[tilespmem:$0x10400] =	vst v63  }
0xeb: {  	s8 =	simm.s32 @!p1 $0xC00;
	s7 =	sadd.s32 @!p1 $0x100, s4  }
0xec: {  	[hbm4b:s7+s5] =	stream.linear.scatter @!p1 [tilespmem:s8], [sflag:$0x12], $0x80, $0x38;
	[tilespmem:$0x10400] =	vst v63  }
0xed: {  	s17 =	spop (v2sf);
	s9 =	simm.s32 @!p1 $0x1000;
	s7 =	sadd.s32 @!p1 $0x180, s4  }
0xee: {  	[hbm4b:s7+s5] =	stream.linear.scatter @!p1 [tilespmem:s9], [sflag:$0x12], $0x80, $0x38;
	[tilespmem:$0x10400] =	vst v63  }
0xef: {  	(v2sf) =	vpush v1, $0x6;
	s26 =	spop (v2sf);
	s8 =	sadd.s32 @!p1 $0x200, s4;
	s9 =	simm.s32 @!p1 $0x1400  }
0xf0: {  	[hbm4b:s8+s5] =	stream.linear.scatter @!p1 [tilespmem:s9], [sflag:$0x12], $0x80, $0x38;
	[tilespmem:$0x10400] =	vst v63  }
0xf1: {  	(v2sf) =	vpush v1, $0x7;
	s25 =	spop (v2sf);
	s7 =	sadd.s32 @!p1 $0x280, s4;
	s9 =	simm.s32 @!p1 $0x1800  }
0xf2: {  	[hbm4b:s7+s5] =	stream.linear.scatter @!p1 [tilespmem:s9], [sflag:$0x12], $0x80, $0x38;
	[tilespmem:$0x10400] =	vst v63  }
0xf3: {  	(v2sf) =	vpush v1, $0x8;
	s16 =	spop (v2sf);
	s8 =	sadd.s32 @!p1 $0x300, s4;
	s7 =	simm.s32 @!p1 $0x1C00  }
0xf4: {  	[hbm4b:s8+s5] =	stream.linear.scatter @!p1 [tilespmem:s7], [sflag:$0x12], $0x80, $0x38;
	[tilespmem:$0x10400] =	vst v63  }
0xf5: {  	s23 =	spop (v2sf);
	(v2sf) =	vpush v1, $0x9  }
0xf6: {  	s4 =	sadd.s32 @!p1 $0x380, s4;
	s7 =	simm.s32 @!p1 $0x2000;
	s8 =	simm.s32 @!p1 $0x12  }
0xf7: {  	[hbm4b:s4+s5] =	stream.linear.scatter @!p1 [tilespmem:s7], [sflag:$0x12], $0x80, $0x38;
	[tilespmem:$0x10400] =	vst v63  }
0xf8: {  	p0 =	slt.u32 s17, $0x40;
	_ =	swait.ge @!p1 [sflag:s8], $0x400  }
0xf9: {  	s5 =	sadd.s32 @!p0 $0x0, s20;
	s4 =	simm.s32 @!p0 $0x400;
	[sflag:s8] =	ssyncset.done @!p1 $0x0;
	(v2sf) =	vpush v1, $0xA  }
0xfa: {  	s7 =	simm.s32 @!p0 $0x0;
	s6 =	sadd.s32 @!p0 $0x10, s5;
	[sflag:s8] =	ssyncadd.s32 @!p1 $0xFFFFFC00  }
0xfb: {  	[hbm4b:s6+s7] =	stream.linear.scatter @!p0 [tilespmem:s4], [sflag:$0x12], $0x80, $0x38;
	[tilespmem:$0x10400] =	vst v63  }
0xfc: {  	s4 =	sadd.s32 @!p0 $0x90, s5;
	s6 =	simm.s32 @!p0 $0x800  }
0xfd: {  	[hbm4b:s4+s7] =	stream.linear.scatter @!p0 [tilespmem:s6], [sflag:$0x12], $0x80, $0x38;
	[tilespmem:$0x10400] =	vst v63  }
0xfe: {  	s10 =	spop (v2sf);
	s8 =	simm.s32 @!p0 $0xC00;
	s6 =	sadd.s32 @!p0 $0x110, s5  }
0xff: {  	[hbm4b:s6+s7] =	stream.linear.scatter @!p0 [tilespmem:s8], [sflag:$0x12], $0x80, $0x38;
	[tilespmem:$0x10400] =	vst v63  }
0x100: {  	s9 =	simm.s32 @!p0 $0x1000;
	s21 =	spop (v2sf);
	s6 =	sadd.s32 @!p0 $0x190, s5  }
0x101: {  	(v2sf) =	vpush v1, $0xB;
	[hbm4b:s6+s7] =	stream.linear.scatter @!p0 [tilespmem:s9], [sflag:$0x12], $0x80, $0x38;
	[tilespmem:$0x10400] =	vst v63  }
0x102: {  	s19 =	spop (v2sf);
	s8 =	sadd.s32 @!p0 $0x210, s5;
	s9 =	simm.s32 @!p0 $0x1400  }
0x103: {  	(v2sf) =	vpush v1, $0xC;
	[hbm4b:s8+s7] =	stream.linear.scatter @!p0 [tilespmem:s9], [sflag:$0x12], $0x80, $0x38;
	[tilespmem:$0x10400] =	vst v63  }
0x104: {  	s6 =	sadd.s32 @!p0 $0x290, s5;
	s9 =	simm.s32 @!p0 $0x1800;
	s13 =	spop (v2sf)  }
0x105: {  	(v2sf) =	vpush v1, $0xD;
	[hbm4b:s6+s7] =	stream.linear.scatter @!p0 [tilespmem:s9], [sflag:$0x12], $0x80, $0x38;
	[tilespmem:$0x10400] =	vst v63  }
0x106: {  	s8 =	sadd.s32 @!p0 $0x310, s5;
	s5 =	sadd.s32 @!p0 $0x390, s5;
	s6 =	simm.s32 @!p0 $0x1C00  }
0x107: {  	(v2sf) =	vpush v1, $0xE;
	[hbm4b:s8+s7] =	stream.linear.scatter @!p0 [tilespmem:s6], [sflag:$0x12], $0x80, $0x38;
	[tilespmem:$0x10400] =	vst v63  }
0x108: {  	s6 =	simm.s32 @!p0 $0x2000;
	s8 =	simm.s32 @!p0 $0x12;
	s18 =	spop (v2sf)  }
0x109: {  	[hbm4b:s5+s7] =	stream.linear.scatter @!p0 [tilespmem:s6], [sflag:$0x12], $0x80, $0x38;
	[tilespmem:$0x10400] =	vst v63  }
0x10a: {  	p1 =	slt.u32 s26, $0x40;
	_ =	swait.ge @!p0 [sflag:s8], $0x400  }
0x10b: {  	s26 =	simm.s32 @!p1 $0x0;
	s5 =	sadd.s32 @!p1 $0x0, s20;
	[sflag:s8] =	ssyncset.done @!p0 $0x0;
	(v2sf) =	vpush v1, $0xF  }
0x10c: {  	s6 =	simm.s32 @!p1 $0x400;
	s7 =	sadd.s32 @!p1 $0x20, s5;
	[sflag:s8] =	ssyncadd.s32 @!p0 $0xFFFFFC00  }
0x10d: {  	[hbm4b:s7+s26] =	stream.linear.scatter @!p1 [tilespmem:s6], [sflag:$0x12], $0x80, $0x38;
	[tilespmem:$0x10400] =	vst v63  }
0x10e: {  	s6 =	sadd.s32 @!p1 $0xA0, s5;
	s7 =	simm.s32 @!p1 $0x800  }
0x10f: {  	[hbm4b:s6+s26] =	stream.linear.scatter @!p1 [tilespmem:s7], [sflag:$0x12], $0x80, $0x38;
	[tilespmem:$0x10400] =	vst v63  }
0x110: {  	s17 =	spop (v2sf);
	s6 =	sadd.s32 @!p1 $0x120, s5;
	s7 =	simm.s32 @!p1 $0xC00  }
0x111: {  	[hbm4b:s6+s26] =	stream.linear.scatter @!p1 [tilespmem:s7], [sflag:$0x12], $0x80, $0x38;
	[tilespmem:$0x10400] =	vst v63  }
0x112: {  	s8 =	simm.s32 @!p1 $0x1000;
	s28 =	spop (v2sf);
	s6 =	sadd.s32 @!p1 $0x1A0, s5  }
0x113: {  	[hbm4b:s6+s26] =	stream.linear.scatter @!p1 [tilespmem:s8], [sflag:$0x12], $0x80, $0x38;
	[tilespmem:$0x10400] =	vst v63  }
0x114: {  	s30 =	simm.s32 @!p1 $0x1400;
	s7 =	sadd.s32 @!p1 $0x220, s5;
	s29 =	spop (v2sf)  }
0x115: {  	[hbm4b:s7+s26] =	stream.linear.scatter @!p1 [tilespmem:s30], [sflag:$0x12], $0x80, $0x38;
	[tilespmem:$0x10400] =	vst v63  }
0x116: {  	s4 =	simm.s32 @!p1 $0x1800;
	s6 =	sadd.s32 @!p1 $0x2A0, s5;
	s31 =	spop (v2sf)  }
0x117: {  	[hbm4b:s6+s26] =	stream.linear.scatter @!p1 [tilespmem:s4], [sflag:$0x12], $0x80, $0x38;
	[tilespmem:$0x10400] =	vst v63  }
0x118: {  	s30 =	sadd.s32 @!p1 $0x320, s5;
	s4 =	sadd.s32 @!p1 $0x3A0, s5;
	s5 =	simm.s32 @!p1 $0x1C00  }
0x119: {  	[hbm4b:s30+s26] =	stream.linear.scatter @!p1 [tilespmem:s5], [sflag:$0x12], $0x80, $0x38;
	[tilespmem:$0x10400] =	vst v63  }
0x11a: {  	s30 =	simm.s32 @!p1 $0x2000;
	s5 =	simm.s32 @!p1 $0x12;
	s1 =	spop (v2sf)  }
0x11b: {  	[hbm4b:s4+s26] =	stream.linear.scatter @!p1 [tilespmem:s30], [sflag:$0x12], $0x80, $0x38;
	[tilespmem:$0x10400] =	vst v63  }
0x11c: {  	p0 =	slt.u32 s25, $0x40;
	_ =	swait.ge @!p1 [sflag:s5], $0x400  }
0x11d: {  	s25 =	simm.s32 @!p0 $0x400;
	s4 =	sadd.s32 @!p0 $0x0, s20;
	[sflag:s5] =	ssyncset.done @!p1 $0x0  }
0x11e: {  	s26 =	simm.s32 @!p0 $0x0;
	[sflag:s5] =	ssyncadd.s32 @!p1 $0xFFFFFC00;
	s5 =	sadd.s32 @!p0 $0x30, s4  }
0x11f: {  	[hbm4b:s5+s26] =	stream.linear.scatter @!p0 [tilespmem:s25], [sflag:$0x12], $0x80, $0x38;
	[tilespmem:$0x10400] =	vst v63  }
0x120: {  	s5 =	sadd.s32 @!p0 $0xB0, s4;
	s25 =	simm.s32 @!p0 $0x800  }
0x121: {  	[hbm4b:s5+s26] =	stream.linear.scatter @!p0 [tilespmem:s25], [sflag:$0x12], $0x80, $0x38;
	[tilespmem:$0x10400] =	vst v63  }
0x122: {  	s5 =	sadd.s32 @!p0 $0x130, s4;
	s25 =	simm.s32 @!p0 $0xC00  }
0x123: {  	[hbm4b:s5+s26] =	stream.linear.scatter @!p0 [tilespmem:s25], [sflag:$0x12], $0x80, $0x38;
	[tilespmem:$0x10400] =	vst v63  }
0x124: {  	s5 =	sadd.s32 @!p0 $0x1B0, s4;
	s25 =	simm.s32 @!p0 $0x1000  }
0x125: {  	[hbm4b:s5+s26] =	stream.linear.scatter @!p0 [tilespmem:s25], [sflag:$0x12], $0x80, $0x38;
	[tilespmem:$0x10400] =	vst v63  }
0x126: {  	s5 =	sadd.s32 @!p0 $0x230, s4;
	s25 =	simm.s32 @!p0 $0x1400  }
0x127: {  	[hbm4b:s5+s26] =	stream.linear.scatter @!p0 [tilespmem:s25], [sflag:$0x12], $0x80, $0x38;
	[tilespmem:$0x10400] =	vst v63  }
0x128: {  	s5 =	sadd.s32 @!p0 $0x2B0, s4;
	s25 =	simm.s32 @!p0 $0x1800  }
0x129: {  	[hbm4b:s5+s26] =	stream.linear.scatter @!p0 [tilespmem:s25], [sflag:$0x12], $0x80, $0x38;
	[tilespmem:$0x10400] =	vst v63  }
0x12a: {  	s5 =	sadd.s32 @!p0 $0x330, s4;
	s25 =	simm.s32 @!p0 $0x1C00  }
0x12b: {  	[hbm4b:s5+s26] =	stream.linear.scatter @!p0 [tilespmem:s25], [sflag:$0x12], $0x80, $0x38;
	[tilespmem:$0x10400] =	vst v63  }
0x12c: {  	s4 =	sadd.s32 @!p0 $0x3B0, s4;
	s5 =	simm.s32 @!p0 $0x2000;
	s25 =	simm.s32 @!p0 $0x12  }
0x12d: {  	[hbm4b:s4+s26] =	stream.linear.scatter @!p0 [tilespmem:s5], [sflag:$0x12], $0x80, $0x38;
	[tilespmem:$0x10400] =	vst v63  }
0x12e: {  	p1 =	slt.u32 s16, $0x40;
	_ =	swait.ge @!p0 [sflag:s25], $0x400  }
0x12f: {  	s4 =	sadd.s32 @!p1 $0x0, s20;
	s5 =	simm.s32 @!p1 $0x400;
	[sflag:s25] =	ssyncset.done @!p0 $0x0  }
0x130: {  	s16 =	sadd.s32 @!p1 $0x40, s4;
	[sflag:s25] =	ssyncadd.s32 @!p0 $0xFFFFFC00;
	s25 =	simm.s32 @!p1 $0x0  }
0x131: {  	[hbm4b:s16+s25] =	stream.linear.scatter @!p1 [tilespmem:s5], [sflag:$0x12], $0x80, $0x38;
	[tilespmem:$0x10400] =	vst v63  }
0x132: {  	s5 =	sadd.s32 @!p1 $0xC0, s4;
	s16 =	simm.s32 @!p1 $0x800  }
0x133: {  	[hbm4b:s5+s25] =	stream.linear.scatter @!p1 [tilespmem:s16], [sflag:$0x12], $0x80, $0x38;
	[tilespmem:$0x10400] =	vst v63  }
0x134: {  	s5 =	sadd.s32 @!p1 $0x140, s4;
	s16 =	simm.s32 @!p1 $0xC00  }
0x135: {  	[hbm4b:s5+s25] =	stream.linear.scatter @!p1 [tilespmem:s16], [sflag:$0x12], $0x80, $0x38;
	[tilespmem:$0x10400] =	vst v63  }
0x136: {  	s5 =	sadd.s32 @!p1 $0x1C0, s4;
	s16 =	simm.s32 @!p1 $0x1000  }
0x137: {  	[hbm4b:s5+s25] =	stream.linear.scatter @!p1 [tilespmem:s16], [sflag:$0x12], $0x80, $0x38;
	[tilespmem:$0x10400] =	vst v63  }
0x138: {  	s5 =	sadd.s32 @!p1 $0x240, s4;
	s16 =	simm.s32 @!p1 $0x1400  }
0x139: {  	[hbm4b:s5+s25] =	stream.linear.scatter @!p1 [tilespmem:s16], [sflag:$0x12], $0x80, $0x38;
	[tilespmem:$0x10400] =	vst v63  }
0x13a: {  	s5 =	sadd.s32 @!p1 $0x2C0, s4;
	s16 =	simm.s32 @!p1 $0x1800  }
0x13b: {  	[hbm4b:s5+s25] =	stream.linear.scatter @!p1 [tilespmem:s16], [sflag:$0x12], $0x80, $0x38;
	[tilespmem:$0x10400] =	vst v63  }
0x13c: {  	s5 =	sadd.s32 @!p1 $0x340, s4;
	s16 =	simm.s32 @!p1 $0x1C00  }
0x13d: {  	[hbm4b:s5+s25] =	stream.linear.scatter @!p1 [tilespmem:s16], [sflag:$0x12], $0x80, $0x38;
	[tilespmem:$0x10400] =	vst v63  }
0x13e: {  	s4 =	sadd.s32 @!p1 $0x3C0, s4;
	s5 =	simm.s32 @!p1 $0x2000;
	s16 =	simm.s32 @!p1 $0x12  }
0x13f: {  	[hbm4b:s4+s25] =	stream.linear.scatter @!p1 [tilespmem:s5], [sflag:$0x12], $0x80, $0x38;
	[tilespmem:$0x10400] =	vst v63  }
0x140: {  	p0 =	slt.u32 s23, $0x40;
	_ =	swait.ge @!p1 [sflag:s16], $0x400  }
0x141: {  	s23 =	simm.s32 @!p0 $0x0;
	s4 =	sadd.s32 @!p0 $0x0, s20;
	[sflag:s16] =	ssyncset.done @!p1 $0x0  }
0x142: {  	s5 =	simm.s32 @!p0 $0x400;
	[sflag:s16] =	ssyncadd.s32 @!p1 $0xFFFFFC00;
	s16 =	sadd.s32 @!p0 $0x50, s4  }
0x143: {  	[hbm4b:s16+s23] =	stream.linear.scatter @!p0 [tilespmem:s5], [sflag:$0x12], $0x80, $0x38;
	[tilespmem:$0x10400] =	vst v63  }
0x144: {  	s5 =	sadd.s32 @!p0 $0xD0, s4;
	s16 =	simm.s32 @!p0 $0x800  }
0x145: {  	[hbm4b:s5+s23] =	stream.linear.scatter @!p0 [tilespmem:s16], [sflag:$0x12], $0x80, $0x38;
	[tilespmem:$0x10400] =	vst v63  }
0x146: {  	s5 =	sadd.s32 @!p0 $0x150, s4;
	s16 =	simm.s32 @!p0 $0xC00  }
0x147: {  	[hbm4b:s5+s23] =	stream.linear.scatter @!p0 [tilespmem:s16], [sflag:$0x12], $0x80, $0x38;
	[tilespmem:$0x10400] =	vst v63  }
0x148: {  	s5 =	sadd.s32 @!p0 $0x1D0, s4;
	s16 =	simm.s32 @!p0 $0x1000  }
0x149: {  	[hbm4b:s5+s23] =	stream.linear.scatter @!p0 [tilespmem:s16], [sflag:$0x12], $0x80, $0x38;
	[tilespmem:$0x10400] =	vst v63  }
0x14a: {  	s5 =	sadd.s32 @!p0 $0x250, s4;
	s16 =	simm.s32 @!p0 $0x1400  }
0x14b: {  	[hbm4b:s5+s23] =	stream.linear.scatter @!p0 [tilespmem:s16], [sflag:$0x12], $0x80, $0x38;
	[tilespmem:$0x10400] =	vst v63  }
0x14c: {  	s5 =	sadd.s32 @!p0 $0x2D0, s4;
	s16 =	simm.s32 @!p0 $0x1800  }
0x14d: {  	[hbm4b:s5+s23] =	stream.linear.scatter @!p0 [tilespmem:s16], [sflag:$0x12], $0x80, $0x38;
	[tilespmem:$0x10400] =	vst v63  }
0x14e: {  	s5 =	sadd.s32 @!p0 $0x350, s4;
	s16 =	simm.s32 @!p0 $0x1C00  }
0x14f: {  	[hbm4b:s5+s23] =	stream.linear.scatter @!p0 [tilespmem:s16], [sflag:$0x12], $0x80, $0x38;
	[tilespmem:$0x10400] =	vst v63  }
0x150: {  	s4 =	sadd.s32 @!p0 $0x3D0, s4;
	s5 =	simm.s32 @!p0 $0x2000;
	s16 =	simm.s32 @!p0 $0x12  }
0x151: {  	[hbm4b:s4+s23] =	stream.linear.scatter @!p0 [tilespmem:s5], [sflag:$0x12], $0x80, $0x38;
	[tilespmem:$0x10400] =	vst v63  }
0x152: {  	p1 =	slt.u32 s10, $0x40;
	_ =	swait.ge @!p0 [sflag:s16], $0x400  }
0x153: {  	s4 =	sadd.s32 @!p1 $0x0, s20;
	s5 =	simm.s32 @!p1 $0x400;
	[sflag:s16] =	ssyncset.done @!p0 $0x0  }
0x154: {  	s10 =	sadd.s32 @!p1 $0x60, s4;
	[sflag:s16] =	ssyncadd.s32 @!p0 $0xFFFFFC00;
	s16 =	simm.s32 @!p1 $0x0  }
0x155: {  	[hbm4b:s10+s16] =	stream.linear.scatter @!p1 [tilespmem:s5], [sflag:$0x12], $0x80, $0x38;
	[tilespmem:$0x10400] =	vst v63  }
0x156: {  	s5 =	sadd.s32 @!p1 $0xE0, s4;
	s10 =	simm.s32 @!p1 $0x800  }
0x157: {  	[hbm4b:s5+s16] =	stream.linear.scatter @!p1 [tilespmem:s10], [sflag:$0x12], $0x80, $0x38;
	[tilespmem:$0x10400] =	vst v63  }
0x158: {  	s5 =	sadd.s32 @!p1 $0x160, s4;
	s10 =	simm.s32 @!p1 $0xC00  }
0x159: {  	[hbm4b:s5+s16] =	stream.linear.scatter @!p1 [tilespmem:s10], [sflag:$0x12], $0x80, $0x38;
	[tilespmem:$0x10400] =	vst v63  }
0x15a: {  	s5 =	sadd.s32 @!p1 $0x1E0, s4;
	s10 =	simm.s32 @!p1 $0x1000  }
0x15b: {  	[hbm4b:s5+s16] =	stream.linear.scatter @!p1 [tilespmem:s10], [sflag:$0x12], $0x80, $0x38;
	[tilespmem:$0x10400] =	vst v63  }
0x15c: {  	s5 =	sadd.s32 @!p1 $0x260, s4;
	s10 =	simm.s32 @!p1 $0x1400  }
0x15d: {  	[hbm4b:s5+s16] =	stream.linear.scatter @!p1 [tilespmem:s10], [sflag:$0x12], $0x80, $0x38;
	[tilespmem:$0x10400] =	vst v63  }
0x15e: {  	s5 =	sadd.s32 @!p1 $0x2E0, s4;
	s10 =	simm.s32 @!p1 $0x1800  }
0x15f: {  	[hbm4b:s5+s16] =	stream.linear.scatter @!p1 [tilespmem:s10], [sflag:$0x12], $0x80, $0x38;
	[tilespmem:$0x10400] =	vst v63  }
0x160: {  	s5 =	sadd.s32 @!p1 $0x360, s4;
	s10 =	simm.s32 @!p1 $0x1C00  }
0x161: {  	[hbm4b:s5+s16] =	stream.linear.scatter @!p1 [tilespmem:s10], [sflag:$0x12], $0x80, $0x38;
	[tilespmem:$0x10400] =	vst v63  }
0x162: {  	s4 =	sadd.s32 @!p1 $0x3E0, s4;
	s5 =	simm.s32 @!p1 $0x2000;
	s10 =	simm.s32 @!p1 $0x12  }
0x163: {  	[hbm4b:s4+s16] =	stream.linear.scatter @!p1 [tilespmem:s5], [sflag:$0x12], $0x80, $0x38;
	[tilespmem:$0x10400] =	vst v63  }
0x164: {  	p0 =	slt.u32 s21, $0x40;
	_ =	swait.ge @!p1 [sflag:s10], $0x400  }
0x165: {  	s4 =	sadd.s32 @!p0 $0x0, s20;
	s5 =	simm.s32 @!p0 $0x400;
	[sflag:s10] =	ssyncset.done @!p1 $0x0  }
0x166: {  	s16 =	simm.s32 @!p0 $0x0;
	[sflag:s10] =	ssyncadd.s32 @!p1 $0xFFFFFC00;
	s10 =	sadd.s32 @!p0 $0x70, s4  }
0x167: {  	[hbm4b:s10+s16] =	stream.linear.scatter @!p0 [tilespmem:s5], [sflag:$0x12], $0x80, $0x38;
	[tilespmem:$0x10400] =	vst v63  }
0x168: {  	s5 =	sadd.s32 @!p0 $0xF0, s4;
	s10 =	simm.s32 @!p0 $0x800  }
0x169: {  	[hbm4b:s5+s16] =	stream.linear.scatter @!p0 [tilespmem:s10], [sflag:$0x12], $0x80, $0x38;
	[tilespmem:$0x10400] =	vst v63  }
0x16a: {  	s5 =	sadd.s32 @!p0 $0x170, s4;
	s10 =	simm.s32 @!p0 $0xC00  }
0x16b: {  	[hbm4b:s5+s16] =	stream.linear.scatter @!p0 [tilespmem:s10], [sflag:$0x12], $0x80, $0x38;
	[tilespmem:$0x10400] =	vst v63  }
0x16c: {  	s5 =	sadd.s32 @!p0 $0x1F0, s4;
	s10 =	simm.s32 @!p0 $0x1000  }
0x16d: {  	[hbm4b:s5+s16] =	stream.linear.scatter @!p0 [tilespmem:s10], [sflag:$0x12], $0x80, $0x38;
	[tilespmem:$0x10400] =	vst v63  }
0x16e: {  	s5 =	sadd.s32 @!p0 $0x270, s4;
	s10 =	simm.s32 @!p0 $0x1400  }
0x16f: {  	[hbm4b:s5+s16] =	stream.linear.scatter @!p0 [tilespmem:s10], [sflag:$0x12], $0x80, $0x38;
	[tilespmem:$0x10400] =	vst v63  }
0x170: {  	s5 =	sadd.s32 @!p0 $0x2F0, s4;
	s10 =	simm.s32 @!p0 $0x1800  }
0x171: {  	[hbm4b:s5+s16] =	stream.linear.scatter @!p0 [tilespmem:s10], [sflag:$0x12], $0x80, $0x38;
	[tilespmem:$0x10400] =	vst v63  }
0x172: {  	s5 =	sadd.s32 @!p0 $0x370, s4;
	s10 =	simm.s32 @!p0 $0x1C00  }
0x173: {  	[hbm4b:s5+s16] =	stream.linear.scatter @!p0 [tilespmem:s10], [sflag:$0x12], $0x80, $0x38;
	[tilespmem:$0x10400] =	vst v63  }
0x174: {  	s4 =	sadd.s32 @!p0 $0x3F0, s4;
	s5 =	simm.s32 @!p0 $0x2000;
	s10 =	simm.s32 @!p0 $0x12  }
0x175: {  	[hbm4b:s4+s16] =	stream.linear.scatter @!p0 [tilespmem:s5], [sflag:$0x12], $0x80, $0x38;
	[tilespmem:$0x10400] =	vst v63  }
0x176: {  	p1 =	slt.u32 s19, $0x40;
	_ =	swait.ge @!p0 [sflag:s10], $0x400  }
0x177: {  	s4 =	sadd.s32 @!p1 $0x0, s20;
	s5 =	simm.s32 @!p1 $0x400;
	[sflag:s10] =	ssyncset.done @!p0 $0x0  }
0x178: {  	s16 =	simm.s32 @!p1 $0x0;
	[sflag:s10] =	ssyncadd.s32 @!p0 $0xFFFFFC00;
	s10 =	sadd.s32 @!p1 $0x400, s4  }
0x179: {  	[hbm4b:s10+s16] =	stream.linear.scatter @!p1 [tilespmem:s5], [sflag:$0x12], $0x80, $0x38;
	[tilespmem:$0x10400] =	vst v63  }
0x17a: {  	s5 =	sadd.s32 @!p1 $0x480, s4;
	s10 =	simm.s32 @!p1 $0x800  }
0x17b: {  	[hbm4b:s5+s16] =	stream.linear.scatter @!p1 [tilespmem:s10], [sflag:$0x12], $0x80, $0x38;
	[tilespmem:$0x10400] =	vst v63  }
0x17c: {  	s5 =	sadd.s32 @!p1 $0x500, s4;
	s10 =	simm.s32 @!p1 $0xC00  }
0x17d: {  	[hbm4b:s5+s16] =	stream.linear.scatter @!p1 [tilespmem:s10], [sflag:$0x12], $0x80, $0x38;
	[tilespmem:$0x10400] =	vst v63  }
0x17e: {  	s5 =	sadd.s32 @!p1 $0x580, s4;
	s10 =	simm.s32 @!p1 $0x1000  }
0x17f: {  	[hbm4b:s5+s16] =	stream.linear.scatter @!p1 [tilespmem:s10], [sflag:$0x12], $0x80, $0x38;
	[tilespmem:$0x10400] =	vst v63  }
0x180: {  	s5 =	sadd.s32 @!p1 $0x600, s4;
	s10 =	simm.s32 @!p1 $0x1400  }
0x181: {  	[hbm4b:s5+s16] =	stream.linear.scatter @!p1 [tilespmem:s10], [sflag:$0x12], $0x80, $0x38;
	[tilespmem:$0x10400] =	vst v63  }
0x182: {  	s5 =	sadd.s32 @!p1 $0x680, s4;
	s10 =	simm.s32 @!p1 $0x1800  }
0x183: {  	[hbm4b:s5+s16] =	stream.linear.scatter @!p1 [tilespmem:s10], [sflag:$0x12], $0x80, $0x38;
	[tilespmem:$0x10400] =	vst v63  }
0x184: {  	s5 =	sadd.s32 @!p1 $0x700, s4;
	s10 =	simm.s32 @!p1 $0x1C00  }
0x185: {  	[hbm4b:s5+s16] =	stream.linear.scatter @!p1 [tilespmem:s10], [sflag:$0x12], $0x80, $0x38;
	[tilespmem:$0x10400] =	vst v63  }
0x186: {  	s4 =	sadd.s32 @!p1 $0x780, s4;
	s5 =	simm.s32 @!p1 $0x2000;
	s10 =	simm.s32 @!p1 $0x12  }
0x187: {  	[hbm4b:s4+s16] =	stream.linear.scatter @!p1 [tilespmem:s5], [sflag:$0x12], $0x80, $0x38;
	[tilespmem:$0x10400] =	vst v63  }
0x188: {  	p0 =	slt.u32 s13, $0x40;
	_ =	swait.ge @!p1 [sflag:s10], $0x400  }
0x189: {  	s13 =	simm.s32 @!p0 $0x0;
	s4 =	sadd.s32 @!p0 $0x0, s20;
	[sflag:s10] =	ssyncset.done @!p1 $0x0  }
0x18a: {  	s5 =	simm.s32 @!p0 $0x400;
	[sflag:s10] =	ssyncadd.s32 @!p1 $0xFFFFFC00;
	s10 =	sadd.s32 @!p0 $0x410, s4  }
0x18b: {  	[hbm4b:s10+s13] =	stream.linear.scatter @!p0 [tilespmem:s5], [sflag:$0x12], $0x80, $0x38;
	[tilespmem:$0x10400] =	vst v63  }
0x18c: {  	s5 =	sadd.s32 @!p0 $0x490, s4;
	s10 =	simm.s32 @!p0 $0x800  }
0x18d: {  	[hbm4b:s5+s13] =	stream.linear.scatter @!p0 [tilespmem:s10], [sflag:$0x12], $0x80, $0x38;
	[tilespmem:$0x10400] =	vst v63  }
0x18e: {  	s5 =	sadd.s32 @!p0 $0x510, s4;
	s10 =	simm.s32 @!p0 $0xC00  }
0x18f: {  	[hbm4b:s5+s13] =	stream.linear.scatter @!p0 [tilespmem:s10], [sflag:$0x12], $0x80, $0x38;
	[tilespmem:$0x10400] =	vst v63  }
0x190: {  	s5 =	sadd.s32 @!p0 $0x590, s4;
	s10 =	simm.s32 @!p0 $0x1000  }
0x191: {  	[hbm4b:s5+s13] =	stream.linear.scatter @!p0 [tilespmem:s10], [sflag:$0x12], $0x80, $0x38;
	[tilespmem:$0x10400] =	vst v63  }
0x192: {  	s5 =	sadd.s32 @!p0 $0x610, s4;
	s10 =	simm.s32 @!p0 $0x1400  }
0x193: {  	[hbm4b:s5+s13] =	stream.linear.scatter @!p0 [tilespmem:s10], [sflag:$0x12], $0x80, $0x38;
	[tilespmem:$0x10400] =	vst v63  }
0x194: {  	s5 =	sadd.s32 @!p0 $0x690, s4;
	s10 =	simm.s32 @!p0 $0x1800  }
0x195: {  	[hbm4b:s5+s13] =	stream.linear.scatter @!p0 [tilespmem:s10], [sflag:$0x12], $0x80, $0x38;
	[tilespmem:$0x10400] =	vst v63  }
0x196: {  	s5 =	sadd.s32 @!p0 $0x710, s4;
	s10 =	simm.s32 @!p0 $0x1C00  }
0x197: {  	[hbm4b:s5+s13] =	stream.linear.scatter @!p0 [tilespmem:s10], [sflag:$0x12], $0x80, $0x38;
	[tilespmem:$0x10400] =	vst v63  }
0x198: {  	s4 =	sadd.s32 @!p0 $0x790, s4;
	s5 =	simm.s32 @!p0 $0x2000;
	s10 =	simm.s32 @!p0 $0x12  }
0x199: {  	[hbm4b:s4+s13] =	stream.linear.scatter @!p0 [tilespmem:s5], [sflag:$0x12], $0x80, $0x38;
	[tilespmem:$0x10400] =	vst v63  }
0x19a: {  	p1 =	slt.u32 s18, $0x40;
	_ =	swait.ge @!p0 [sflag:s10], $0x400  }
0x19b: {  	s4 =	sadd.s32 @!p1 $0x0, s20;
	s5 =	simm.s32 @!p1 $0x400;
	[sflag:s10] =	ssyncset.done @!p0 $0x0  }
0x19c: {  	s9 =	sadd.s32 @!p1 $0x420, s4;
	[sflag:s10] =	ssyncadd.s32 @!p0 $0xFFFFFC00;
	s10 =	simm.s32 @!p1 $0x0  }
0x19d: {  	[hbm4b:s9+s10] =	stream.linear.scatter @!p1 [tilespmem:s5], [sflag:$0x12], $0x80, $0x38;
	[tilespmem:$0x10400] =	vst v63  }
0x19e: {  	s5 =	sadd.s32 @!p1 $0x4A0, s4;
	s9 =	simm.s32 @!p1 $0x800  }
0x19f: {  	[hbm4b:s5+s10] =	stream.linear.scatter @!p1 [tilespmem:s9], [sflag:$0x12], $0x80, $0x38;
	[tilespmem:$0x10400] =	vst v63  }
0x1a0: {  	s5 =	sadd.s32 @!p1 $0x520, s4;
	s9 =	simm.s32 @!p1 $0xC00  }
0x1a1: {  	[hbm4b:s5+s10] =	stream.linear.scatter @!p1 [tilespmem:s9], [sflag:$0x12], $0x80, $0x38;
	[tilespmem:$0x10400] =	vst v63  }
0x1a2: {  	s5 =	sadd.s32 @!p1 $0x5A0, s4;
	s9 =	simm.s32 @!p1 $0x1000  }
0x1a3: {  	[hbm4b:s5+s10] =	stream.linear.scatter @!p1 [tilespmem:s9], [sflag:$0x12], $0x80, $0x38;
	[tilespmem:$0x10400] =	vst v63  }
0x1a4: {  	s5 =	sadd.s32 @!p1 $0x620, s4;
	s9 =	simm.s32 @!p1 $0x1400  }
0x1a5: {  	[hbm4b:s5+s10] =	stream.linear.scatter @!p1 [tilespmem:s9], [sflag:$0x12], $0x80, $0x38;
	[tilespmem:$0x10400] =	vst v63  }
0x1a6: {  	s5 =	sadd.s32 @!p1 $0x6A0, s4;
	s9 =	simm.s32 @!p1 $0x1800  }
0x1a7: {  	[hbm4b:s5+s10] =	stream.linear.scatter @!p1 [tilespmem:s9], [sflag:$0x12], $0x80, $0x38;
	[tilespmem:$0x10400] =	vst v63  }
0x1a8: {  	s5 =	sadd.s32 @!p1 $0x720, s4;
	s9 =	simm.s32 @!p1 $0x1C00  }
0x1a9: {  	[hbm4b:s5+s10] =	stream.linear.scatter @!p1 [tilespmem:s9], [sflag:$0x12], $0x80, $0x38;
	[tilespmem:$0x10400] =	vst v63  }
0x1aa: {  	s4 =	sadd.s32 @!p1 $0x7A0, s4;
	s5 =	simm.s32 @!p1 $0x2000;
	s9 =	simm.s32 @!p1 $0x12  }
0x1ab: {  	[hbm4b:s4+s10] =	stream.linear.scatter @!p1 [tilespmem:s5], [sflag:$0x12], $0x80, $0x38;
	[tilespmem:$0x10400] =	vst v63  }
0x1ac: {  	p0 =	slt.u32 s17, $0x40;
	_ =	swait.ge @!p1 [sflag:s9], $0x400  }
0x1ad: {  	s4 =	sadd.s32 @!p0 $0x0, s20;
	s5 =	simm.s32 @!p0 $0x400;
	[sflag:s9] =	ssyncset.done @!p1 $0x0  }
0x1ae: {  	s10 =	simm.s32 @!p0 $0x0;
	[sflag:s9] =	ssyncadd.s32 @!p1 $0xFFFFFC00;
	s9 =	sadd.s32 @!p0 $0x430, s4  }
0x1af: {  	[hbm4b:s9+s10] =	stream.linear.scatter @!p0 [tilespmem:s5], [sflag:$0x12], $0x80, $0x38;
	[tilespmem:$0x10400] =	vst v63  }
0x1b0: {  	s5 =	sadd.s32 @!p0 $0x4B0, s4;
	s9 =	simm.s32 @!p0 $0x800  }
0x1b1: {  	[hbm4b:s5+s10] =	stream.linear.scatter @!p0 [tilespmem:s9], [sflag:$0x12], $0x80, $0x38;
	[tilespmem:$0x10400] =	vst v63  }
0x1b2: {  	s5 =	sadd.s32 @!p0 $0x530, s4;
	s9 =	simm.s32 @!p0 $0xC00  }
0x1b3: {  	[hbm4b:s5+s10] =	stream.linear.scatter @!p0 [tilespmem:s9], [sflag:$0x12], $0x80, $0x38;
	[tilespmem:$0x10400] =	vst v63  }
0x1b4: {  	s5 =	sadd.s32 @!p0 $0x5B0, s4;
	s9 =	simm.s32 @!p0 $0x1000  }
0x1b5: {  	[hbm4b:s5+s10] =	stream.linear.scatter @!p0 [tilespmem:s9], [sflag:$0x12], $0x80, $0x38;
	[tilespmem:$0x10400] =	vst v63  }
0x1b6: {  	s5 =	sadd.s32 @!p0 $0x630, s4;
	s9 =	simm.s32 @!p0 $0x1400  }
0x1b7: {  	[hbm4b:s5+s10] =	stream.linear.scatter @!p0 [tilespmem:s9], [sflag:$0x12], $0x80, $0x38;
	[tilespmem:$0x10400] =	vst v63  }
0x1b8: {  	s5 =	sadd.s32 @!p0 $0x6B0, s4;
	s9 =	simm.s32 @!p0 $0x1800  }
0x1b9: {  	[hbm4b:s5+s10] =	stream.linear.scatter @!p0 [tilespmem:s9], [sflag:$0x12], $0x80, $0x38;
	[tilespmem:$0x10400] =	vst v63  }
0x1ba: {  	s5 =	sadd.s32 @!p0 $0x730, s4;
	s9 =	simm.s32 @!p0 $0x1C00  }
0x1bb: {  	[hbm4b:s5+s10] =	stream.linear.scatter @!p0 [tilespmem:s9], [sflag:$0x12], $0x80, $0x38;
	[tilespmem:$0x10400] =	vst v63  }
0x1bc: {  	s4 =	sadd.s32 @!p0 $0x7B0, s4;
	s5 =	simm.s32 @!p0 $0x2000;
	s9 =	simm.s32 @!p0 $0x12  }
0x1bd: {  	[hbm4b:s4+s10] =	stream.linear.scatter @!p0 [tilespmem:s5], [sflag:$0x12], $0x80, $0x38;
	[tilespmem:$0x10400] =	vst v63  }
0x1be: {  	p1 =	slt.u32 s28, $0x40;
	_ =	swait.ge @!p0 [sflag:s9], $0x400  }
0x1bf: {  	s4 =	sadd.s32 @!p1 $0x0, s20;
	s5 =	simm.s32 @!p1 $0x400;
	[sflag:s9] =	ssyncset.done @!p0 $0x0  }
0x1c0: {  	s8 =	sadd.s32 @!p1 $0x440, s4;
	[sflag:s9] =	ssyncadd.s32 @!p0 $0xFFFFFC00;
	s9 =	simm.s32 @!p1 $0x0  }
0x1c1: {  	[hbm4b:s8+s9] =	stream.linear.scatter @!p1 [tilespmem:s5], [sflag:$0x12], $0x80, $0x38;
	[tilespmem:$0x10400] =	vst v63  }
0x1c2: {  	s5 =	sadd.s32 @!p1 $0x4C0, s4;
	s8 =	simm.s32 @!p1 $0x800  }
0x1c3: {  	[hbm4b:s5+s9] =	stream.linear.scatter @!p1 [tilespmem:s8], [sflag:$0x12], $0x80, $0x38;
	[tilespmem:$0x10400] =	vst v63  }
0x1c4: {  	s5 =	sadd.s32 @!p1 $0x540, s4;
	s8 =	simm.s32 @!p1 $0xC00  }
0x1c5: {  	[hbm4b:s5+s9] =	stream.linear.scatter @!p1 [tilespmem:s8], [sflag:$0x12], $0x80, $0x38;
	[tilespmem:$0x10400] =	vst v63  }
0x1c6: {  	s5 =	sadd.s32 @!p1 $0x5C0, s4;
	s8 =	simm.s32 @!p1 $0x1000  }
0x1c7: {  	[hbm4b:s5+s9] =	stream.linear.scatter @!p1 [tilespmem:s8], [sflag:$0x12], $0x80, $0x38;
	[tilespmem:$0x10400] =	vst v63  }
0x1c8: {  	s5 =	sadd.s32 @!p1 $0x640, s4;
	s8 =	simm.s32 @!p1 $0x1400  }
0x1c9: {  	[hbm4b:s5+s9] =	stream.linear.scatter @!p1 [tilespmem:s8], [sflag:$0x12], $0x80, $0x38;
	[tilespmem:$0x10400] =	vst v63  }
0x1ca: {  	s5 =	sadd.s32 @!p1 $0x6C0, s4;
	s8 =	simm.s32 @!p1 $0x1800  }
0x1cb: {  	[hbm4b:s5+s9] =	stream.linear.scatter @!p1 [tilespmem:s8], [sflag:$0x12], $0x80, $0x38;
	[tilespmem:$0x10400] =	vst v63  }
0x1cc: {  	s5 =	sadd.s32 @!p1 $0x740, s4;
	s8 =	simm.s32 @!p1 $0x1C00  }
0x1cd: {  	[hbm4b:s5+s9] =	stream.linear.scatter @!p1 [tilespmem:s8], [sflag:$0x12], $0x80, $0x38;
	[tilespmem:$0x10400] =	vst v63  }
0x1ce: {  	s4 =	sadd.s32 @!p1 $0x7C0, s4;
	s5 =	simm.s32 @!p1 $0x2000;
	s8 =	simm.s32 @!p1 $0x12  }
0x1cf: {  	[hbm4b:s4+s9] =	stream.linear.scatter @!p1 [tilespmem:s5], [sflag:$0x12], $0x80, $0x38;
	[tilespmem:$0x10400] =	vst v63  }
0x1d0: {  	p0 =	slt.u32 s29, $0x40;
	_ =	swait.ge @!p1 [sflag:s8], $0x400  }
0x1d1: {  	s4 =	sadd.s32 @!p0 $0x0, s20;
	s5 =	simm.s32 @!p0 $0x400;
	[sflag:s8] =	ssyncset.done @!p1 $0x0  }
0x1d2: {  	s7 =	sadd.s32 @!p0 $0x450, s4;
	[sflag:s8] =	ssyncadd.s32 @!p1 $0xFFFFFC00;
	s8 =	simm.s32 @!p0 $0x0  }
0x1d3: {  	[hbm4b:s7+s8] =	stream.linear.scatter @!p0 [tilespmem:s5], [sflag:$0x12], $0x80, $0x38;
	[tilespmem:$0x10400] =	vst v63  }
0x1d4: {  	s5 =	sadd.s32 @!p0 $0x4D0, s4;
	s7 =	simm.s32 @!p0 $0x800  }
0x1d5: {  	[hbm4b:s5+s8] =	stream.linear.scatter @!p0 [tilespmem:s7], [sflag:$0x12], $0x80, $0x38;
	[tilespmem:$0x10400] =	vst v63  }
0x1d6: {  	s5 =	sadd.s32 @!p0 $0x550, s4;
	s7 =	simm.s32 @!p0 $0xC00  }
0x1d7: {  	[hbm4b:s5+s8] =	stream.linear.scatter @!p0 [tilespmem:s7], [sflag:$0x12], $0x80, $0x38;
	[tilespmem:$0x10400] =	vst v63  }
0x1d8: {  	s5 =	sadd.s32 @!p0 $0x5D0, s4;
	s7 =	simm.s32 @!p0 $0x1000  }
0x1d9: {  	[hbm4b:s5+s8] =	stream.linear.scatter @!p0 [tilespmem:s7], [sflag:$0x12], $0x80, $0x38;
	[tilespmem:$0x10400] =	vst v63  }
0x1da: {  	s5 =	sadd.s32 @!p0 $0x650, s4;
	s7 =	simm.s32 @!p0 $0x1400  }
0x1db: {  	[hbm4b:s5+s8] =	stream.linear.scatter @!p0 [tilespmem:s7], [sflag:$0x12], $0x80, $0x38;
	[tilespmem:$0x10400] =	vst v63  }
0x1dc: {  	s5 =	sadd.s32 @!p0 $0x6D0, s4;
	s7 =	simm.s32 @!p0 $0x1800  }
0x1dd: {  	[hbm4b:s5+s8] =	stream.linear.scatter @!p0 [tilespmem:s7], [sflag:$0x12], $0x80, $0x38;
	[tilespmem:$0x10400] =	vst v63  }
0x1de: {  	s5 =	sadd.s32 @!p0 $0x750, s4;
	s7 =	simm.s32 @!p0 $0x1C00  }
0x1df: {  	[hbm4b:s5+s8] =	stream.linear.scatter @!p0 [tilespmem:s7], [sflag:$0x12], $0x80, $0x38;
	[tilespmem:$0x10400] =	vst v63  }
0x1e0: {  	s4 =	sadd.s32 @!p0 $0x7D0, s4;
	s5 =	simm.s32 @!p0 $0x2000;
	s7 =	simm.s32 @!p0 $0x12  }
0x1e1: {  	[hbm4b:s4+s8] =	stream.linear.scatter @!p0 [tilespmem:s5], [sflag:$0x12], $0x80, $0x38;
	[tilespmem:$0x10400] =	vst v63  }
0x1e2: {  	p2 =	slt.u32 s31, $0x40;
	_ =	swait.ge @!p0 [sflag:s7], $0x400  }
0x1e3: {  	s4 =	sadd.s32 @!p2 $0x0, s20;
	s5 =	simm.s32 @!p2 $0x400;
	[sflag:s7] =	ssyncset.done @!p0 $0x0  }
0x1e4: {  	s6 =	sadd.s32 @!p2 $0x460, s4;
	[sflag:s7] =	ssyncadd.s32 @!p0 $0xFFFFFC00;
	s7 =	simm.s32 @!p2 $0x0  }
0x1e5: {  	[hbm4b:s6+s7] =	stream.linear.scatter @!p2 [tilespmem:s5], [sflag:$0x12], $0x80, $0x38;
	[tilespmem:$0x10400] =	vst v63  }
0x1e6: {  	s5 =	sadd.s32 @!p2 $0x4E0, s4;
	s6 =	simm.s32 @!p2 $0x800  }
0x1e7: {  	[hbm4b:s5+s7] =	stream.linear.scatter @!p2 [tilespmem:s6], [sflag:$0x12], $0x80, $0x38;
	[tilespmem:$0x10400] =	vst v63  }
0x1e8: {  	s5 =	sadd.s32 @!p2 $0x560, s4;
	s6 =	simm.s32 @!p2 $0xC00  }
0x1e9: {  	[hbm4b:s5+s7] =	stream.linear.scatter @!p2 [tilespmem:s6], [sflag:$0x12], $0x80, $0x38;
	[tilespmem:$0x10400] =	vst v63  }
0x1ea: {  	s5 =	sadd.s32 @!p2 $0x5E0, s4;
	s6 =	simm.s32 @!p2 $0x1000  }
0x1eb: {  	[hbm4b:s5+s7] =	stream.linear.scatter @!p2 [tilespmem:s6], [sflag:$0x12], $0x80, $0x38;
	[tilespmem:$0x10400] =	vst v63  }
0x1ec: {  	s5 =	sadd.s32 @!p2 $0x660, s4;
	s6 =	simm.s32 @!p2 $0x1400  }
0x1ed: {  	[hbm4b:s5+s7] =	stream.linear.scatter @!p2 [tilespmem:s6], [sflag:$0x12], $0x80, $0x38;
	[tilespmem:$0x10400] =	vst v63  }
0x1ee: {  	s5 =	sadd.s32 @!p2 $0x6E0, s4;
	s6 =	simm.s32 @!p2 $0x1800  }
0x1ef: {  	[hbm4b:s5+s7] =	stream.linear.scatter @!p2 [tilespmem:s6], [sflag:$0x12], $0x80, $0x38;
	[tilespmem:$0x10400] =	vst v63  }
0x1f0: {  	s5 =	sadd.s32 @!p2 $0x760, s4;
	s6 =	simm.s32 @!p2 $0x1C00  }
0x1f1: {  	[hbm4b:s5+s7] =	stream.linear.scatter @!p2 [tilespmem:s6], [sflag:$0x12], $0x80, $0x38;
	[tilespmem:$0x10400] =	vst v63  }
0x1f2: {  	s4 =	sadd.s32 @!p2 $0x7E0, s4;
	s5 =	simm.s32 @!p2 $0x2000;
	s6 =	simm.s32 @!p2 $0x12  }
0x1f3: {  	[hbm4b:s4+s7] =	stream.linear.scatter @!p2 [tilespmem:s5], [sflag:$0x12], $0x80, $0x38;
	[tilespmem:$0x10400] =	vst v63  }
0x1f4: {  	p1 =	slt.u32 s1, $0x40;
	_ =	swait.ge @!p2 [sflag:s6], $0x400  }
0x1f5: {  	s4 =	sadd.s32 @!p1 $0x0, s20;
	s5 =	simm.s32 @!p1 $0x400;
	[sflag:s6] =	ssyncset.done @!p2 $0x0  }
0x1f6: {  	s7 =	simm.s32 @!p1 $0x0;
	[sflag:s6] =	ssyncadd.s32 @!p2 $0xFFFFFC00;
	s6 =	sadd.s32 @!p1 $0x470, s4  }
0x1f7: {  	[hbm4b:s6+s7] =	stream.linear.scatter @!p1 [tilespmem:s5], [sflag:$0x11], $0x80, $0x38;
	[tilespmem:$0x10400] =	vst v63  }
0x1f8: {  	s5 =	sadd.s32 @!p1 $0x4F0, s4;
	s6 =	simm.s32 @!p1 $0x800  }
0x1f9: {  	[hbm4b:s5+s7] =	stream.linear.scatter @!p1 [tilespmem:s6], [sflag:$0x11], $0x80, $0x38;
	[tilespmem:$0x10400] =	vst v63  }
0x1fa: {  	s5 =	sadd.s32 @!p1 $0x570, s4;
	s6 =	simm.s32 @!p1 $0xC00  }
0x1fb: {  	[hbm4b:s5+s7] =	stream.linear.scatter @!p1 [tilespmem:s6], [sflag:$0x11], $0x80, $0x38;
	[tilespmem:$0x10400] =	vst v63  }
0x1fc: {  	s5 =	sadd.s32 @!p1 $0x5F0, s4;
	s6 =	simm.s32 @!p1 $0x1000  }
0x1fd: {  	[hbm4b:s5+s7] =	stream.linear.scatter @!p1 [tilespmem:s6], [sflag:$0x11], $0x80, $0x38;
	[tilespmem:$0x10400] =	vst v63  }
0x1fe: {  	s5 =	sadd.s32 @!p1 $0x670, s4;
	s6 =	simm.s32 @!p1 $0x1400  }
0x1ff: {  	[hbm4b:s5+s7] =	stream.linear.scatter @!p1 [tilespmem:s6], [sflag:$0x11], $0x80, $0x38;
	[tilespmem:$0x10400] =	vst v63  }
0x200: {  	s5 =	sadd.s32 @!p1 $0x6F0, s4;
	s6 =	simm.s32 @!p1 $0x1800  }
0x201: {  	[hbm4b:s5+s7] =	stream.linear.scatter @!p1 [tilespmem:s6], [sflag:$0x11], $0x80, $0x38;
	[tilespmem:$0x10400] =	vst v63  }
0x202: {  	s5 =	sadd.s32 @!p1 $0x770, s4;
	s6 =	simm.s32 @!p1 $0x1C00  }
0x203: {  	[hbm4b:s5+s7] =	stream.linear.scatter @!p1 [tilespmem:s6], [sflag:$0x11], $0x80, $0x38;
	[tilespmem:$0x10400] =	vst v63  }
0x204: {  	s5 =	sadd.s32 @!p1 $0x7F0, s4;
	s6 =	simm.s32 @!p1 $0x2000;
	s4 =	simm.s32 @!p1 $0x11  }
0x205: {  	[hbm4b:s5+s7] =	stream.linear.scatter @!p1 [tilespmem:s6], [sflag:$0x11], $0x80, $0x38;
	[tilespmem:$0x10400] =	vst v63  }
0x206: {  	_ =	swait.ge @!p1 [sflag:s4], $0x400  }
0x207: {  	s19 =	simm.s32 $0x800;
	[sflag:s4] =	ssyncset.done @!p1 $0x0  }
.LBB2_10:
0x208: {  	[sflag:s4] =	ssyncadd.s32 @!p1 $0xFFFFFC00  }
0x209: {  	s15 =	sadd.s32 $0x10, s15;
	s5 =	smov.u32 s19;
	s19 =	sadd.s32 $0x800, s19  }
0x20a: {  	p0 =	sne.s32 s19, $0x20000  }
0x20b: {  	v1 =	vld [tilespmem:s15+$0x0];
	_ =	sdelay $0x4  }
0x20c: {  	(v2sf) =	vpush v1, $0x0  }
0x20d: {  	(v2sf) =	vpush v1, $0x1;
	_ =	sdelay $0x8  }
0x20e: {  	(v2sf) =	vpush v1, $0x2;
	_ =	sdelay $0x1  }
0x20f: {  	(v2sf) =	vpush v1, $0x3;
	_ =	sdelay $0x1  }
0x210: {  	(v2sf) =	vpush v1, $0x4  }
0x211: {  	s4 =	spop (v2sf)  }
0x212: {  	p2 =	slt.u32 s4, $0x40;
	s7 =	spop (v2sf);
	(v2sf) =	vpush v1, $0x5  }
0x213: {  	s4 =	sadd.s32 @!p2 s5, s20;
	s8 =	simm.s32 @!p2 $0x0;
	s6 =	simm.s32 @!p2 $0x400  }
0x214: {  	[hbm4b:s4+s8] =	stream.linear.scatter @!p2 [tilespmem:s6], [sflag:$0x12], $0x80, $0x38;
	(v2sf) =	vpush v1, $0x6;
	[tilespmem:$0x10400] =	vst v63  }
0x215: {  	s9 =	simm.s32 @!p2 $0x800;
	s6 =	sadd.s32 @!p2 $0x80, s4;
	s10 =	sadd.s32 @!p2 $0x100, s4  }
0x216: {  	[hbm4b:s6+s8] =	stream.linear.scatter @!p2 [tilespmem:s9], [sflag:$0x12], $0x80, $0x38;
	[tilespmem:$0x10400] =	vst v63  }
0x217: {  	s13 =	sadd.s32 @!p2 $0x200, s4;
	s6 =	simm.s32 @!p2 $0xC00;
	s9 =	sadd.s32 @!p2 $0x180, s4  }
0x218: {  	[hbm4b:s10+s8] =	stream.linear.scatter @!p2 [tilespmem:s6], [sflag:$0x12], $0x80, $0x38;
	[tilespmem:$0x10400] =	vst v63  }
0x219: {  	s21 =	sadd.s32 @!p2 $0x300, s4;
	s6 =	simm.s32 @!p2 $0x1000;
	s10 =	sadd.s32 @!p2 $0x280, s4  }
0x21a: {  	[hbm4b:s9+s8] =	stream.linear.scatter @!p2 [tilespmem:s6], [sflag:$0x12], $0x80, $0x38;
	[tilespmem:$0x10400] =	vst v63  }
0x21b: {  	s23 =	sadd.s32 @!p2 $0x380, s4;
	s9 =	simm.s32 @!p2 $0x1400;
	s6 =	spop (v2sf)  }
0x21c: {  	[hbm4b:s13+s8] =	stream.linear.scatter @!p2 [tilespmem:s9], [sflag:$0x12], $0x80, $0x38;
	[tilespmem:$0x10400] =	vst v63  }
0x21d: {  	s4 =	simm.s32 @!p2 $0x1800;
	s16 =	spop (v2sf)  }
0x21e: {  	[hbm4b:s10+s8] =	stream.linear.scatter @!p2 [tilespmem:s4], [sflag:$0x12], $0x80, $0x38;
	(v2sf) =	vpush v1, $0x7;
	[tilespmem:$0x10400] =	vst v63  }
0x21f: {  	s9 =	simm.s32 @!p2 $0x1C00;
	s4 =	spop (v2sf)  }
0x220: {  	[hbm4b:s21+s8] =	stream.linear.scatter @!p2 [tilespmem:s9], [sflag:$0x12], $0x80, $0x38;
	(v2sf) =	vpush v1, $0x8;
	[tilespmem:$0x10400] =	vst v63  }
0x221: {  	s10 =	simm.s32 @!p2 $0x12;
	s9 =	simm.s32 @!p2 $0x2000;
	s25 =	spop (v2sf)  }
0x222: {  	[hbm4b:s23+s8] =	stream.linear.scatter @!p2 [tilespmem:s9], [sflag:$0x12], $0x80, $0x38;
	(v2sf) =	vpush v1, $0x9;
	[tilespmem:$0x10400] =	vst v63  }
0x223: {  	_ =	swait.ge @!p2 [sflag:s10], $0x400  }
0x224: {  	p1 =	slt.u32 s7, $0x40;
	s23 =	spop (v2sf)  }
0x225: {  	s7 =	sadd.s32 @!p1 s5, s20;
	s8 =	simm.s32 @!p1 $0x400;
	[sflag:s10] =	ssyncset.done @!p2 $0x0;
	(v2sf) =	vpush v1, $0xA  }
0x226: {  	s26 =	simm.s32 @!p1 $0x0;
	s9 =	sadd.s32 @!p1 $0x10, s7;
	[sflag:s10] =	ssyncadd.s32 @!p2 $0xFFFFFC00  }
0x227: {  	[hbm4b:s9+s26] =	stream.linear.scatter @!p1 [tilespmem:s8], [sflag:$0x12], $0x80, $0x38;
	(v2sf) =	vpush v1, $0xB;
	[tilespmem:$0x10400] =	vst v63  }
0x228: {  	s10 =	sadd.s32 @!p1 $0x110, s7;
	s8 =	sadd.s32 @!p1 $0x90, s7;
	s9 =	simm.s32 @!p1 $0x800  }
0x229: {  	[hbm4b:s8+s26] =	stream.linear.scatter @!p1 [tilespmem:s9], [sflag:$0x12], $0x80, $0x38;
	[tilespmem:$0x10400] =	vst v63  }
0x22a: {  	s13 =	sadd.s32 @!p1 $0x210, s7;
	s8 =	simm.s32 @!p1 $0xC00;
	s9 =	sadd.s32 @!p1 $0x190, s7  }
0x22b: {  	[hbm4b:s10+s26] =	stream.linear.scatter @!p1 [tilespmem:s8], [sflag:$0x12], $0x80, $0x38;
	[tilespmem:$0x10400] =	vst v63  }
0x22c: {  	s30 =	sadd.s32 @!p1 $0x310, s7;
	s8 =	simm.s32 @!p1 $0x1000;
	s10 =	sadd.s32 @!p1 $0x290, s7  }
0x22d: {  	[hbm4b:s9+s26] =	stream.linear.scatter @!p1 [tilespmem:s8], [sflag:$0x12], $0x80, $0x38;
	[tilespmem:$0x10400] =	vst v63  }
0x22e: {  	s7 =	sadd.s32 @!p1 $0x390, s7;
	s8 =	simm.s32 @!p1 $0x1400;
	s21 =	spop (v2sf)  }
0x22f: {  	[hbm4b:s13+s26] =	stream.linear.scatter @!p1 [tilespmem:s8], [sflag:$0x12], $0x80, $0x38;
	[tilespmem:$0x10400] =	vst v63  }
0x230: {  	s8 =	simm.s32 @!p1 $0x1800;
	s13 =	spop (v2sf)  }
0x231: {  	[hbm4b:s10+s26] =	stream.linear.scatter @!p1 [tilespmem:s8], [sflag:$0x12], $0x80, $0x38;
	(v2sf) =	vpush v1, $0xC;
	[tilespmem:$0x10400] =	vst v63  }
0x232: {  	s8 =	simm.s32 @!p1 $0x1C00;
	s10 =	spop (v2sf)  }
0x233: {  	[hbm4b:s30+s26] =	stream.linear.scatter @!p1 [tilespmem:s8], [sflag:$0x12], $0x80, $0x38;
	(v2sf) =	vpush v1, $0xD;
	[tilespmem:$0x10400] =	vst v63  }
0x234: {  	s8 =	simm.s32 @!p1 $0x2000;
	s30 =	simm.s32 @!p1 $0x12;
	s9 =	spop (v2sf)  }
0x235: {  	[hbm4b:s7+s26] =	stream.linear.scatter @!p1 [tilespmem:s8], [sflag:$0x12], $0x80, $0x38;
	(v2sf) =	vpush v1, $0xE;
	[tilespmem:$0x10400] =	vst v63  }
0x236: {  	_ =	swait.ge @!p1 [sflag:s30], $0x400  }
0x237: {  	p2 =	slt.u32 s6, $0x40;
	s8 =	spop (v2sf)  }
0x238: {  	s6 =	sadd.s32 @!p2 s5, s20;
	s7 =	simm.s32 @!p2 $0x400;
	[sflag:s30] =	ssyncset.done @!p1 $0x0;
	(v2sf) =	vpush v1, $0xF  }
0x239: {  	s17 =	simm.s32 @!p2 $0x0;
	s26 =	sadd.s32 @!p2 $0x20, s6;
	[sflag:s30] =	ssyncadd.s32 @!p1 $0xFFFFFC00  }
0x23a: {  	[hbm4b:s26+s17] =	stream.linear.scatter @!p2 [tilespmem:s7], [sflag:$0x12], $0x80, $0x38;
	[tilespmem:$0x10400] =	vst v63  }
0x23b: {  	s30 =	sadd.s32 @!p2 $0x120, s6;
	s7 =	sadd.s32 @!p2 $0xA0, s6;
	s26 =	simm.s32 @!p2 $0x800  }
0x23c: {  	[hbm4b:s7+s17] =	stream.linear.scatter @!p2 [tilespmem:s26], [sflag:$0x12], $0x80, $0x38;
	[tilespmem:$0x10400] =	vst v63  }
0x23d: {  	s18 =	sadd.s32 @!p2 $0x220, s6;
	s7 =	simm.s32 @!p2 $0xC00;
	s26 =	sadd.s32 @!p2 $0x1A0, s6  }
0x23e: {  	[hbm4b:s30+s17] =	stream.linear.scatter @!p2 [tilespmem:s7], [sflag:$0x12], $0x80, $0x38;
	[tilespmem:$0x10400] =	vst v63  }
0x23f: {  	s28 =	sadd.s32 @!p2 $0x320, s6;
	s7 =	simm.s32 @!p2 $0x1000;
	s30 =	sadd.s32 @!p2 $0x2A0, s6  }
0x240: {  	[hbm4b:s26+s17] =	stream.linear.scatter @!p2 [tilespmem:s7], [sflag:$0x12], $0x80, $0x38;
	[tilespmem:$0x10400] =	vst v63  }
0x241: {  	s29 =	sadd.s32 @!p2 $0x3A0, s6;
	s26 =	simm.s32 @!p2 $0x1400;
	s7 =	spop (v2sf)  }
0x242: {  	[hbm4b:s18+s17] =	stream.linear.scatter @!p2 [tilespmem:s26], [sflag:$0x12], $0x80, $0x38;
	[tilespmem:$0x10400] =	vst v63  }
0x243: {  	s18 =	simm.s32 @!p2 $0x1800;
	s6 =	spop (v2sf)  }
0x244: {  	[hbm4b:s30+s17] =	stream.linear.scatter @!p2 [tilespmem:s18], [sflag:$0x12], $0x80, $0x38;
	[tilespmem:$0x10400] =	vst v63  }
0x245: {  	s18 =	simm.s32 @!p2 $0x1C00;
	s26 =	spop (v2sf)  }
0x246: {  	[hbm4b:s28+s17] =	stream.linear.scatter @!p2 [tilespmem:s18], [sflag:$0x12], $0x80, $0x38;
	[tilespmem:$0x10400] =	vst v63  }
0x247: {  	s18 =	simm.s32 @!p2 $0x2000;
	s28 =	simm.s32 @!p2 $0x12;
	s30 =	spop (v2sf)  }
0x248: {  	[hbm4b:s29+s17] =	stream.linear.scatter @!p2 [tilespmem:s18], [sflag:$0x12], $0x80, $0x38;
	[tilespmem:$0x10400] =	vst v63  }
0x249: {  	p1 =	slt.u32 s16, $0x40;
	_ =	swait.ge @!p2 [sflag:s28], $0x400  }
0x24a: {  	s16 =	sadd.s32 @!p1 s5, s20;
	s17 =	simm.s32 @!p1 $0x400;
	[sflag:s28] =	ssyncset.done @!p2 $0x0  }
0x24b: {  	s18 =	sadd.s32 @!p1 $0x30, s16;
	[sflag:s28] =	ssyncadd.s32 @!p2 $0xFFFFFC00;
	s28 =	simm.s32 @!p1 $0x0  }
0x24c: {  	[hbm4b:s18+s28] =	stream.linear.scatter @!p1 [tilespmem:s17], [sflag:$0x12], $0x80, $0x38;
	[tilespmem:$0x10400] =	vst v63  }
0x24d: {  	s29 =	sadd.s32 @!p1 $0x130, s16;
	s17 =	sadd.s32 @!p1 $0xB0, s16;
	s18 =	simm.s32 @!p1 $0x800  }
0x24e: {  	[hbm4b:s17+s28] =	stream.linear.scatter @!p1 [tilespmem:s18], [sflag:$0x12], $0x80, $0x38;
	[tilespmem:$0x10400] =	vst v63  }
0x24f: {  	s31 =	sadd.s32 @!p1 $0x230, s16;
	s17 =	simm.s32 @!p1 $0xC00;
	s18 =	sadd.s32 @!p1 $0x1B0, s16  }
0x250: {  	[hbm4b:s29+s28] =	stream.linear.scatter @!p1 [tilespmem:s17], [sflag:$0x12], $0x80, $0x38;
	[tilespmem:$0x10400] =	vst v63  }
0x251: {  	s1 =	sadd.s32 @!p1 $0x330, s16;
	s17 =	simm.s32 @!p1 $0x1000;
	s29 =	sadd.s32 @!p1 $0x2B0, s16  }
0x252: {  	[hbm4b:s18+s28] =	stream.linear.scatter @!p1 [tilespmem:s17], [sflag:$0x12], $0x80, $0x38;
	[tilespmem:$0x10400] =	vst v63  }
0x253: {  	s16 =	sadd.s32 @!p1 $0x3B0, s16;
	s17 =	simm.s32 @!p1 $0x1400  }
0x254: {  	[hbm4b:s31+s28] =	stream.linear.scatter @!p1 [tilespmem:s17], [sflag:$0x12], $0x80, $0x38;
	[tilespmem:$0x10400] =	vst v63  }
0x255: {  	s17 =	simm.s32 @!p1 $0x1800  }
0x256: {  	[hbm4b:s29+s28] =	stream.linear.scatter @!p1 [tilespmem:s17], [sflag:$0x12], $0x80, $0x38;
	[tilespmem:$0x10400] =	vst v63  }
0x257: {  	s17 =	simm.s32 @!p1 $0x1C00  }
0x258: {  	[hbm4b:s1+s28] =	stream.linear.scatter @!p1 [tilespmem:s17], [sflag:$0x12], $0x80, $0x38;
	[tilespmem:$0x10400] =	vst v63  }
0x259: {  	s1 =	simm.s32 @!p1 $0x2000;
	s17 =	simm.s32 @!p1 $0x12  }
0x25a: {  	[hbm4b:s16+s28] =	stream.linear.scatter @!p1 [tilespmem:s1], [sflag:$0x12], $0x80, $0x38;
	[tilespmem:$0x10400] =	vst v63  }
0x25b: {  	p2 =	slt.u32 s4, $0x40;
	_ =	swait.ge @!p1 [sflag:s17], $0x400  }
0x25c: {  	s4 =	simm.s32 @!p2 $0x400;
	s1 =	sadd.s32 @!p2 s5, s20;
	[sflag:s17] =	ssyncset.done @!p1 $0x0  }
0x25d: {  	s16 =	sadd.s32 @!p2 $0x40, s1;
	[sflag:s17] =	ssyncadd.s32 @!p1 $0xFFFFFC00;
	s17 =	simm.s32 @!p2 $0x0  }
0x25e: {  	[hbm4b:s16+s17] =	stream.linear.scatter @!p2 [tilespmem:s4], [sflag:$0x12], $0x80, $0x38;
	[tilespmem:$0x10400] =	vst v63  }
0x25f: {  	s18 =	sadd.s32 @!p2 $0x140, s1;
	s4 =	sadd.s32 @!p2 $0xC0, s1;
	s16 =	simm.s32 @!p2 $0x800  }
0x260: {  	[hbm4b:s4+s17] =	stream.linear.scatter @!p2 [tilespmem:s16], [sflag:$0x12], $0x80, $0x38;
	[tilespmem:$0x10400] =	vst v63  }
0x261: {  	s28 =	sadd.s32 @!p2 $0x240, s1;
	s4 =	simm.s32 @!p2 $0xC00;
	s16 =	sadd.s32 @!p2 $0x1C0, s1  }
0x262: {  	[hbm4b:s18+s17] =	stream.linear.scatter @!p2 [tilespmem:s4], [sflag:$0x12], $0x80, $0x38;
	[tilespmem:$0x10400] =	vst v63  }
0x263: {  	s29 =	sadd.s32 @!p2 $0x340, s1;
	s4 =	simm.s32 @!p2 $0x1000;
	s18 =	sadd.s32 @!p2 $0x2C0, s1  }
0x264: {  	[hbm4b:s16+s17] =	stream.linear.scatter @!p2 [tilespmem:s4], [sflag:$0x12], $0x80, $0x38;
	[tilespmem:$0x10400] =	vst v63  }
0x265: {  	s1 =	sadd.s32 @!p2 $0x3C0, s1;
	s4 =	simm.s32 @!p2 $0x1400  }
0x266: {  	[hbm4b:s28+s17] =	stream.linear.scatter @!p2 [tilespmem:s4], [sflag:$0x12], $0x80, $0x38;
	[tilespmem:$0x10400] =	vst v63  }
0x267: {  	s4 =	simm.s32 @!p2 $0x1800  }
0x268: {  	[hbm4b:s18+s17] =	stream.linear.scatter @!p2 [tilespmem:s4], [sflag:$0x12], $0x80, $0x38;
	[tilespmem:$0x10400] =	vst v63  }
0x269: {  	s4 =	simm.s32 @!p2 $0x1C00  }
0x26a: {  	[hbm4b:s29+s17] =	stream.linear.scatter @!p2 [tilespmem:s4], [sflag:$0x12], $0x80, $0x38;
	[tilespmem:$0x10400] =	vst v63  }
0x26b: {  	s16 =	simm.s32 @!p2 $0x12;
	s4 =	simm.s32 @!p2 $0x2000  }
0x26c: {  	[hbm4b:s1+s17] =	stream.linear.scatter @!p2 [tilespmem:s4], [sflag:$0x12], $0x80, $0x38;
	[tilespmem:$0x10400] =	vst v63  }
0x26d: {  	p1 =	slt.u32 s25, $0x40;
	_ =	swait.ge @!p2 [sflag:s16], $0x400  }
0x26e: {  	s1 =	sadd.s32 @!p1 s5, s20;
	s4 =	simm.s32 @!p1 $0x400;
	[sflag:s16] =	ssyncset.done @!p2 $0x0  }
0x26f: {  	s17 =	simm.s32 @!p1 $0x0;
	[sflag:s16] =	ssyncadd.s32 @!p2 $0xFFFFFC00;
	s16 =	sadd.s32 @!p1 $0x50, s1  }
0x270: {  	[hbm4b:s16+s17] =	stream.linear.scatter @!p1 [tilespmem:s4], [sflag:$0x12], $0x80, $0x38;
	[tilespmem:$0x10400] =	vst v63  }
0x271: {  	s18 =	sadd.s32 @!p1 $0x150, s1;
	s4 =	sadd.s32 @!p1 $0xD0, s1;
	s16 =	simm.s32 @!p1 $0x800  }
0x272: {  	[hbm4b:s4+s17] =	stream.linear.scatter @!p1 [tilespmem:s16], [sflag:$0x12], $0x80, $0x38;
	[tilespmem:$0x10400] =	vst v63  }
0x273: {  	s25 =	sadd.s32 @!p1 $0x250, s1;
	s4 =	simm.s32 @!p1 $0xC00;
	s16 =	sadd.s32 @!p1 $0x1D0, s1  }
0x274: {  	[hbm4b:s18+s17] =	stream.linear.scatter @!p1 [tilespmem:s4], [sflag:$0x12], $0x80, $0x38;
	[tilespmem:$0x10400] =	vst v63  }
0x275: {  	s28 =	sadd.s32 @!p1 $0x350, s1;
	s4 =	simm.s32 @!p1 $0x1000;
	s18 =	sadd.s32 @!p1 $0x2D0, s1  }
0x276: {  	[hbm4b:s16+s17] =	stream.linear.scatter @!p1 [tilespmem:s4], [sflag:$0x12], $0x80, $0x38;
	[tilespmem:$0x10400] =	vst v63  }
0x277: {  	s1 =	sadd.s32 @!p1 $0x3D0, s1;
	s4 =	simm.s32 @!p1 $0x1400  }
0x278: {  	[hbm4b:s25+s17] =	stream.linear.scatter @!p1 [tilespmem:s4], [sflag:$0x12], $0x80, $0x38;
	[tilespmem:$0x10400] =	vst v63  }
0x279: {  	s4 =	simm.s32 @!p1 $0x1800  }
0x27a: {  	[hbm4b:s18+s17] =	stream.linear.scatter @!p1 [tilespmem:s4], [sflag:$0x12], $0x80, $0x38;
	[tilespmem:$0x10400] =	vst v63  }
0x27b: {  	s4 =	simm.s32 @!p1 $0x1C00  }
0x27c: {  	[hbm4b:s28+s17] =	stream.linear.scatter @!p1 [tilespmem:s4], [sflag:$0x12], $0x80, $0x38;
	[tilespmem:$0x10400] =	vst v63  }
0x27d: {  	s16 =	simm.s32 @!p1 $0x12;
	s4 =	simm.s32 @!p1 $0x2000  }
0x27e: {  	[hbm4b:s1+s17] =	stream.linear.scatter @!p1 [tilespmem:s4], [sflag:$0x12], $0x80, $0x38;
	[tilespmem:$0x10400] =	vst v63  }
0x27f: {  	p2 =	slt.u32 s23, $0x40;
	_ =	swait.ge @!p1 [sflag:s16], $0x400  }
0x280: {  	s1 =	sadd.s32 @!p2 s5, s20;
	s4 =	simm.s32 @!p2 $0x400;
	[sflag:s16] =	ssyncset.done @!p1 $0x0  }
0x281: {  	s17 =	simm.s32 @!p2 $0x0;
	[sflag:s16] =	ssyncadd.s32 @!p1 $0xFFFFFC00;
	s16 =	sadd.s32 @!p2 $0x60, s1  }
0x282: {  	[hbm4b:s16+s17] =	stream.linear.scatter @!p2 [tilespmem:s4], [sflag:$0x12], $0x80, $0x38;
	[tilespmem:$0x10400] =	vst v63  }
0x283: {  	s18 =	sadd.s32 @!p2 $0x160, s1;
	s4 =	sadd.s32 @!p2 $0xE0, s1;
	s16 =	simm.s32 @!p2 $0x800  }
0x284: {  	[hbm4b:s4+s17] =	stream.linear.scatter @!p2 [tilespmem:s16], [sflag:$0x12], $0x80, $0x38;
	[tilespmem:$0x10400] =	vst v63  }
0x285: {  	s23 =	sadd.s32 @!p2 $0x260, s1;
	s4 =	simm.s32 @!p2 $0xC00;
	s16 =	sadd.s32 @!p2 $0x1E0, s1  }
0x286: {  	[hbm4b:s18+s17] =	stream.linear.scatter @!p2 [tilespmem:s4], [sflag:$0x12], $0x80, $0x38;
	[tilespmem:$0x10400] =	vst v63  }
0x287: {  	s25 =	sadd.s32 @!p2 $0x360, s1;
	s4 =	simm.s32 @!p2 $0x1000;
	s18 =	sadd.s32 @!p2 $0x2E0, s1  }
0x288: {  	[hbm4b:s16+s17] =	stream.linear.scatter @!p2 [tilespmem:s4], [sflag:$0x12], $0x80, $0x38;
	[tilespmem:$0x10400] =	vst v63  }
0x289: {  	s1 =	sadd.s32 @!p2 $0x3E0, s1;
	s4 =	simm.s32 @!p2 $0x1400  }
0x28a: {  	[hbm4b:s23+s17] =	stream.linear.scatter @!p2 [tilespmem:s4], [sflag:$0x12], $0x80, $0x38;
	[tilespmem:$0x10400] =	vst v63  }
0x28b: {  	s4 =	simm.s32 @!p2 $0x1800  }
0x28c: {  	[hbm4b:s18+s17] =	stream.linear.scatter @!p2 [tilespmem:s4], [sflag:$0x12], $0x80, $0x38;
	[tilespmem:$0x10400] =	vst v63  }
0x28d: {  	s4 =	simm.s32 @!p2 $0x1C00  }
0x28e: {  	[hbm4b:s25+s17] =	stream.linear.scatter @!p2 [tilespmem:s4], [sflag:$0x12], $0x80, $0x38;
	[tilespmem:$0x10400] =	vst v63  }
0x28f: {  	s16 =	simm.s32 @!p2 $0x12;
	s4 =	simm.s32 @!p2 $0x2000  }
0x290: {  	[hbm4b:s1+s17] =	stream.linear.scatter @!p2 [tilespmem:s4], [sflag:$0x12], $0x80, $0x38;
	[tilespmem:$0x10400] =	vst v63  }
0x291: {  	p1 =	slt.u32 s21, $0x40;
	_ =	swait.ge @!p2 [sflag:s16], $0x400  }
0x292: {  	s1 =	sadd.s32 @!p1 s5, s20;
	s4 =	simm.s32 @!p1 $0x400;
	[sflag:s16] =	ssyncset.done @!p2 $0x0  }
0x293: {  	s17 =	simm.s32 @!p1 $0x0;
	[sflag:s16] =	ssyncadd.s32 @!p2 $0xFFFFFC00;
	s16 =	sadd.s32 @!p1 $0x70, s1  }
0x294: {  	[hbm4b:s16+s17] =	stream.linear.scatter @!p1 [tilespmem:s4], [sflag:$0x12], $0x80, $0x38;
	[tilespmem:$0x10400] =	vst v63  }
0x295: {  	s18 =	sadd.s32 @!p1 $0x170, s1;
	s4 =	sadd.s32 @!p1 $0xF0, s1;
	s16 =	simm.s32 @!p1 $0x800  }
0x296: {  	[hbm4b:s4+s17] =	stream.linear.scatter @!p1 [tilespmem:s16], [sflag:$0x12], $0x80, $0x38;
	[tilespmem:$0x10400] =	vst v63  }
0x297: {  	s21 =	sadd.s32 @!p1 $0x270, s1;
	s4 =	simm.s32 @!p1 $0xC00;
	s16 =	sadd.s32 @!p1 $0x1F0, s1  }
0x298: {  	[hbm4b:s18+s17] =	stream.linear.scatter @!p1 [tilespmem:s4], [sflag:$0x12], $0x80, $0x38;
	[tilespmem:$0x10400] =	vst v63  }
0x299: {  	s23 =	sadd.s32 @!p1 $0x370, s1;
	s4 =	simm.s32 @!p1 $0x1000;
	s18 =	sadd.s32 @!p1 $0x2F0, s1  }
0x29a: {  	[hbm4b:s16+s17] =	stream.linear.scatter @!p1 [tilespmem:s4], [sflag:$0x12], $0x80, $0x38;
	[tilespmem:$0x10400] =	vst v63  }
0x29b: {  	s1 =	sadd.s32 @!p1 $0x3F0, s1;
	s4 =	simm.s32 @!p1 $0x1400  }
0x29c: {  	[hbm4b:s21+s17] =	stream.linear.scatter @!p1 [tilespmem:s4], [sflag:$0x12], $0x80, $0x38;
	[tilespmem:$0x10400] =	vst v63  }
0x29d: {  	s4 =	simm.s32 @!p1 $0x1800  }
0x29e: {  	[hbm4b:s18+s17] =	stream.linear.scatter @!p1 [tilespmem:s4], [sflag:$0x12], $0x80, $0x38;
	[tilespmem:$0x10400] =	vst v63  }
0x29f: {  	s4 =	simm.s32 @!p1 $0x1C00  }
0x2a0: {  	[hbm4b:s23+s17] =	stream.linear.scatter @!p1 [tilespmem:s4], [sflag:$0x12], $0x80, $0x38;
	[tilespmem:$0x10400] =	vst v63  }
0x2a1: {  	s16 =	simm.s32 @!p1 $0x12;
	s4 =	simm.s32 @!p1 $0x2000  }
0x2a2: {  	[hbm4b:s1+s17] =	stream.linear.scatter @!p1 [tilespmem:s4], [sflag:$0x12], $0x80, $0x38;
	[tilespmem:$0x10400] =	vst v63  }
0x2a3: {  	p2 =	slt.u32 s13, $0x40;
	_ =	swait.ge @!p1 [sflag:s16], $0x400  }
0x2a4: {  	s1 =	sadd.s32 @!p2 s5, s20;
	s4 =	simm.s32 @!p2 $0x400;
	[sflag:s16] =	ssyncset.done @!p1 $0x0  }
0x2a5: {  	s13 =	sadd.s32 @!p2 $0x400, s1;
	[sflag:s16] =	ssyncadd.s32 @!p1 $0xFFFFFC00;
	s16 =	simm.s32 @!p2 $0x0  }
0x2a6: {  	[hbm4b:s13+s16] =	stream.linear.scatter @!p2 [tilespmem:s4], [sflag:$0x12], $0x80, $0x38;
	[tilespmem:$0x10400] =	vst v63  }
0x2a7: {  	s17 =	sadd.s32 @!p2 $0x500, s1;
	s4 =	sadd.s32 @!p2 $0x480, s1;
	s13 =	simm.s32 @!p2 $0x800  }
0x2a8: {  	[hbm4b:s4+s16] =	stream.linear.scatter @!p2 [tilespmem:s13], [sflag:$0x12], $0x80, $0x38;
	[tilespmem:$0x10400] =	vst v63  }
0x2a9: {  	s18 =	sadd.s32 @!p2 $0x600, s1;
	s4 =	simm.s32 @!p2 $0xC00;
	s13 =	sadd.s32 @!p2 $0x580, s1  }
0x2aa: {  	[hbm4b:s17+s16] =	stream.linear.scatter @!p2 [tilespmem:s4], [sflag:$0x12], $0x80, $0x38;
	[tilespmem:$0x10400] =	vst v63  }
0x2ab: {  	s21 =	sadd.s32 @!p2 $0x700, s1;
	s4 =	simm.s32 @!p2 $0x1000;
	s17 =	sadd.s32 @!p2 $0x680, s1  }
0x2ac: {  	[hbm4b:s13+s16] =	stream.linear.scatter @!p2 [tilespmem:s4], [sflag:$0x12], $0x80, $0x38;
	[tilespmem:$0x10400] =	vst v63  }
0x2ad: {  	s1 =	sadd.s32 @!p2 $0x780, s1;
	s4 =	simm.s32 @!p2 $0x1400  }
0x2ae: {  	[hbm4b:s18+s16] =	stream.linear.scatter @!p2 [tilespmem:s4], [sflag:$0x12], $0x80, $0x38;
	[tilespmem:$0x10400] =	vst v63  }
0x2af: {  	s4 =	simm.s32 @!p2 $0x1800  }
0x2b0: {  	[hbm4b:s17+s16] =	stream.linear.scatter @!p2 [tilespmem:s4], [sflag:$0x12], $0x80, $0x38;
	[tilespmem:$0x10400] =	vst v63  }
0x2b1: {  	s4 =	simm.s32 @!p2 $0x1C00  }
0x2b2: {  	[hbm4b:s21+s16] =	stream.linear.scatter @!p2 [tilespmem:s4], [sflag:$0x12], $0x80, $0x38;
	[tilespmem:$0x10400] =	vst v63  }
0x2b3: {  	s13 =	simm.s32 @!p2 $0x12;
	s4 =	simm.s32 @!p2 $0x2000  }
0x2b4: {  	[hbm4b:s1+s16] =	stream.linear.scatter @!p2 [tilespmem:s4], [sflag:$0x12], $0x80, $0x38;
	[tilespmem:$0x10400] =	vst v63  }
0x2b5: {  	p1 =	slt.u32 s10, $0x40;
	_ =	swait.ge @!p2 [sflag:s13], $0x400  }
0x2b6: {  	s1 =	sadd.s32 @!p1 s5, s20;
	s4 =	simm.s32 @!p1 $0x400;
	[sflag:s13] =	ssyncset.done @!p2 $0x0  }
0x2b7: {  	s10 =	sadd.s32 @!p1 $0x410, s1;
	[sflag:s13] =	ssyncadd.s32 @!p2 $0xFFFFFC00;
	s13 =	simm.s32 @!p1 $0x0  }
0x2b8: {  	[hbm4b:s10+s13] =	stream.linear.scatter @!p1 [tilespmem:s4], [sflag:$0x12], $0x80, $0x38;
	[tilespmem:$0x10400] =	vst v63  }
0x2b9: {  	s16 =	sadd.s32 @!p1 $0x510, s1;
	s4 =	sadd.s32 @!p1 $0x490, s1;
	s10 =	simm.s32 @!p1 $0x800  }
0x2ba: {  	[hbm4b:s4+s13] =	stream.linear.scatter @!p1 [tilespmem:s10], [sflag:$0x12], $0x80, $0x38;
	[tilespmem:$0x10400] =	vst v63  }
0x2bb: {  	s17 =	sadd.s32 @!p1 $0x610, s1;
	s4 =	simm.s32 @!p1 $0xC00;
	s10 =	sadd.s32 @!p1 $0x590, s1  }
0x2bc: {  	[hbm4b:s16+s13] =	stream.linear.scatter @!p1 [tilespmem:s4], [sflag:$0x12], $0x80, $0x38;
	[tilespmem:$0x10400] =	vst v63  }
0x2bd: {  	s18 =	sadd.s32 @!p1 $0x710, s1;
	s4 =	simm.s32 @!p1 $0x1000;
	s16 =	sadd.s32 @!p1 $0x690, s1  }
0x2be: {  	[hbm4b:s10+s13] =	stream.linear.scatter @!p1 [tilespmem:s4], [sflag:$0x12], $0x80, $0x38;
	[tilespmem:$0x10400] =	vst v63  }
0x2bf: {  	s1 =	sadd.s32 @!p1 $0x790, s1;
	s4 =	simm.s32 @!p1 $0x1400  }
0x2c0: {  	[hbm4b:s17+s13] =	stream.linear.scatter @!p1 [tilespmem:s4], [sflag:$0x12], $0x80, $0x38;
	[tilespmem:$0x10400] =	vst v63  }
0x2c1: {  	s4 =	simm.s32 @!p1 $0x1800  }
0x2c2: {  	[hbm4b:s16+s13] =	stream.linear.scatter @!p1 [tilespmem:s4], [sflag:$0x12], $0x80, $0x38;
	[tilespmem:$0x10400] =	vst v63  }
0x2c3: {  	s4 =	simm.s32 @!p1 $0x1C00  }
0x2c4: {  	[hbm4b:s18+s13] =	stream.linear.scatter @!p1 [tilespmem:s4], [sflag:$0x12], $0x80, $0x38;
	[tilespmem:$0x10400] =	vst v63  }
0x2c5: {  	s10 =	simm.s32 @!p1 $0x12;
	s4 =	simm.s32 @!p1 $0x2000  }
0x2c6: {  	[hbm4b:s1+s13] =	stream.linear.scatter @!p1 [tilespmem:s4], [sflag:$0x12], $0x80, $0x38;
	[tilespmem:$0x10400] =	vst v63  }
0x2c7: {  	p2 =	slt.u32 s9, $0x40;
	_ =	swait.ge @!p1 [sflag:s10], $0x400  }
0x2c8: {  	s1 =	sadd.s32 @!p2 s5, s20;
	s4 =	simm.s32 @!p2 $0x400;
	[sflag:s10] =	ssyncset.done @!p1 $0x0  }
0x2c9: {  	s9 =	sadd.s32 @!p2 $0x420, s1;
	[sflag:s10] =	ssyncadd.s32 @!p1 $0xFFFFFC00;
	s10 =	simm.s32 @!p2 $0x0  }
0x2ca: {  	[hbm4b:s9+s10] =	stream.linear.scatter @!p2 [tilespmem:s4], [sflag:$0x12], $0x80, $0x38;
	[tilespmem:$0x10400] =	vst v63  }
0x2cb: {  	s13 =	sadd.s32 @!p2 $0x520, s1;
	s4 =	sadd.s32 @!p2 $0x4A0, s1;
	s9 =	simm.s32 @!p2 $0x800  }
0x2cc: {  	[hbm4b:s4+s10] =	stream.linear.scatter @!p2 [tilespmem:s9], [sflag:$0x12], $0x80, $0x38;
	[tilespmem:$0x10400] =	vst v63  }
0x2cd: {  	s16 =	sadd.s32 @!p2 $0x620, s1;
	s4 =	simm.s32 @!p2 $0xC00;
	s9 =	sadd.s32 @!p2 $0x5A0, s1  }
0x2ce: {  	[hbm4b:s13+s10] =	stream.linear.scatter @!p2 [tilespmem:s4], [sflag:$0x12], $0x80, $0x38;
	[tilespmem:$0x10400] =	vst v63  }
0x2cf: {  	s17 =	sadd.s32 @!p2 $0x720, s1;
	s4 =	simm.s32 @!p2 $0x1000;
	s13 =	sadd.s32 @!p2 $0x6A0, s1  }
0x2d0: {  	[hbm4b:s9+s10] =	stream.linear.scatter @!p2 [tilespmem:s4], [sflag:$0x12], $0x80, $0x38;
	[tilespmem:$0x10400] =	vst v63  }
0x2d1: {  	s1 =	sadd.s32 @!p2 $0x7A0, s1;
	s4 =	simm.s32 @!p2 $0x1400  }
0x2d2: {  	[hbm4b:s16+s10] =	stream.linear.scatter @!p2 [tilespmem:s4], [sflag:$0x12], $0x80, $0x38;
	[tilespmem:$0x10400] =	vst v63  }
0x2d3: {  	s4 =	simm.s32 @!p2 $0x1800  }
0x2d4: {  	[hbm4b:s13+s10] =	stream.linear.scatter @!p2 [tilespmem:s4], [sflag:$0x12], $0x80, $0x38;
	[tilespmem:$0x10400] =	vst v63  }
0x2d5: {  	s4 =	simm.s32 @!p2 $0x1C00  }
0x2d6: {  	[hbm4b:s17+s10] =	stream.linear.scatter @!p2 [tilespmem:s4], [sflag:$0x12], $0x80, $0x38;
	[tilespmem:$0x10400] =	vst v63  }
0x2d7: {  	s9 =	simm.s32 @!p2 $0x12;
	s4 =	simm.s32 @!p2 $0x2000  }
0x2d8: {  	[hbm4b:s1+s10] =	stream.linear.scatter @!p2 [tilespmem:s4], [sflag:$0x12], $0x80, $0x38;
	[tilespmem:$0x10400] =	vst v63  }
0x2d9: {  	p1 =	slt.u32 s8, $0x40;
	_ =	swait.ge @!p2 [sflag:s9], $0x400  }
0x2da: {  	s1 =	sadd.s32 @!p1 s5, s20;
	s4 =	simm.s32 @!p1 $0x400;
	[sflag:s9] =	ssyncset.done @!p2 $0x0  }
0x2db: {  	s8 =	sadd.s32 @!p1 $0x430, s1;
	[sflag:s9] =	ssyncadd.s32 @!p2 $0xFFFFFC00;
	s9 =	simm.s32 @!p1 $0x0  }
0x2dc: {  	[hbm4b:s8+s9] =	stream.linear.scatter @!p1 [tilespmem:s4], [sflag:$0x12], $0x80, $0x38;
	[tilespmem:$0x10400] =	vst v63  }
0x2dd: {  	s10 =	sadd.s32 @!p1 $0x530, s1;
	s4 =	sadd.s32 @!p1 $0x4B0, s1;
	s8 =	simm.s32 @!p1 $0x800  }
0x2de: {  	[hbm4b:s4+s9] =	stream.linear.scatter @!p1 [tilespmem:s8], [sflag:$0x12], $0x80, $0x38;
	[tilespmem:$0x10400] =	vst v63  }
0x2df: {  	s13 =	sadd.s32 @!p1 $0x630, s1;
	s4 =	simm.s32 @!p1 $0xC00;
	s8 =	sadd.s32 @!p1 $0x5B0, s1  }
0x2e0: {  	[hbm4b:s10+s9] =	stream.linear.scatter @!p1 [tilespmem:s4], [sflag:$0x12], $0x80, $0x38;
	[tilespmem:$0x10400] =	vst v63  }
0x2e1: {  	s16 =	sadd.s32 @!p1 $0x730, s1;
	s4 =	simm.s32 @!p1 $0x1000;
	s10 =	sadd.s32 @!p1 $0x6B0, s1  }
0x2e2: {  	[hbm4b:s8+s9] =	stream.linear.scatter @!p1 [tilespmem:s4], [sflag:$0x12], $0x80, $0x38;
	[tilespmem:$0x10400] =	vst v63  }
0x2e3: {  	s1 =	sadd.s32 @!p1 $0x7B0, s1;
	s4 =	simm.s32 @!p1 $0x1400  }
0x2e4: {  	[hbm4b:s13+s9] =	stream.linear.scatter @!p1 [tilespmem:s4], [sflag:$0x12], $0x80, $0x38;
	[tilespmem:$0x10400] =	vst v63  }
0x2e5: {  	s4 =	simm.s32 @!p1 $0x1800  }
0x2e6: {  	[hbm4b:s10+s9] =	stream.linear.scatter @!p1 [tilespmem:s4], [sflag:$0x12], $0x80, $0x38;
	[tilespmem:$0x10400] =	vst v63  }
0x2e7: {  	s4 =	simm.s32 @!p1 $0x1C00  }
0x2e8: {  	[hbm4b:s16+s9] =	stream.linear.scatter @!p1 [tilespmem:s4], [sflag:$0x12], $0x80, $0x38;
	[tilespmem:$0x10400] =	vst v63  }
0x2e9: {  	s8 =	simm.s32 @!p1 $0x12;
	s4 =	simm.s32 @!p1 $0x2000  }
0x2ea: {  	[hbm4b:s1+s9] =	stream.linear.scatter @!p1 [tilespmem:s4], [sflag:$0x12], $0x80, $0x38;
	[tilespmem:$0x10400] =	vst v63  }
0x2eb: {  	p2 =	slt.u32 s7, $0x40;
	_ =	swait.ge @!p1 [sflag:s8], $0x400  }
0x2ec: {  	s1 =	sadd.s32 @!p2 s5, s20;
	s4 =	simm.s32 @!p2 $0x400;
	[sflag:s8] =	ssyncset.done @!p1 $0x0  }
0x2ed: {  	s7 =	sadd.s32 @!p2 $0x440, s1;
	[sflag:s8] =	ssyncadd.s32 @!p1 $0xFFFFFC00;
	s8 =	simm.s32 @!p2 $0x0  }
0x2ee: {  	[hbm4b:s7+s8] =	stream.linear.scatter @!p2 [tilespmem:s4], [sflag:$0x12], $0x80, $0x38;
	[tilespmem:$0x10400] =	vst v63  }
0x2ef: {  	s9 =	sadd.s32 @!p2 $0x540, s1;
	s4 =	sadd.s32 @!p2 $0x4C0, s1;
	s7 =	simm.s32 @!p2 $0x800  }
0x2f0: {  	[hbm4b:s4+s8] =	stream.linear.scatter @!p2 [tilespmem:s7], [sflag:$0x12], $0x80, $0x38;
	[tilespmem:$0x10400] =	vst v63  }
0x2f1: {  	s10 =	sadd.s32 @!p2 $0x640, s1;
	s4 =	simm.s32 @!p2 $0xC00;
	s7 =	sadd.s32 @!p2 $0x5C0, s1  }
0x2f2: {  	[hbm4b:s9+s8] =	stream.linear.scatter @!p2 [tilespmem:s4], [sflag:$0x12], $0x80, $0x38;
	[tilespmem:$0x10400] =	vst v63  }
0x2f3: {  	s13 =	sadd.s32 @!p2 $0x740, s1;
	s4 =	simm.s32 @!p2 $0x1000;
	s9 =	sadd.s32 @!p2 $0x6C0, s1  }
0x2f4: {  	[hbm4b:s7+s8] =	stream.linear.scatter @!p2 [tilespmem:s4], [sflag:$0x12], $0x80, $0x38;
	[tilespmem:$0x10400] =	vst v63  }
0x2f5: {  	s1 =	sadd.s32 @!p2 $0x7C0, s1;
	s4 =	simm.s32 @!p2 $0x1400  }
0x2f6: {  	[hbm4b:s10+s8] =	stream.linear.scatter @!p2 [tilespmem:s4], [sflag:$0x12], $0x80, $0x38;
	[tilespmem:$0x10400] =	vst v63  }
0x2f7: {  	s4 =	simm.s32 @!p2 $0x1800  }
0x2f8: {  	[hbm4b:s9+s8] =	stream.linear.scatter @!p2 [tilespmem:s4], [sflag:$0x12], $0x80, $0x38;
	[tilespmem:$0x10400] =	vst v63  }
0x2f9: {  	s4 =	simm.s32 @!p2 $0x1C00  }
0x2fa: {  	[hbm4b:s13+s8] =	stream.linear.scatter @!p2 [tilespmem:s4], [sflag:$0x12], $0x80, $0x38;
	[tilespmem:$0x10400] =	vst v63  }
0x2fb: {  	s7 =	simm.s32 @!p2 $0x12;
	s4 =	simm.s32 @!p2 $0x2000  }
0x2fc: {  	[hbm4b:s1+s8] =	stream.linear.scatter @!p2 [tilespmem:s4], [sflag:$0x12], $0x80, $0x38;
	[tilespmem:$0x10400] =	vst v63  }
0x2fd: {  	p1 =	slt.u32 s6, $0x40;
	_ =	swait.ge @!p2 [sflag:s7], $0x400  }
0x2fe: {  	s1 =	sadd.s32 @!p1 s5, s20;
	s4 =	simm.s32 @!p1 $0x400;
	[sflag:s7] =	ssyncset.done @!p2 $0x0  }
0x2ff: {  	s6 =	sadd.s32 @!p1 $0x450, s1;
	[sflag:s7] =	ssyncadd.s32 @!p2 $0xFFFFFC00;
	s7 =	simm.s32 @!p1 $0x0  }
0x300: {  	[hbm4b:s6+s7] =	stream.linear.scatter @!p1 [tilespmem:s4], [sflag:$0x12], $0x80, $0x38;
	[tilespmem:$0x10400] =	vst v63  }
0x301: {  	s8 =	sadd.s32 @!p1 $0x550, s1;
	s4 =	sadd.s32 @!p1 $0x4D0, s1;
	s6 =	simm.s32 @!p1 $0x800  }
0x302: {  	[hbm4b:s4+s7] =	stream.linear.scatter @!p1 [tilespmem:s6], [sflag:$0x12], $0x80, $0x38;
	[tilespmem:$0x10400] =	vst v63  }
0x303: {  	s9 =	sadd.s32 @!p1 $0x650, s1;
	s4 =	simm.s32 @!p1 $0xC00;
	s6 =	sadd.s32 @!p1 $0x5D0, s1  }
0x304: {  	[hbm4b:s8+s7] =	stream.linear.scatter @!p1 [tilespmem:s4], [sflag:$0x12], $0x80, $0x38;
	[tilespmem:$0x10400] =	vst v63  }
0x305: {  	s10 =	sadd.s32 @!p1 $0x750, s1;
	s4 =	simm.s32 @!p1 $0x1000;
	s8 =	sadd.s32 @!p1 $0x6D0, s1  }
0x306: {  	[hbm4b:s6+s7] =	stream.linear.scatter @!p1 [tilespmem:s4], [sflag:$0x12], $0x80, $0x38;
	[tilespmem:$0x10400] =	vst v63  }
0x307: {  	s1 =	sadd.s32 @!p1 $0x7D0, s1;
	s4 =	simm.s32 @!p1 $0x1400  }
0x308: {  	[hbm4b:s9+s7] =	stream.linear.scatter @!p1 [tilespmem:s4], [sflag:$0x12], $0x80, $0x38;
	[tilespmem:$0x10400] =	vst v63  }
0x309: {  	s4 =	simm.s32 @!p1 $0x1800  }
0x30a: {  	[hbm4b:s8+s7] =	stream.linear.scatter @!p1 [tilespmem:s4], [sflag:$0x12], $0x80, $0x38;
	[tilespmem:$0x10400] =	vst v63  }
0x30b: {  	s4 =	simm.s32 @!p1 $0x1C00  }
0x30c: {  	[hbm4b:s10+s7] =	stream.linear.scatter @!p1 [tilespmem:s4], [sflag:$0x12], $0x80, $0x38;
	[tilespmem:$0x10400] =	vst v63  }
0x30d: {  	s6 =	simm.s32 @!p1 $0x12;
	s4 =	simm.s32 @!p1 $0x2000  }
0x30e: {  	[hbm4b:s1+s7] =	stream.linear.scatter @!p1 [tilespmem:s4], [sflag:$0x12], $0x80, $0x38;
	[tilespmem:$0x10400] =	vst v63  }
0x30f: {  	p2 =	slt.u32 s26, $0x40;
	_ =	swait.ge @!p1 [sflag:s6], $0x400  }
0x310: {  	s1 =	sadd.s32 @!p2 s5, s20;
	s4 =	simm.s32 @!p2 $0x400;
	[sflag:s6] =	ssyncset.done @!p1 $0x0  }
0x311: {  	s7 =	simm.s32 @!p2 $0x0;
	[sflag:s6] =	ssyncadd.s32 @!p1 $0xFFFFFC00;
	s6 =	sadd.s32 @!p2 $0x460, s1  }
0x312: {  	[hbm4b:s6+s7] =	stream.linear.scatter @!p2 [tilespmem:s4], [sflag:$0x12], $0x80, $0x38;
	[tilespmem:$0x10400] =	vst v63  }
0x313: {  	s8 =	sadd.s32 @!p2 $0x560, s1;
	s4 =	sadd.s32 @!p2 $0x4E0, s1;
	s6 =	simm.s32 @!p2 $0x800  }
0x314: {  	[hbm4b:s4+s7] =	stream.linear.scatter @!p2 [tilespmem:s6], [sflag:$0x12], $0x80, $0x38;
	[tilespmem:$0x10400] =	vst v63  }
0x315: {  	s9 =	sadd.s32 @!p2 $0x660, s1;
	s4 =	simm.s32 @!p2 $0xC00;
	s6 =	sadd.s32 @!p2 $0x5E0, s1  }
0x316: {  	[hbm4b:s8+s7] =	stream.linear.scatter @!p2 [tilespmem:s4], [sflag:$0x12], $0x80, $0x38;
	[tilespmem:$0x10400] =	vst v63  }
0x317: {  	s10 =	sadd.s32 @!p2 $0x760, s1;
	s4 =	simm.s32 @!p2 $0x1000;
	s8 =	sadd.s32 @!p2 $0x6E0, s1  }
0x318: {  	[hbm4b:s6+s7] =	stream.linear.scatter @!p2 [tilespmem:s4], [sflag:$0x12], $0x80, $0x38;
	[tilespmem:$0x10400] =	vst v63  }
0x319: {  	s1 =	sadd.s32 @!p2 $0x7E0, s1;
	s4 =	simm.s32 @!p2 $0x1400  }
0x31a: {  	[hbm4b:s9+s7] =	stream.linear.scatter @!p2 [tilespmem:s4], [sflag:$0x12], $0x80, $0x38;
	[tilespmem:$0x10400] =	vst v63  }
0x31b: {  	s4 =	simm.s32 @!p2 $0x1800  }
0x31c: {  	[hbm4b:s8+s7] =	stream.linear.scatter @!p2 [tilespmem:s4], [sflag:$0x12], $0x80, $0x38;
	[tilespmem:$0x10400] =	vst v63  }
0x31d: {  	s4 =	simm.s32 @!p2 $0x1C00  }
0x31e: {  	[hbm4b:s10+s7] =	stream.linear.scatter @!p2 [tilespmem:s4], [sflag:$0x12], $0x80, $0x38;
	[tilespmem:$0x10400] =	vst v63  }
0x31f: {  	s6 =	simm.s32 @!p2 $0x12;
	s4 =	simm.s32 @!p2 $0x2000  }
0x320: {  	[hbm4b:s1+s7] =	stream.linear.scatter @!p2 [tilespmem:s4], [sflag:$0x12], $0x80, $0x38;
	[tilespmem:$0x10400] =	vst v63  }
0x321: {  	p1 =	slt.u32 s30, $0x40;
	_ =	swait.ge @!p2 [sflag:s6], $0x400  }
0x322: {  	s1 =	sadd.s32 @!p1 s5, s20;
	s4 =	simm.s32 @!p1 $0x400;
	[sflag:s6] =	ssyncset.done @!p2 $0x0  }
0x323: {  	s5 =	sadd.s32 @!p1 $0x470, s1;
	[sflag:s6] =	ssyncadd.s32 @!p2 $0xFFFFFC00;
	s6 =	simm.s32 @!p1 $0x0  }
0x324: {  	[hbm4b:s5+s6] =	stream.linear.scatter @!p1 [tilespmem:s4], [sflag:$0x11], $0x80, $0x38;
	[tilespmem:$0x10400] =	vst v63  }
0x325: {  	s7 =	sadd.s32 @!p1 $0x570, s1;
	s4 =	sadd.s32 @!p1 $0x4F0, s1;
	s5 =	simm.s32 @!p1 $0x800  }
0x326: {  	[hbm4b:s4+s6] =	stream.linear.scatter @!p1 [tilespmem:s5], [sflag:$0x11], $0x80, $0x38;
	[tilespmem:$0x10400] =	vst v63  }
0x327: {  	s8 =	sadd.s32 @!p1 $0x670, s1;
	s4 =	simm.s32 @!p1 $0xC00;
	s5 =	sadd.s32 @!p1 $0x5F0, s1  }
0x328: {  	[hbm4b:s7+s6] =	stream.linear.scatter @!p1 [tilespmem:s4], [sflag:$0x11], $0x80, $0x38;
	[tilespmem:$0x10400] =	vst v63  }
0x329: {  	s9 =	sadd.s32 @!p1 $0x770, s1;
	s4 =	simm.s32 @!p1 $0x1000;
	s7 =	sadd.s32 @!p1 $0x6F0, s1  }
0x32a: {  	[hbm4b:s5+s6] =	stream.linear.scatter @!p1 [tilespmem:s4], [sflag:$0x11], $0x80, $0x38;
	[tilespmem:$0x10400] =	vst v63  }
0x32b: {  	s1 =	sadd.s32 @!p1 $0x7F0, s1;
	s4 =	simm.s32 @!p1 $0x1400  }
0x32c: {  	[hbm4b:s8+s6] =	stream.linear.scatter @!p1 [tilespmem:s4], [sflag:$0x11], $0x80, $0x38;
	[tilespmem:$0x10400] =	vst v63  }
0x32d: {  	s4 =	simm.s32 @!p1 $0x1800  }
0x32e: {  	[hbm4b:s7+s6] =	stream.linear.scatter @!p1 [tilespmem:s4], [sflag:$0x11], $0x80, $0x38;
	[tilespmem:$0x10400] =	vst v63  }
0x32f: {  	s4 =	simm.s32 @!p1 $0x1C00  }
0x330: {  	[hbm4b:s9+s6] =	stream.linear.scatter @!p1 [tilespmem:s4], [sflag:$0x11], $0x80, $0x38;
	[tilespmem:$0x10400] =	vst v63  }
.Ltmp7:
0x331: {  	_ = 	snop;
	(pc) =	sbr.rel @p0 .LBB2_10-.Ltmp7, $4  }
0x332: {  	s5 =	simm.s32 @!p1 $0x2000;
	s4 =	simm.s32 @!p1 $0x11  }
0x333: {  	[hbm4b:s1+s6] =	stream.linear.scatter @!p1 [tilespmem:s5], [sflag:$0x11], $0x80, $0x38;
	[tilespmem:$0x10400] =	vst v63  }
0x334: {  	_ =	swait.ge @!p1 [sflag:s4], $0x400  }
0x335: {  	[sflag:s4] =	ssyncset.done @!p1 $0x0  }
.Ltmp8:
0x336: {  	_ = 	snop;
	(pc) =	sbr.rel .LBB2_11-.Ltmp8, $1  }
0x337: {  	_ =	sdelay $0x3  }
.LBB2_13:
0x338: {  	_ =	sfence.sel $0x180000  }
0x339: {  	[bflag:$0x0] =	sbarrier.arrive $0xFFFF  }
0x33a: {  	_ =	strace $0x90000047  }
0x33b: {  	s0 =	stileid.u32;
	[bflag:$0x2] =	sbarrier.arrive $0xFFFF  }
0x33c: {  	p0 =	sne.s32 s0, $0x0;
	s0 =	rddreg [dreg:$0x3]  }
0x33d: {  	s0 =	sadd.s32 @!p0 $0x100000, s0  }
0x33e: {  	[sflag:s0] =	ssyncadd.tile.s32 @!p0 $0x1;
	_ =	shalt  }
.Lfunc_end2:
_tile_overlayer_lowered:
.L_overlay_start_2:
0x33f: {  	(tag) =	ssettag $0x2  }
0x340: {  	s0 =	rddreg [dreg:$0x0];
	s2 =	stileid.u32  }
0x341: {  	s1 =	rddreg [dreg:$0x1];
	p0 =	sne.s32 s2, $0x0  }
0x342: {  	s3 =	rddreg [dreg:$0x2];
	[bflag:$0x3] =	sbarrier.arrive $0xFFFF;
	s2 =	simm.s32 @!p0 $0x1C11  }
0x343: {  	[timem:s3], [sflag:s2] =	dma.local @!p0 [hbm:s0], s1  }
0x344: {  	s0 =	simm.s32 @!p0 $0x11  }
0x345: {  	_ =	swait.ge @!p0 [sflag:s0], s1  }
0x346: {  	s1 =	ssub.s32 @!p0 $0x0, s1;
	[sflag:s0] =	ssyncset.done @!p0 $0x0  }
0x347: {  	[sflag:s0] =	ssyncadd.s32 @!p0 s1  }
0x348: {  	[bflag:$0x3] =	sbarrier.arrive $0xFFFF  }
0x349: {  	_ =	shalt  }

</sc_bundles>
